<compile_context>
chip_gen: v7x
topology: tpu7x:2x2x1
jax: 0.10.2.dev20260603
libtpu: 0.0.44.dev20260713+nightly
codegen_flags: <defaults>
</compile_context>

<pallas_src>
import functools

import jax
import jax.numpy as jnp
from jax import lax
from jax.experimental import pallas as pl
from jax.experimental.pallas import tpu as pltpu
from jax.experimental.pallas import tpu_sc as plsc

N = 10000
D = 256
H = 128
E = 160000
K = 128
NCHUNK = E // K
NC = 2
NS = 16
R1 = 624
TAIL = N - NS * R1
NFULL = NCHUNK // NS - (1 if NCHUNK % NS else 0)
NFULL = 78
NTAIL = NCHUNK - NFULL * NS


def _sc_segsum(tab_a, eidx_a, tab_b, eidx_b):
  mesh = plsc.VectorSubcoreMesh(
      core_axis_name="c", subcore_axis_name="s", num_cores=NC,
      num_subcores=NS)

  @functools.partial(
      pl.kernel,
      out_type=[
          jax.ShapeDtypeStruct((NC, N, H), jnp.float32),
          jax.ShapeDtypeStruct((NC, N, H), jnp.float32),
          jax.ShapeDtypeStruct((NS, 1, N), jnp.float32),
          jax.ShapeDtypeStruct((NS, 1, N), jnp.float32),
      ],
      mesh=mesh,
      compiler_params=pltpu.CompilerParams(needs_layout_passes=False),
      scratch_types=[
          pltpu.VMEM((2, K), jnp.int32),
          pltpu.VMEM((2, K), jnp.int32),
          pltpu.VMEM((K, H), jnp.float32),
          pltpu.VMEM((K, H), jnp.float32),
          pltpu.VMEM((N,), jnp.float32),
          pltpu.VMEM_SHARED((N, H), jnp.float32),
          pltpu.SemaphoreType.DMA,
          pltpu.SemaphoreType.DMA,
          pltpu.SemaphoreType.DMA,
          pltpu.SemaphoreType.DMA,
      ],
  )
  def seg_kernel(taba_h, eidxa_h, tabb_h, eidxb_h, zrows_h, zdeg1_h,
                 acca_out, accb_out, dega_out, degb_out,
                 idx_a, idx_b, rows_v, rows_w, deg_t, acc_sh,
                 sem_a, sem_b, sem_ia, sem_ib):
    c = lax.axis_index("c")
    s = lax.axis_index("s")
    r0 = s * R1
    last = s == NS - 1
    nfull = R1 // K
    rem = R1 - nfull * K

    def clear_accumulators():
      for j in range(nfull):
        pltpu.async_copy(rows_v, acc_sh.at[pl.ds(r0 + j * K, K)],
                         sem_ia)
      pltpu.async_copy(rows_v.at[pl.ds(0, rem)],
                       acc_sh.at[pl.ds(r0 + R1 - rem, rem)], sem_ia)

      @pl.when(last)
      def _():
        pltpu.async_copy(rows_v.at[pl.ds(0, TAIL)],
                         acc_sh.at[pl.ds(NS * R1, TAIL)], sem_ia)
        pltpu.make_async_copy(rows_v.at[pl.ds(0, TAIL)],
                              acc_sh.at[pl.ds(NS * R1, TAIL)],
                              sem_ia).wait()

      for j in range(nfull):
        pltpu.make_async_copy(rows_v, acc_sh.at[pl.ds(r0 + j * K, K)],
                              sem_ia).wait()
      pltpu.make_async_copy(rows_v.at[pl.ds(0, rem)],
                            acc_sh.at[pl.ds(r0 + R1 - rem, rem)],
                            sem_ia).wait()

    def run_edges(tab_h, eidx_h, count_core):
      ones16 = jnp.ones((16,), jnp.float32)
      tab_c = tab_h.at[c]

      def start(i, idx2, rows, sem_g):
        pltpu.sync_copy(eidx_h.at[i * NS + s], idx2)
        pltpu.async_copy(tab_c.at[idx2.at[0]], rows, sem_g)

      def finish(idx2, rows, sem_g):
        pltpu.make_async_copy(tab_c.at[idx2.at[0]], rows, sem_g).wait()
        pltpu.sync_copy(rows, acc_sh.at[idx2.at[1]], add=True)

        @pl.when(c == count_core)
        def _():
          for v in range(K // 16):
            dsts = idx2[1, pl.ds(v * 16, 16)]
            plsc.addupdate_scatter(deg_t, [dsts], ones16)

      start(0, idx_a, rows_v, sem_a)
      start(1, idx_b, rows_w, sem_b)

      def pair(i, carry):
        finish(idx_a, rows_v, sem_a)
        start(2 * i + 2, idx_a, rows_v, sem_a)
        finish(idx_b, rows_w, sem_b)
        start(2 * i + 3, idx_b, rows_w, sem_b)
        return carry

      lax.fori_loop(0, NFULL // 2 - 1, pair, 0)
      finish(idx_a, rows_v, sem_a)

      @pl.when(s < NTAIL)
      def _():
        start(NFULL, idx_a, rows_v, sem_a)

      finish(idx_b, rows_w, sem_b)

      @pl.when(s < NTAIL)
      def _():
        finish(idx_a, rows_v, sem_a)

    def write_back(get_dst):
      def wb(j, carry):
        pltpu.sync_copy(acc_sh.at[pl.ds(r0 + j * K, K)], rows_v)
        pltpu.sync_copy(rows_v, get_dst(r0 + j * K, K))
        return carry

      lax.fori_loop(0, nfull, wb, 0)
      pltpu.sync_copy(acc_sh.at[pl.ds(r0 + R1 - rem, rem)],
                      rows_v.at[pl.ds(0, rem)])
      pltpu.sync_copy(rows_v.at[pl.ds(0, rem)],
                      get_dst(r0 + R1 - rem, rem))

      @pl.when(last)
      def _():
        pltpu.sync_copy(acc_sh.at[pl.ds(NS * R1, TAIL)],
                        rows_v.at[pl.ds(rem, TAIL)])
        pltpu.sync_copy(rows_v.at[pl.ds(rem, TAIL)],
                        get_dst(NS * R1, TAIL))

    def run_deg(eidx_h):
      def start(i, idx2, sem2):
        pltpu.sync_copy(eidx_h.at[i * NS + s], idx2)
        pltpu.async_copy(rows_v, acc_sh.at[idx2.at[1]], sem2, add=True)

      def finish(idx2, sem2):
        pltpu.make_async_copy(rows_v, acc_sh.at[idx2.at[1]],
                              sem2).wait()

      start(0, idx_a, sem_a)
      start(1, idx_b, sem_b)

      def pair(i, carry):
        finish(idx_a, sem_a)
        start(2 * i + 2, idx_a, sem_a)
        finish(idx_b, sem_b)
        start(2 * i + 3, idx_b, sem_b)
        return carry

      lax.fori_loop(0, NFULL // 2 - 1, pair, 0)
      finish(idx_a, sem_a)

      @pl.when(s < NTAIL)
      def _():
        start(NFULL, idx_a, sem_a)

      finish(idx_b, sem_b)

      @pl.when(s < NTAIL)
      def _():
        finish(idx_a, sem_a)

    pltpu.sync_copy(zrows_h, rows_v)
    pltpu.sync_copy(zdeg1_h, deg_t)
    clear_accumulators()
    plsc.subcore_barrier()
    run_edges(taba_h, eidxa_h, 0)
    plsc.subcore_barrier()
    write_back(lambda rr, nn: acca_out.at[c, pl.ds(rr, nn)])

    @pl.when(c == 0)
    def _():
      pltpu.sync_copy(deg_t, dega_out.at[s, 0])

    pltpu.sync_copy(zrows_h, rows_v)
    pltpu.sync_copy(zdeg1_h, deg_t)
    clear_accumulators()
    plsc.subcore_barrier()
    run_edges(tabb_h, eidxb_h, 1)
    plsc.subcore_barrier()
    write_back(lambda rr, nn: accb_out.at[c, pl.ds(rr, nn)])

    @pl.when(c == 1)
    def _():
      pltpu.sync_copy(deg_t, degb_out.at[s, 0])

  return seg_kernel(tab_a, eidx_a, tab_b, eidx_b,
                    jnp.zeros((K, H), jnp.float32),
                    jnp.zeros((N,), jnp.float32))


BM = 1000


def _tc_degsum_body(degp_ref, o_ref):
  o_ref[...] = lax.dot_general(degp_ref[:, 0, :],
                               jnp.ones((NS, 1), jnp.float32),
                               (((0,), (0,)), ((), ())),
                               preferred_element_type=jnp.float32)


def _tc_degsum(degp):
  return pl.pallas_call(
      _tc_degsum_body,
      out_shape=jax.ShapeDtypeStruct((N, 1), jnp.float32),
  )(degp)


def _tc_combine_body(acc0_ref, acc1_ref, deg_ref, x_ref, wl_ref, bl_ref,
                     wr_ref, o_ref):
  a = jnp.concatenate([acc0_ref[...], acc1_ref[...]], axis=1)
  d = jnp.maximum(deg_ref[...], 1.0)
  z = lax.dot(a, wl_ref[...], preferred_element_type=jnp.float32) / d
  z = z + bl_ref[...] + lax.dot(x_ref[...], wr_ref[...],
                                preferred_element_type=jnp.float32)
  o_ref[...] = z


def _tc_combine(acc, deg, x_dst, Wl, bl, Wr):
  grid = (N // BM,)
  return pl.pallas_call(
      _tc_combine_body,
      grid=grid,
      in_specs=[
          pl.BlockSpec((BM, H), lambda i: (i, 0)),
          pl.BlockSpec((BM, H), lambda i: (i, 0)),
          pl.BlockSpec((BM, 1), lambda i: (i, 0)),
          pl.BlockSpec((BM, D), lambda i: (i, 0)),
          pl.BlockSpec((D, D), lambda i: (0, 0)),
          pl.BlockSpec((1, D), lambda i: (0, 0)),
          pl.BlockSpec((D, D), lambda i: (0, 0)),
      ],
      out_specs=pl.BlockSpec((BM, D), lambda i: (i, 0)),
      out_shape=jax.ShapeDtypeStruct((N, D), jnp.float32),
  )(acc[0], acc[1], deg, x_dst, Wl, bl.reshape(1, D), Wr)


def kernel(x_sites, x_wells, edge_index_s2w, edge_index_w2s,
           Wl_s2w, bl_s2w, Wr_s2w, Wl_w2s, bl_w2s, Wr_w2s):
  xs_h = jnp.stack([x_sites[:, :H], x_sites[:, H:]])
  xw_h = jnp.stack([x_wells[:, :H], x_wells[:, H:]])
  eidx_s2w = jnp.swapaxes(
      edge_index_s2w.astype(jnp.int32).reshape(2, NCHUNK, K), 0, 1)
  eidx_w2s = jnp.swapaxes(
      edge_index_w2s.astype(jnp.int32).reshape(2, NCHUNK, K), 0, 1)

  acc_w, acc_s, degp_w, degp_s = _sc_segsum(xs_h, eidx_s2w, xw_h,
                                             eidx_w2s)
  deg_w = _tc_degsum(degp_w)
  deg_s = _tc_degsum(degp_s)

  z_wells = _tc_combine(acc_w, deg_w, x_wells, Wl_s2w, bl_s2w, Wr_s2w)
  z_sites = _tc_combine(acc_s, deg_s, x_sites, Wl_w2s, bl_w2s, Wr_w2s)
  return (z_sites, z_wells)

# --- scband reference (transcript-rebuilt; emitter-appended) ---
"""Pipeline reference for scband-gae-24309514895875 (READ-ONLY COPY).

The authoritative reference and input builder live on the scoring server;
editing this copy changes nothing except your own understanding.
"""

import jax, jax.numpy as jnp
import numpy as np

N_SITES = 10000
N_WELLS = 10000
D = 256
OUT = 256
E = 160000


def setup_inputs(seed: int = 0) -> dict:
    key = jax.random.key(seed)
    ks = jax.random.split(key, 10)
    x_sites = jax.random.normal(ks[0], (N_SITES, D), dtype=jnp.float32)
    x_wells = jax.random.normal(ks[1], (N_WELLS, D), dtype=jnp.float32)
    # relation ('pfas_sites','distance','gw_wells'): row0=src (sites), row1=dst (wells)
    edge_index_s2w = jax.random.randint(ks[2], (2, E), 0, 10000, dtype=jnp.int64)
    # relation ('gw_wells','distance','pfas_sites'): row0=src (wells), row1=dst (sites)
    edge_index_w2s = jax.random.randint(ks[3], (2, E), 0, 10000, dtype=jnp.int64)
    s = 1.0 / np.sqrt(D)
    # SAGEConv params per relation: lin_l (with bias) applied to mean-aggregated src feats,
    # lin_r (no bias) applied to dst feats.
    Wl_s2w = jax.random.uniform(ks[4], (D, OUT), jnp.float32, -s, s)
    bl_s2w = jnp.zeros((OUT,), jnp.float32)
    Wr_s2w = jax.random.uniform(ks[5], (D, OUT), jnp.float32, -s, s)
    Wl_w2s = jax.random.uniform(ks[6], (D, OUT), jnp.float32, -s, s)
    bl_w2s = jnp.zeros((OUT,), jnp.float32)
    Wr_w2s = jax.random.uniform(ks[7], (D, OUT), jnp.float32, -s, s)
    return {
        "x_sites": x_sites, "x_wells": x_wells,
        "edge_index_s2w": edge_index_s2w, "edge_index_w2s": edge_index_w2s,
        "Wl_s2w": Wl_s2w, "bl_s2w": bl_s2w, "Wr_s2w": Wr_s2w,
        "Wl_w2s": Wl_w2s, "bl_w2s": bl_w2s, "Wr_w2s": Wr_w2s,
    }


def _sage_conv(x_src, x_dst, edge_index, Wl, bl, Wr, num_dst):
    src = edge_index[0]
    dst = edge_index[1]
    msgs = jnp.take(x_src, src, axis=0)
    agg = jax.ops.segment_sum(msgs, dst, num_segments=num_dst)
    deg = jax.ops.segment_sum(jnp.ones((msgs.shape[0],), dtype=x_src.dtype), dst, num_segments=num_dst)
    agg = agg / jnp.maximum(deg, 1.0)[:, None]
    return agg @ Wl + bl + x_dst @ Wr


def reference(x_sites, x_wells, edge_index_s2w, edge_index_w2s,
              Wl_s2w, bl_s2w, Wr_s2w, Wl_w2s, bl_w2s, Wr_w2s):
    # HeteroConv with one relation per destination node type; aggr='mean' over a
    # single contribution is identity.
    z_wells = _sage_conv(x_sites, x_wells, edge_index_s2w, Wl_s2w, bl_s2w, Wr_s2w, N_WELLS)
    z_sites = _sage_conv(x_wells, x_sites, edge_index_w2s, Wl_w2s, bl_w2s, Wr_w2s, N_SITES)
    return (z_sites, z_wells)

if __name__ == "__main__":
    import jax
    _d = setup_inputs()
    print(jax.jit(kernel)(*tuple(_d.values())))

</pallas_src>

<mosaic_0001>
#map = affine_map<(d0, d1) -> (0, 0, 0)>
#map1 = affine_map<(d0, d1) -> (0, 0)>
#map2 = affine_map<(d0, d1) -> (0)>
module attributes {stable_mosaic.version = 14 : i64} {
  func.func @seg_kernel(%arg0: i32, %arg1: i32, %arg2: memref<2x10000x128xf32, #tpu.memory_space<hbm>>, %arg3: memref<1250x2x128xi32, #tpu.memory_space<hbm>>, %arg4: memref<2x10000x128xf32, #tpu.memory_space<hbm>>, %arg5: memref<1250x2x128xi32, #tpu.memory_space<hbm>>, %arg6: memref<128x128xf32, #tpu.memory_space<hbm>>, %arg7: memref<10000xf32, #tpu.memory_space<hbm>>, %arg8: memref<2x10000x128xf32, #tpu.memory_space<hbm>>, %arg9: memref<2x10000x128xf32, #tpu.memory_space<hbm>>, %arg10: memref<16x1x10000xf32, #tpu.memory_space<hbm>>, %arg11: memref<16x1x10000xf32, #tpu.memory_space<hbm>>, %arg12: memref<2x128xi32, #tpu.memory_space<vmem>>, %arg13: memref<2x128xi32, #tpu.memory_space<vmem>>, %arg14: memref<128x128xf32, #tpu.memory_space<vmem>>, %arg15: memref<128x128xf32, #tpu.memory_space<vmem>>, %arg16: memref<10000xf32, #tpu.memory_space<vmem>>, %arg17: memref<10000x128xf32, #tpu.memory_space<vmem_shared>>, %arg18: memref<!tpu.dma_semaphore, #tpu.memory_space<semaphore_mem>>, %arg19: memref<!tpu.dma_semaphore, #tpu.memory_space<semaphore_mem>>, %arg20: memref<!tpu.dma_semaphore, #tpu.memory_space<semaphore_mem>>, %arg21: memref<!tpu.dma_semaphore, #tpu.memory_space<semaphore_mem>>) attributes {dimension_semantics = [#tpu.dimension_semantics<core_parallel>, #tpu.dimension_semantics<subcore_parallel>], iteration_bounds = array<i64: 2, 16>, scalar_prefetch = 0 : i64, scratch_operands = 10 : i64, tpu.core_type = #tpu.core_type<sc_vector_subcore>, window_params = [{transform_indices = #map}, {transform_indices = #map}, {transform_indices = #map}, {transform_indices = #map}, {transform_indices = #map1}, {transform_indices = #map2}, {transform_indices = #map}, {transform_indices = #map}, {transform_indices = #map}, {transform_indices = #map}]} {
    %mul3A = arith.constant 624 : i32
    %mul3A_0 = arith.muli %arg1, %mul3A : i32
    %eq3A = arith.constant 15 : i32
    %eq3A_1 = arith.cmpi eq, %arg1, %eq3A : i32
    "tpu.region"() ({
      %run_scoped3A_353 = tpu.sem_alloc : memref<!tpu.dma_semaphore, #tpu.memory_space<semaphore_mem>>
      tpu.enqueue_dma source(%arg6 : memref<128x128xf32, #tpu.memory_space<hbm>>) target(%arg14 : memref<128x128xf32, #tpu.memory_space<vmem>>) target_semaphore(%run_scoped3A_353 : memref<!tpu.dma_semaphore, #tpu.memory_space<semaphore_mem>>)
      tpu.wait_dma2 semaphore(%run_scoped3A_353 : memref<!tpu.dma_semaphore, #tpu.memory_space<semaphore_mem>>) src(%arg6 : memref<128x128xf32, #tpu.memory_space<hbm>>) dst(%arg14 : memref<128x128xf32, #tpu.memory_space<vmem>>)
      tpu.yield
    }) : () -> ()
    "tpu.region"() ({
      %run_scoped3A_353 = tpu.sem_alloc : memref<!tpu.dma_semaphore, #tpu.memory_space<semaphore_mem>>
      tpu.enqueue_dma source(%arg7 : memref<10000xf32, #tpu.memory_space<hbm>>) target(%arg16 : memref<10000xf32, #tpu.memory_space<vmem>>) target_semaphore(%run_scoped3A_353 : memref<!tpu.dma_semaphore, #tpu.memory_space<semaphore_mem>>)
      tpu.wait_dma2 semaphore(%run_scoped3A_353 : memref<!tpu.dma_semaphore, #tpu.memory_space<semaphore_mem>>) src(%arg7 : memref<10000xf32, #tpu.memory_space<hbm>>) dst(%arg16 : memref<10000xf32, #tpu.memory_space<vmem>>)
      tpu.yield
    }) : () -> ()
    %add3A = arith.constant 0 : i32
    %add3A_2 = arith.addi %mul3A_0, %add3A : i32
    %dma_start3A = arith.constant 0 : i32
    %dma_start3A_3 = tpu.memref_slice %arg17[%add3A_2, %dma_start3A] : memref<10000x128xf32, #tpu.memory_space<vmem_shared>> -> memref<128x128xf32, #tpu.memory_space<vmem_shared>>
    %dma_start3A_4 = arith.constant 0 : i32
    %dma_start3A_5 = tpu.memref_slice %arg17[%add3A_2, %dma_start3A_4] : memref<10000x128xf32, #tpu.memory_space<vmem_shared>> -> memref<128x128xf32, #tpu.memory_space<vmem_shared>>
    tpu.enqueue_dma source(%arg14 : memref<128x128xf32, #tpu.memory_space<vmem>>) target(%dma_start3A_5 : memref<128x128xf32, #tpu.memory_space<vmem_shared>>) target_semaphore(%arg20 : memref<!tpu.dma_semaphore, #tpu.memory_space<semaphore_mem>>)
    %add3A_6 = arith.constant 128 : i32
    %add3A_7 = arith.addi %mul3A_0, %add3A_6 : i32
    %dma_start3A_8 = arith.constant 0 : i32
    %dma_start3A_9 = tpu.memref_slice %arg17[%add3A_7, %dma_start3A_8] : memref<10000x128xf32, #tpu.memory_space<vmem_shared>> -> memref<128x128xf32, #tpu.memory_space<vmem_shared>>
    %dma_start3A_10 = arith.constant 0 : i32
    %dma_start3A_11 = tpu.memref_slice %arg17[%add3A_7, %dma_start3A_10] : memref<10000x128xf32, #tpu.memory_space<vmem_shared>> -> memref<128x128xf32, #tpu.memory_space<vmem_shared>>
    tpu.enqueue_dma source(%arg14 : memref<128x128xf32, #tpu.memory_space<vmem>>) target(%dma_start3A_11 : memref<128x128xf32, #tpu.memory_space<vmem_shared>>) target_semaphore(%arg20 : memref<!tpu.dma_semaphore, #tpu.memory_space<semaphore_mem>>)
    %add3A_12 = arith.constant 256 : i32
    %add3A_13 = arith.addi %mul3A_0, %add3A_12 : i32
    %dma_start3A_14 = arith.constant 0 : i32
    %dma_start3A_15 = tpu.memref_slice %arg17[%add3A_13, %dma_start3A_14] : memref<10000x128xf32, #tpu.memory_space<vmem_shared>> -> memref<128x128xf32, #tpu.memory_space<vmem_shared>>
    %dma_start3A_16 = arith.constant 0 : i32
    %dma_start3A_17 = tpu.memref_slice %arg17[%add3A_13, %dma_start3A_16] : memref<10000x128xf32, #tpu.memory_space<vmem_shared>> -> memref<128x128xf32, #tpu.memory_space<vmem_shared>>
    tpu.enqueue_dma source(%arg14 : memref<128x128xf32, #tpu.memory_space<vmem>>) target(%dma_start3A_17 : memref<128x128xf32, #tpu.memory_space<vmem_shared>>) target_semaphore(%arg20 : memref<!tpu.dma_semaphore, #tpu.memory_space<semaphore_mem>>)
    %add3A_18 = arith.constant 384 : i32
    %add3A_19 = arith.addi %mul3A_0, %add3A_18 : i32
    %dma_start3A_20 = arith.constant 0 : i32
    %dma_start3A_21 = tpu.memref_slice %arg17[%add3A_19, %dma_start3A_20] : memref<10000x128xf32, #tpu.memory_space<vmem_shared>> -> memref<128x128xf32, #tpu.memory_space<vmem_shared>>
    %dma_start3A_22 = arith.constant 0 : i32
    %dma_start3A_23 = tpu.memref_slice %arg17[%add3A_19, %dma_start3A_22] : memref<10000x128xf32, #tpu.memory_space<vmem_shared>> -> memref<128x128xf32, #tpu.memory_space<vmem_shared>>
    tpu.enqueue_dma source(%arg14 : memref<128x128xf32, #tpu.memory_space<vmem>>) target(%dma_start3A_23 : memref<128x128xf32, #tpu.memory_space<vmem_shared>>) target_semaphore(%arg20 : memref<!tpu.dma_semaphore, #tpu.memory_space<semaphore_mem>>)
    %add3A_24 = arith.constant 624 : i32
    %add3A_25 = arith.addi %mul3A_0, %add3A_24 : i32
    %sub3A = arith.constant 112 : i32
    %sub3A_26 = arith.subi %add3A_25, %sub3A : i32
    %dma_start3A_27 = arith.constant 0 : i32
    %dma_start3A_28 = arith.constant 0 : i32
    %dma_start3A_29 = tpu.memref_slice %arg14[%dma_start3A_27, %dma_start3A_28] : memref<128x128xf32, #tpu.memory_space<vmem>> -> memref<112x128xf32, #tpu.memory_space<vmem>>
    %dma_start3A_30 = arith.constant 0 : i32
    %dma_start3A_31 = tpu.memref_slice %arg17[%sub3A_26, %dma_start3A_30] : memref<10000x128xf32, #tpu.memory_space<vmem_shared>> -> memref<112x128xf32, #tpu.memory_space<vmem_shared>>
    %dma_start3A_32 = arith.constant 0 : i32
    %dma_start3A_33 = tpu.memref_slice %arg17[%sub3A_26, %dma_start3A_32] : memref<10000x128xf32, #tpu.memory_space<vmem_shared>> -> memref<112x128xf32, #tpu.memory_space<vmem_shared>>
    %dma_start3A_34 = arith.constant 0 : i32
    %dma_start3A_35 = arith.constant 0 : i32
    %dma_start3A_36 = tpu.memref_slice %arg14[%dma_start3A_34, %dma_start3A_35] : memref<128x128xf32, #tpu.memory_space<vmem>> -> memref<112x128xf32, #tpu.memory_space<vmem>>
    tpu.enqueue_dma source(%dma_start3A_36 : memref<112x128xf32, #tpu.memory_space<vmem>>) target(%dma_start3A_33 : memref<112x128xf32, #tpu.memory_space<vmem_shared>>) target_semaphore(%arg20 : memref<!tpu.dma_semaphore, #tpu.memory_space<semaphore_mem>>)
    %convert_element_type3A = arith.extui %eq3A_1 : i1 to i32
    %cond3A = arith.constant 0 : i32
    %cond3A_37 = arith.cmpi ne, %convert_element_type3A, %cond3A : i32
    scf.if %cond3A_37 {
      %dma_start3A_353 = arith.constant 0 : i32
      %dma_start3A_354 = arith.constant 0 : i32
      %dma_start3A_355 = tpu.memref_slice %arg14[%dma_start3A_353, %dma_start3A_354] : memref<128x128xf32, #tpu.memory_space<vmem>> -> memref<16x128xf32, #tpu.memory_space<vmem>>
      %dma_start3A_356 = arith.constant 9984 : i32
      %dma_start3A_357 = arith.constant 0 : i32
      %dma_start3A_358 = tpu.memref_slice %arg17[%dma_start3A_356, %dma_start3A_357] : memref<10000x128xf32, #tpu.memory_space<vmem_shared>> -> memref<16x128xf32, #tpu.memory_space<vmem_shared>>
      %dma_start3A_359 = arith.constant 9984 : i32
      %dma_start3A_360 = arith.constant 0 : i32
      %dma_start3A_361 = tpu.memref_slice %arg17[%dma_start3A_359, %dma_start3A_360] : memref<10000x128xf32, #tpu.memory_space<vmem_shared>> -> memref<16x128xf32, #tpu.memory_space<vmem_shared>>
      %dma_start3A_362 = arith.constant 0 : i32
      %dma_start3A_363 = arith.constant 0 : i32
      %dma_start3A_364 = tpu.memref_slice %arg14[%dma_start3A_362, %dma_start3A_363] : memref<128x128xf32, #tpu.memory_space<vmem>> -> memref<16x128xf32, #tpu.memory_space<vmem>>
      tpu.enqueue_dma source(%dma_start3A_364 : memref<16x128xf32, #tpu.memory_space<vmem>>) target(%dma_start3A_361 : memref<16x128xf32, #tpu.memory_space<vmem_shared>>) target_semaphore(%arg20 : memref<!tpu.dma_semaphore, #tpu.memory_space<semaphore_mem>>)
      %dma_wait3A_365 = arith.constant 0 : i32
      %dma_wait3A_366 = arith.constant 0 : i32
      %dma_wait3A_367 = tpu.memref_slice %arg14[%dma_wait3A_365, %dma_wait3A_366] : memref<128x128xf32, #tpu.memory_space<vmem>> -> memref<16x128xf32, #tpu.memory_space<vmem>>
      %dma_wait3A_368 = arith.constant 9984 : i32
      %dma_wait3A_369 = arith.constant 0 : i32
      %dma_wait3A_370 = tpu.memref_slice %arg17[%dma_wait3A_368, %dma_wait3A_369] : memref<10000x128xf32, #tpu.memory_space<vmem_shared>> -> memref<16x128xf32, #tpu.memory_space<vmem_shared>>
      %dma_wait3A_371 = arith.constant 9984 : i32
      %dma_wait3A_372 = arith.constant 0 : i32
      %dma_wait3A_373 = tpu.memref_slice %arg17[%dma_wait3A_371, %dma_wait3A_372] : memref<10000x128xf32, #tpu.memory_space<vmem_shared>> -> memref<16x128xf32, #tpu.memory_space<vmem_shared>>
      %dma_wait3A_374 = arith.constant 0 : i32
      %dma_wait3A_375 = arith.constant 0 : i32
      %dma_wait3A_376 = tpu.memref_slice %arg14[%dma_wait3A_374, %dma_wait3A_375] : memref<128x128xf32, #tpu.memory_space<vmem>> -> memref<16x128xf32, #tpu.memory_space<vmem>>
      tpu.wait_dma2 semaphore(%arg20 : memref<!tpu.dma_semaphore, #tpu.memory_space<semaphore_mem>>) src(%dma_wait3A_376 : memref<16x128xf32, #tpu.memory_space<vmem>>) dst(%dma_wait3A_373 : memref<16x128xf32, #tpu.memory_space<vmem_shared>>)
    } else {
    }
    %add3A_38 = arith.constant 0 : i32
    %add3A_39 = arith.addi %mul3A_0, %add3A_38 : i32
    %dma_wait3A = arith.constant 0 : i32
    %dma_wait3A_40 = tpu.memref_slice %arg17[%add3A_39, %dma_wait3A] : memref<10000x128xf32, #tpu.memory_space<vmem_shared>> -> memref<128x128xf32, #tpu.memory_space<vmem_shared>>
    %dma_wait3A_41 = arith.constant 0 : i32
    %dma_wait3A_42 = tpu.memref_slice %arg17[%add3A_39, %dma_wait3A_41] : memref<10000x128xf32, #tpu.memory_space<vmem_shared>> -> memref<128x128xf32, #tpu.memory_space<vmem_shared>>
    tpu.wait_dma2 semaphore(%arg20 : memref<!tpu.dma_semaphore, #tpu.memory_space<semaphore_mem>>) src(%arg14 : memref<128x128xf32, #tpu.memory_space<vmem>>) dst(%dma_wait3A_42 : memref<128x128xf32, #tpu.memory_space<vmem_shared>>)
    %add3A_43 = arith.constant 128 : i32
    %add3A_44 = arith.addi %mul3A_0, %add3A_43 : i32
    %dma_wait3A_45 = arith.constant 0 : i32
    %dma_wait3A_46 = tpu.memref_slice %arg17[%add3A_44, %dma_wait3A_45] : memref<10000x128xf32, #tpu.memory_space<vmem_shared>> -> memref<128x128xf32, #tpu.memory_space<vmem_shared>>
    %dma_wait3A_47 = arith.constant 0 : i32
    %dma_wait3A_48 = tpu.memref_slice %arg17[%add3A_44, %dma_wait3A_47] : memref<10000x128xf32, #tpu.memory_space<vmem_shared>> -> memref<128x128xf32, #tpu.memory_space<vmem_shared>>
    tpu.wait_dma2 semaphore(%arg20 : memref<!tpu.dma_semaphore, #tpu.memory_space<semaphore_mem>>) src(%arg14 : memref<128x128xf32, #tpu.memory_space<vmem>>) dst(%dma_wait3A_48 : memref<128x128xf32, #tpu.memory_space<vmem_shared>>)
    %add3A_49 = arith.constant 256 : i32
    %add3A_50 = arith.addi %mul3A_0, %add3A_49 : i32
    %dma_wait3A_51 = arith.constant 0 : i32
    %dma_wait3A_52 = tpu.memref_slice %arg17[%add3A_50, %dma_wait3A_51] : memref<10000x128xf32, #tpu.memory_space<vmem_shared>> -> memref<128x128xf32, #tpu.memory_space<vmem_shared>>
    %dma_wait3A_53 = arith.constant 0 : i32
    %dma_wait3A_54 = tpu.memref_slice %arg17[%add3A_50, %dma_wait3A_53] : memref<10000x128xf32, #tpu.memory_space<vmem_shared>> -> memref<128x128xf32, #tpu.memory_space<vmem_shared>>
    tpu.wait_dma2 semaphore(%arg20 : memref<!tpu.dma_semaphore, #tpu.memory_space<semaphore_mem>>) src(%arg14 : memref<128x128xf32, #tpu.memory_space<vmem>>) dst(%dma_wait3A_54 : memref<128x128xf32, #tpu.memory_space<vmem_shared>>)
    %add3A_55 = arith.constant 384 : i32
    %add3A_56 = arith.addi %mul3A_0, %add3A_55 : i32
    %dma_wait3A_57 = arith.constant 0 : i32
    %dma_wait3A_58 = tpu.memref_slice %arg17[%add3A_56, %dma_wait3A_57] : memref<10000x128xf32, #tpu.memory_space<vmem_shared>> -> memref<128x128xf32, #tpu.memory_space<vmem_shared>>
    %dma_wait3A_59 = arith.constant 0 : i32
    %dma_wait3A_60 = tpu.memref_slice %arg17[%add3A_56, %dma_wait3A_59] : memref<10000x128xf32, #tpu.memory_space<vmem_shared>> -> memref<128x128xf32, #tpu.memory_space<vmem_shared>>
    tpu.wait_dma2 semaphore(%arg20 : memref<!tpu.dma_semaphore, #tpu.memory_space<semaphore_mem>>) src(%arg14 : memref<128x128xf32, #tpu.memory_space<vmem>>) dst(%dma_wait3A_60 : memref<128x128xf32, #tpu.memory_space<vmem_shared>>)
    %add3A_61 = arith.constant 624 : i32
    %add3A_62 = arith.addi %mul3A_0, %add3A_61 : i32
    %sub3A_63 = arith.constant 112 : i32
    %sub3A_64 = arith.subi %add3A_62, %sub3A_63 : i32
    %dma_wait3A_65 = arith.constant 0 : i32
    %dma_wait3A_66 = arith.constant 0 : i32
    %dma_wait3A_67 = tpu.memref_slice %arg14[%dma_wait3A_65, %dma_wait3A_66] : memref<128x128xf32, #tpu.memory_space<vmem>> -> memref<112x128xf32, #tpu.memory_space<vmem>>
    %dma_wait3A_68 = arith.constant 0 : i32
    %dma_wait3A_69 = tpu.memref_slice %arg17[%sub3A_64, %dma_wait3A_68] : memref<10000x128xf32, #tpu.memory_space<vmem_shared>> -> memref<112x128xf32, #tpu.memory_space<vmem_shared>>
    %dma_wait3A_70 = arith.constant 0 : i32
    %dma_wait3A_71 = tpu.memref_slice %arg17[%sub3A_64, %dma_wait3A_70] : memref<10000x128xf32, #tpu.memory_space<vmem_shared>> -> memref<112x128xf32, #tpu.memory_space<vmem_shared>>
    %dma_wait3A_72 = arith.constant 0 : i32
    %dma_wait3A_73 = arith.constant 0 : i32
    %dma_wait3A_74 = tpu.memref_slice %arg14[%dma_wait3A_72, %dma_wait3A_73] : memref<128x128xf32, #tpu.memory_space<vmem>> -> memref<112x128xf32, #tpu.memory_space<vmem>>
    tpu.wait_dma2 semaphore(%arg20 : memref<!tpu.dma_semaphore, #tpu.memory_space<semaphore_mem>>) src(%dma_wait3A_74 : memref<112x128xf32, #tpu.memory_space<vmem>>) dst(%dma_wait3A_71 : memref<112x128xf32, #tpu.memory_space<vmem_shared>>)
    %barrier3A = arith.constant 0 : index
    tpu.barrier barrier_id(%barrier3A)
    %broadcast_in_dim3A = arith.constant 1.000000e+00 : f32
    %broadcast_in_dim3A_75 = vector.broadcast %broadcast_in_dim3A : f32 to vector<16xf32>
    %add3A_76 = arith.constant 0 : i32
    %add3A_77 = arith.addi %add3A_76, %arg1 : i32
    "tpu.region"() ({
      %run_scoped3A_353 = tpu.sem_alloc : memref<!tpu.dma_semaphore, #tpu.memory_space<semaphore_mem>>
      %dma_start3A_354 = arith.constant 0 : i32
      %dma_start3A_355 = arith.constant 0 : i32
      %dma_start3A_356 = tpu.memref_slice %arg3[%add3A_77, %dma_start3A_354, %dma_start3A_355] : memref<1250x2x128xi32, #tpu.memory_space<hbm>> -> memref<1x2x128xi32, #tpu.memory_space<hbm>>
      %dma_start3A_357 = tpu.memref_squeeze %dma_start3A_356 : memref<1x2x128xi32, #tpu.memory_space<hbm>> -> memref<2x128xi32, #tpu.memory_space<hbm>>
      %dma_start3A_358 = arith.constant 0 : i32
      %dma_start3A_359 = arith.constant 0 : i32
      %dma_start3A_360 = tpu.memref_slice %arg3[%add3A_77, %dma_start3A_358, %dma_start3A_359] : memref<1250x2x128xi32, #tpu.memory_space<hbm>> -> memref<1x2x128xi32, #tpu.memory_space<hbm>>
      %dma_start3A_361 = tpu.memref_squeeze %dma_start3A_360 : memref<1x2x128xi32, #tpu.memory_space<hbm>> -> memref<2x128xi32, #tpu.memory_space<hbm>>
      tpu.enqueue_dma source(%dma_start3A_361 : memref<2x128xi32, #tpu.memory_space<hbm>>) target(%arg12 : memref<2x128xi32, #tpu.memory_space<vmem>>) target_semaphore(%run_scoped3A_353 : memref<!tpu.dma_semaphore, #tpu.memory_space<semaphore_mem>>)
      %dma_wait3A_362 = arith.constant 0 : i32
      %dma_wait3A_363 = arith.constant 0 : i32
      %dma_wait3A_364 = tpu.memref_slice %arg3[%add3A_77, %dma_wait3A_362, %dma_wait3A_363] : memref<1250x2x128xi32, #tpu.memory_space<hbm>> -> memref<1x2x128xi32, #tpu.memory_space<hbm>>
      %dma_wait3A_365 = tpu.memref_squeeze %dma_wait3A_364 : memref<1x2x128xi32, #tpu.memory_space<hbm>> -> memref<2x128xi32, #tpu.memory_space<hbm>>
      %dma_wait3A_366 = arith.constant 0 : i32
      %dma_wait3A_367 = arith.constant 0 : i32
      %dma_wait3A_368 = tpu.memref_slice %arg3[%add3A_77, %dma_wait3A_366, %dma_wait3A_367] : memref<1250x2x128xi32, #tpu.memory_space<hbm>> -> memref<1x2x128xi32, #tpu.memory_space<hbm>>
      %dma_wait3A_369 = tpu.memref_squeeze %dma_wait3A_368 : memref<1x2x128xi32, #tpu.memory_space<hbm>> -> memref<2x128xi32, #tpu.memory_space<hbm>>
      tpu.wait_dma2 semaphore(%run_scoped3A_353 : memref<!tpu.dma_semaphore, #tpu.memory_space<semaphore_mem>>) src(%dma_wait3A_369 : memref<2x128xi32, #tpu.memory_space<hbm>>) dst(%arg12 : memref<2x128xi32, #tpu.memory_space<vmem>>)
      tpu.yield
    }) : () -> ()
    %dma_start3A_78 = arith.constant 0 : i32
    %dma_start3A_79 = arith.constant 0 : i32
    %dma_start3A_80 = tpu.memref_slice %arg12[%dma_start3A_78, %dma_start3A_79] : memref<2x128xi32, #tpu.memory_space<vmem>> -> memref<1x128xi32, #tpu.memory_space<vmem>>
    %dma_start3A_81 = tpu.memref_squeeze %dma_start3A_80 : memref<1x128xi32, #tpu.memory_space<vmem>> -> memref<128xi32, #tpu.memory_space<vmem>>
    %dma_start3A_82 = arith.constant 0 : i32
    %dma_start3A_83 = arith.constant 0 : i32
    %dma_start3A_84 = tpu.memref_slice %arg2[%arg0, %dma_start3A_82, %dma_start3A_83] : memref<2x10000x128xf32, #tpu.memory_space<hbm>> -> memref<1x10000x128xf32, #tpu.memory_space<hbm>>
    %dma_start3A_85 = tpu.memref_squeeze %dma_start3A_84 : memref<1x10000x128xf32, #tpu.memory_space<hbm>> -> memref<10000x128xf32, #tpu.memory_space<hbm>>
    %dma_start3A_86 = arith.constant 0 : i32
    %dma_start3A_87 = arith.constant 0 : i32
    %dma_start3A_88 = tpu.memref_slice %dma_start3A_85[%dma_start3A_86, %dma_start3A_87] : memref<10000x128xf32, #tpu.memory_space<hbm>> -> memref<10000x128xf32, #tpu.memory_space<hbm>>
    tpu.enqueue_indirect_dma source(%dma_start3A_88 : memref<10000x128xf32, #tpu.memory_space<hbm>>) target(%arg14 : memref<128x128xf32, #tpu.memory_space<vmem>>) offsets(%dma_start3A_81 : memref<128xi32, #tpu.memory_space<vmem>>) semaphore(%arg18 : memref<!tpu.dma_semaphore, #tpu.memory_space<semaphore_mem>>)
    %add3A_89 = arith.constant 16 : i32
    %add3A_90 = arith.addi %add3A_89, %arg1 : i32
    "tpu.region"() ({
      %run_scoped3A_353 = tpu.sem_alloc : memref<!tpu.dma_semaphore, #tpu.memory_space<semaphore_mem>>
      %dma_start3A_354 = arith.constant 0 : i32
      %dma_start3A_355 = arith.constant 0 : i32
      %dma_start3A_356 = tpu.memref_slice %arg3[%add3A_90, %dma_start3A_354, %dma_start3A_355] : memref<1250x2x128xi32, #tpu.memory_space<hbm>> -> memref<1x2x128xi32, #tpu.memory_space<hbm>>
      %dma_start3A_357 = tpu.memref_squeeze %dma_start3A_356 : memref<1x2x128xi32, #tpu.memory_space<hbm>> -> memref<2x128xi32, #tpu.memory_space<hbm>>
      %dma_start3A_358 = arith.constant 0 : i32
      %dma_start3A_359 = arith.constant 0 : i32
      %dma_start3A_360 = tpu.memref_slice %arg3[%add3A_90, %dma_start3A_358, %dma_start3A_359] : memref<1250x2x128xi32, #tpu.memory_space<hbm>> -> memref<1x2x128xi32, #tpu.memory_space<hbm>>
      %dma_start3A_361 = tpu.memref_squeeze %dma_start3A_360 : memref<1x2x128xi32, #tpu.memory_space<hbm>> -> memref<2x128xi32, #tpu.memory_space<hbm>>
      tpu.enqueue_dma source(%dma_start3A_361 : memref<2x128xi32, #tpu.memory_space<hbm>>) target(%arg13 : memref<2x128xi32, #tpu.memory_space<vmem>>) target_semaphore(%run_scoped3A_353 : memref<!tpu.dma_semaphore, #tpu.memory_space<semaphore_mem>>)
      %dma_wait3A_362 = arith.constant 0 : i32
      %dma_wait3A_363 = arith.constant 0 : i32
      %dma_wait3A_364 = tpu.memref_slice %arg3[%add3A_90, %dma_wait3A_362, %dma_wait3A_363] : memref<1250x2x128xi32, #tpu.memory_space<hbm>> -> memref<1x2x128xi32, #tpu.memory_space<hbm>>
      %dma_wait3A_365 = tpu.memref_squeeze %dma_wait3A_364 : memref<1x2x128xi32, #tpu.memory_space<hbm>> -> memref<2x128xi32, #tpu.memory_space<hbm>>
      %dma_wait3A_366 = arith.constant 0 : i32
      %dma_wait3A_367 = arith.constant 0 : i32
      %dma_wait3A_368 = tpu.memref_slice %arg3[%add3A_90, %dma_wait3A_366, %dma_wait3A_367] : memref<1250x2x128xi32, #tpu.memory_space<hbm>> -> memref<1x2x128xi32, #tpu.memory_space<hbm>>
      %dma_wait3A_369 = tpu.memref_squeeze %dma_wait3A_368 : memref<1x2x128xi32, #tpu.memory_space<hbm>> -> memref<2x128xi32, #tpu.memory_space<hbm>>
      tpu.wait_dma2 semaphore(%run_scoped3A_353 : memref<!tpu.dma_semaphore, #tpu.memory_space<semaphore_mem>>) src(%dma_wait3A_369 : memref<2x128xi32, #tpu.memory_space<hbm>>) dst(%arg13 : memref<2x128xi32, #tpu.memory_space<vmem>>)
      tpu.yield
    }) : () -> ()
    %dma_start3A_91 = arith.constant 0 : i32
    %dma_start3A_92 = arith.constant 0 : i32
    %dma_start3A_93 = tpu.memref_slice %arg13[%dma_start3A_91, %dma_start3A_92] : memref<2x128xi32, #tpu.memory_space<vmem>> -> memref<1x128xi32, #tpu.memory_space<vmem>>
    %dma_start3A_94 = tpu.memref_squeeze %dma_start3A_93 : memref<1x128xi32, #tpu.memory_space<vmem>> -> memref<128xi32, #tpu.memory_space<vmem>>
    %dma_start3A_95 = arith.constant 0 : i32
    %dma_start3A_96 = arith.constant 0 : i32
    %dma_start3A_97 = tpu.memref_slice %arg2[%arg0, %dma_start3A_95, %dma_start3A_96] : memref<2x10000x128xf32, #tpu.memory_space<hbm>> -> memref<1x10000x128xf32, #tpu.memory_space<hbm>>
    %dma_start3A_98 = tpu.memref_squeeze %dma_start3A_97 : memref<1x10000x128xf32, #tpu.memory_space<hbm>> -> memref<10000x128xf32, #tpu.memory_space<hbm>>
    %dma_start3A_99 = arith.constant 0 : i32
    %dma_start3A_100 = arith.constant 0 : i32
    %dma_start3A_101 = tpu.memref_slice %dma_start3A_98[%dma_start3A_99, %dma_start3A_100] : memref<10000x128xf32, #tpu.memory_space<hbm>> -> memref<10000x128xf32, #tpu.memory_space<hbm>>
    tpu.enqueue_indirect_dma source(%dma_start3A_101 : memref<10000x128xf32, #tpu.memory_space<hbm>>) target(%arg15 : memref<128x128xf32, #tpu.memory_space<vmem>>) offsets(%dma_start3A_94 : memref<128xi32, #tpu.memory_space<vmem>>) semaphore(%arg19 : memref<!tpu.dma_semaphore, #tpu.memory_space<semaphore_mem>>)
    %scan3A = arith.constant 0 : i32
    %scan3A_102 = arith.constant 0 : i32
    %scan3A_103 = arith.constant 38 : i32
    %scan3A_104 = arith.addi %scan3A_102, %scan3A_103 : i32
    %scan3A_105 = arith.constant 1 : i32
    scf.for %scan3A_353 = %scan3A_102 to %scan3A_104 step %scan3A_105  : i32 {
      %dma_wait3A_354 = arith.constant 0 : i32
      %dma_wait3A_355 = arith.constant 0 : i32
      %dma_wait3A_356 = tpu.memref_slice %arg12[%dma_wait3A_354, %dma_wait3A_355] : memref<2x128xi32, #tpu.memory_space<vmem>> -> memref<1x128xi32, #tpu.memory_space<vmem>>
      %dma_wait3A_357 = tpu.memref_squeeze %dma_wait3A_356 : memref<1x128xi32, #tpu.memory_space<vmem>> -> memref<128xi32, #tpu.memory_space<vmem>>
      %dma_wait3A_358 = arith.constant 0 : i32
      %dma_wait3A_359 = arith.constant 0 : i32
      %dma_wait3A_360 = tpu.memref_slice %arg2[%arg0, %dma_wait3A_358, %dma_wait3A_359] : memref<2x10000x128xf32, #tpu.memory_space<hbm>> -> memref<1x10000x128xf32, #tpu.memory_space<hbm>>
      %dma_wait3A_361 = tpu.memref_squeeze %dma_wait3A_360 : memref<1x10000x128xf32, #tpu.memory_space<hbm>> -> memref<10000x128xf32, #tpu.memory_space<hbm>>
      %dma_wait3A_362 = arith.constant 0 : i32
      %dma_wait3A_363 = arith.constant 0 : i32
      %dma_wait3A_364 = tpu.memref_slice %dma_wait3A_361[%dma_wait3A_362, %dma_wait3A_363] : memref<10000x128xf32, #tpu.memory_space<hbm>> -> memref<10000x128xf32, #tpu.memory_space<hbm>>
      tpu.wait_indirect_dma semaphore(%arg18 : memref<!tpu.dma_semaphore, #tpu.memory_space<semaphore_mem>>) src(%dma_wait3A_364 : memref<10000x128xf32, #tpu.memory_space<hbm>>) dst(%arg14 : memref<128x128xf32, #tpu.memory_space<vmem>>)
      %run_scoped3A_365 = arith.constant 1 : i32
      "tpu.region"() ({
        %run_scoped3A_424 = tpu.sem_alloc : memref<!tpu.dma_semaphore, #tpu.memory_space<semaphore_mem>>
        %dma_start3A_425 = arith.constant 0 : i32
        %dma_start3A_426 = tpu.memref_slice %arg12[%run_scoped3A_365, %dma_start3A_425] : memref<2x128xi32, #tpu.memory_space<vmem>> -> memref<1x128xi32, #tpu.memory_space<vmem>>
        %dma_start3A_427 = tpu.memref_squeeze %dma_start3A_426 : memref<1x128xi32, #tpu.memory_space<vmem>> -> memref<128xi32, #tpu.memory_space<vmem>>
        %dma_start3A_428 = arith.constant 0 : i32
        %dma_start3A_429 = arith.constant 0 : i32
        %dma_start3A_430 = tpu.memref_slice %arg17[%dma_start3A_428, %dma_start3A_429] : memref<10000x128xf32, #tpu.memory_space<vmem_shared>> -> memref<10000x128xf32, #tpu.memory_space<vmem_shared>>
        tpu.enqueue_indirect_dma source(%arg14 : memref<128x128xf32, #tpu.memory_space<vmem>>) target(%dma_start3A_430 : memref<10000x128xf32, #tpu.memory_space<vmem_shared>>) offsets(%dma_start3A_427 : memref<128xi32, #tpu.memory_space<vmem>>) semaphore(%run_scoped3A_424 : memref<!tpu.dma_semaphore, #tpu.memory_space<semaphore_mem>>) {add = true}
        %dma_wait3A_431 = arith.constant 0 : i32
        %dma_wait3A_432 = tpu.memref_slice %arg12[%run_scoped3A_365, %dma_wait3A_431] : memref<2x128xi32, #tpu.memory_space<vmem>> -> memref<1x128xi32, #tpu.memory_space<vmem>>
        %dma_wait3A_433 = tpu.memref_squeeze %dma_wait3A_432 : memref<1x128xi32, #tpu.memory_space<vmem>> -> memref<128xi32, #tpu.memory_space<vmem>>
        %dma_wait3A_434 = arith.constant 0 : i32
        %dma_wait3A_435 = arith.constant 0 : i32
        %dma_wait3A_436 = tpu.memref_slice %arg17[%dma_wait3A_434, %dma_wait3A_435] : memref<10000x128xf32, #tpu.memory_space<vmem_shared>> -> memref<10000x128xf32, #tpu.memory_space<vmem_shared>>
        tpu.wait_indirect_dma semaphore(%run_scoped3A_424 : memref<!tpu.dma_semaphore, #tpu.memory_space<semaphore_mem>>) src(%arg14 : memref<128x128xf32, #tpu.memory_space<vmem>>) dst(%dma_wait3A_436 : memref<10000x128xf32, #tpu.memory_space<vmem_shared>>)
        tpu.yield
      }) : () -> ()
      %eq3A_366 = arith.constant 0 : i32
      %eq3A_367 = arith.cmpi eq, %arg0, %eq3A_366 : i32
      %convert_element_type3A_368 = arith.extui %eq3A_367 : i1 to i32
      %cond3A_369 = arith.constant 0 : i32
      %cond3A_370 = arith.cmpi ne, %convert_element_type3A_368, %cond3A_369 : i32
      scf.if %cond3A_370 {
        %get3A = arith.constant 1 : i32
        %get3A_424 = arith.index_cast %get3A : i32 to index
        %get3A_425 = arith.constant 0 : index
        %get3A_426 = tpu.vector_load %arg12[%get3A_424, %get3A_425] {strides = array<i32>} : memref<2x128xi32, #tpu.memory_space<vmem>>, vector<16xi32>,
        tpu.vector_store_idx %arg16[%get3A_426], %broadcast_in_dim3A_75 {add = true} : memref<10000xf32, #tpu.memory_space<vmem>>[vector<16xi32>], vector<16xf32>,
        %get3A_427 = arith.constant 1 : i32
        %get3A_428 = arith.index_cast %get3A_427 : i32 to index
        %get3A_429 = arith.constant 16 : index
        %get3A_430 = tpu.vector_load %arg12[%get3A_428, %get3A_429] {strides = array<i32>} : memref<2x128xi32, #tpu.memory_space<vmem>>, vector<16xi32>,
        tpu.vector_store_idx %arg16[%get3A_430], %broadcast_in_dim3A_75 {add = true} : memref<10000xf32, #tpu.memory_space<vmem>>[vector<16xi32>], vector<16xf32>,
        %get3A_431 = arith.constant 1 : i32
        %get3A_432 = arith.index_cast %get3A_431 : i32 to index
        %get3A_433 = arith.constant 32 : index
        %get3A_434 = tpu.vector_load %arg12[%get3A_432, %get3A_433] {strides = array<i32>} : memref<2x128xi32, #tpu.memory_space<vmem>>, vector<16xi32>,
        tpu.vector_store_idx %arg16[%get3A_434], %broadcast_in_dim3A_75 {add = true} : memref<10000xf32, #tpu.memory_space<vmem>>[vector<16xi32>], vector<16xf32>,
        %get3A_435 = arith.constant 1 : i32
        %get3A_436 = arith.index_cast %get3A_435 : i32 to index
        %get3A_437 = arith.constant 48 : index
        %get3A_438 = tpu.vector_load %arg12[%get3A_436, %get3A_437] {strides = array<i32>} : memref<2x128xi32, #tpu.memory_space<vmem>>, vector<16xi32>,
        tpu.vector_store_idx %arg16[%get3A_438], %broadcast_in_dim3A_75 {add = true} : memref<10000xf32, #tpu.memory_space<vmem>>[vector<16xi32>], vector<16xf32>,
        %get3A_439 = arith.constant 1 : i32
        %get3A_440 = arith.index_cast %get3A_439 : i32 to index
        %get3A_441 = arith.constant 64 : index
        %get3A_442 = tpu.vector_load %arg12[%get3A_440, %get3A_441] {strides = array<i32>} : memref<2x128xi32, #tpu.memory_space<vmem>>, vector<16xi32>,
        tpu.vector_store_idx %arg16[%get3A_442], %broadcast_in_dim3A_75 {add = true} : memref<10000xf32, #tpu.memory_space<vmem>>[vector<16xi32>], vector<16xf32>,
        %get3A_443 = arith.constant 1 : i32
        %get3A_444 = arith.index_cast %get3A_443 : i32 to index
        %get3A_445 = arith.constant 80 : index
        %get3A_446 = tpu.vector_load %arg12[%get3A_444, %get3A_445] {strides = array<i32>} : memref<2x128xi32, #tpu.memory_space<vmem>>, vector<16xi32>,
        tpu.vector_store_idx %arg16[%get3A_446], %broadcast_in_dim3A_75 {add = true} : memref<10000xf32, #tpu.memory_space<vmem>>[vector<16xi32>], vector<16xf32>,
        %get3A_447 = arith.constant 1 : i32
        %get3A_448 = arith.index_cast %get3A_447 : i32 to index
        %get3A_449 = arith.constant 96 : index
        %get3A_450 = tpu.vector_load %arg12[%get3A_448, %get3A_449] {strides = array<i32>} : memref<2x128xi32, #tpu.memory_space<vmem>>, vector<16xi32>,
        tpu.vector_store_idx %arg16[%get3A_450], %broadcast_in_dim3A_75 {add = true} : memref<10000xf32, #tpu.memory_space<vmem>>[vector<16xi32>], vector<16xf32>,
        %get3A_451 = arith.constant 1 : i32
        %get3A_452 = arith.index_cast %get3A_451 : i32 to index
        %get3A_453 = arith.constant 112 : index
        %get3A_454 = tpu.vector_load %arg12[%get3A_452, %get3A_453] {strides = array<i32>} : memref<2x128xi32, #tpu.memory_space<vmem>>, vector<16xi32>,
        tpu.vector_store_idx %arg16[%get3A_454], %broadcast_in_dim3A_75 {add = true} : memref<10000xf32, #tpu.memory_space<vmem>>[vector<16xi32>], vector<16xf32>,
      } else {
      }
      %mul3A_371 = arith.constant 2 : i32
      %mul3A_372 = arith.muli %mul3A_371, %scan3A_353 : i32
      %add3A_373 = arith.constant 2 : i32
      %add3A_374 = arith.addi %mul3A_372, %add3A_373 : i32
      %mul3A_375 = arith.constant 16 : i32
      %mul3A_376 = arith.muli %add3A_374, %mul3A_375 : i32
      %add3A_377 = arith.addi %mul3A_376, %arg1 : i32
      "tpu.region"() ({
        %run_scoped3A_424 = tpu.sem_alloc : memref<!tpu.dma_semaphore, #tpu.memory_space<semaphore_mem>>
        %dma_start3A_425 = arith.constant 0 : i32
        %dma_start3A_426 = arith.constant 0 : i32
        %dma_start3A_427 = tpu.memref_slice %arg3[%add3A_377, %dma_start3A_425, %dma_start3A_426] : memref<1250x2x128xi32, #tpu.memory_space<hbm>> -> memref<1x2x128xi32, #tpu.memory_space<hbm>>
        %dma_start3A_428 = tpu.memref_squeeze %dma_start3A_427 : memref<1x2x128xi32, #tpu.memory_space<hbm>> -> memref<2x128xi32, #tpu.memory_space<hbm>>
        %dma_start3A_429 = arith.constant 0 : i32
        %dma_start3A_430 = arith.constant 0 : i32
        %dma_start3A_431 = tpu.memref_slice %arg3[%add3A_377, %dma_start3A_429, %dma_start3A_430] : memref<1250x2x128xi32, #tpu.memory_space<hbm>> -> memref<1x2x128xi32, #tpu.memory_space<hbm>>
        %dma_start3A_432 = tpu.memref_squeeze %dma_start3A_431 : memref<1x2x128xi32, #tpu.memory_space<hbm>> -> memref<2x128xi32, #tpu.memory_space<hbm>>
        tpu.enqueue_dma source(%dma_start3A_432 : memref<2x128xi32, #tpu.memory_space<hbm>>) target(%arg12 : memref<2x128xi32, #tpu.memory_space<vmem>>) target_semaphore(%run_scoped3A_424 : memref<!tpu.dma_semaphore, #tpu.memory_space<semaphore_mem>>)
        %dma_wait3A_433 = arith.constant 0 : i32
        %dma_wait3A_434 = arith.constant 0 : i32
        %dma_wait3A_435 = tpu.memref_slice %arg3[%add3A_377, %dma_wait3A_433, %dma_wait3A_434] : memref<1250x2x128xi32, #tpu.memory_space<hbm>> -> memref<1x2x128xi32, #tpu.memory_space<hbm>>
        %dma_wait3A_436 = tpu.memref_squeeze %dma_wait3A_435 : memref<1x2x128xi32, #tpu.memory_space<hbm>> -> memref<2x128xi32, #tpu.memory_space<hbm>>
        %dma_wait3A_437 = arith.constant 0 : i32
        %dma_wait3A_438 = arith.constant 0 : i32
        %dma_wait3A_439 = tpu.memref_slice %arg3[%add3A_377, %dma_wait3A_437, %dma_wait3A_438] : memref<1250x2x128xi32, #tpu.memory_space<hbm>> -> memref<1x2x128xi32, #tpu.memory_space<hbm>>
        %dma_wait3A_440 = tpu.memref_squeeze %dma_wait3A_439 : memref<1x2x128xi32, #tpu.memory_space<hbm>> -> memref<2x128xi32, #tpu.memory_space<hbm>>
        tpu.wait_dma2 semaphore(%run_scoped3A_424 : memref<!tpu.dma_semaphore, #tpu.memory_space<semaphore_mem>>) src(%dma_wait3A_440 : memref<2x128xi32, #tpu.memory_space<hbm>>) dst(%arg12 : memref<2x128xi32, #tpu.memory_space<vmem>>)
        tpu.yield
      }) : () -> ()
      %dma_start3A_378 = arith.constant 0 : i32
      %dma_start3A_379 = arith.constant 0 : i32
      %dma_start3A_380 = tpu.memref_slice %arg12[%dma_start3A_378, %dma_start3A_379] : memref<2x128xi32, #tpu.memory_space<vmem>> -> memref<1x128xi32, #tpu.memory_space<vmem>>
      %dma_start3A_381 = tpu.memref_squeeze %dma_start3A_380 : memref<1x128xi32, #tpu.memory_space<vmem>> -> memref<128xi32, #tpu.memory_space<vmem>>
      %dma_start3A_382 = arith.constant 0 : i32
      %dma_start3A_383 = arith.constant 0 : i32
      %dma_start3A_384 = tpu.memref_slice %arg2[%arg0, %dma_start3A_382, %dma_start3A_383] : memref<2x10000x128xf32, #tpu.memory_space<hbm>> -> memref<1x10000x128xf32, #tpu.memory_space<hbm>>
      %dma_start3A_385 = tpu.memref_squeeze %dma_start3A_384 : memref<1x10000x128xf32, #tpu.memory_space<hbm>> -> memref<10000x128xf32, #tpu.memory_space<hbm>>
      %dma_start3A_386 = arith.constant 0 : i32
      %dma_start3A_387 = arith.constant 0 : i32
      %dma_start3A_388 = tpu.memref_slice %dma_start3A_385[%dma_start3A_386, %dma_start3A_387] : memref<10000x128xf32, #tpu.memory_space<hbm>> -> memref<10000x128xf32, #tpu.memory_space<hbm>>
      tpu.enqueue_indirect_dma source(%dma_start3A_388 : memref<10000x128xf32, #tpu.memory_space<hbm>>) target(%arg14 : memref<128x128xf32, #tpu.memory_space<vmem>>) offsets(%dma_start3A_381 : memref<128xi32, #tpu.memory_space<vmem>>) semaphore(%arg18 : memref<!tpu.dma_semaphore, #tpu.memory_space<semaphore_mem>>)
      %dma_wait3A_389 = arith.constant 0 : i32
      %dma_wait3A_390 = arith.constant 0 : i32
      %dma_wait3A_391 = tpu.memref_slice %arg13[%dma_wait3A_389, %dma_wait3A_390] : memref<2x128xi32, #tpu.memory_space<vmem>> -> memref<1x128xi32, #tpu.memory_space<vmem>>
      %dma_wait3A_392 = tpu.memref_squeeze %dma_wait3A_391 : memref<1x128xi32, #tpu.memory_space<vmem>> -> memref<128xi32, #tpu.memory_space<vmem>>
      %dma_wait3A_393 = arith.constant 0 : i32
      %dma_wait3A_394 = arith.constant 0 : i32
      %dma_wait3A_395 = tpu.memref_slice %arg2[%arg0, %dma_wait3A_393, %dma_wait3A_394] : memref<2x10000x128xf32, #tpu.memory_space<hbm>> -> memref<1x10000x128xf32, #tpu.memory_space<hbm>>
      %dma_wait3A_396 = tpu.memref_squeeze %dma_wait3A_395 : memref<1x10000x128xf32, #tpu.memory_space<hbm>> -> memref<10000x128xf32, #tpu.memory_space<hbm>>
      %dma_wait3A_397 = arith.constant 0 : i32
      %dma_wait3A_398 = arith.constant 0 : i32
      %dma_wait3A_399 = tpu.memref_slice %dma_wait3A_396[%dma_wait3A_397, %dma_wait3A_398] : memref<10000x128xf32, #tpu.memory_space<hbm>> -> memref<10000x128xf32, #tpu.memory_space<hbm>>
      tpu.wait_indirect_dma semaphore(%arg19 : memref<!tpu.dma_semaphore, #tpu.memory_space<semaphore_mem>>) src(%dma_wait3A_399 : memref<10000x128xf32, #tpu.memory_space<hbm>>) dst(%arg15 : memref<128x128xf32, #tpu.memory_space<vmem>>)
      %run_scoped3A_400 = arith.constant 1 : i32
      "tpu.region"() ({
        %run_scoped3A_424 = tpu.sem_alloc : memref<!tpu.dma_semaphore, #tpu.memory_space<semaphore_mem>>
        %dma_start3A_425 = arith.constant 0 : i32
        %dma_start3A_426 = tpu.memref_slice %arg13[%run_scoped3A_400, %dma_start3A_425] : memref<2x128xi32, #tpu.memory_space<vmem>> -> memref<1x128xi32, #tpu.memory_space<vmem>>
        %dma_start3A_427 = tpu.memref_squeeze %dma_start3A_426 : memref<1x128xi32, #tpu.memory_space<vmem>> -> memref<128xi32, #tpu.memory_space<vmem>>
        %dma_start3A_428 = arith.constant 0 : i32
        %dma_start3A_429 = arith.constant 0 : i32
        %dma_start3A_430 = tpu.memref_slice %arg17[%dma_start3A_428, %dma_start3A_429] : memref<10000x128xf32, #tpu.memory_space<vmem_shared>> -> memref<10000x128xf32, #tpu.memory_space<vmem_shared>>
        tpu.enqueue_indirect_dma source(%arg15 : memref<128x128xf32, #tpu.memory_space<vmem>>) target(%dma_start3A_430 : memref<10000x128xf32, #tpu.memory_space<vmem_shared>>) offsets(%dma_start3A_427 : memref<128xi32, #tpu.memory_space<vmem>>) semaphore(%run_scoped3A_424 : memref<!tpu.dma_semaphore, #tpu.memory_space<semaphore_mem>>) {add = true}
        %dma_wait3A_431 = arith.constant 0 : i32
        %dma_wait3A_432 = tpu.memref_slice %arg13[%run_scoped3A_400, %dma_wait3A_431] : memref<2x128xi32, #tpu.memory_space<vmem>> -> memref<1x128xi32, #tpu.memory_space<vmem>>
        %dma_wait3A_433 = tpu.memref_squeeze %dma_wait3A_432 : memref<1x128xi32, #tpu.memory_space<vmem>> -> memref<128xi32, #tpu.memory_space<vmem>>
        %dma_wait3A_434 = arith.constant 0 : i32
        %dma_wait3A_435 = arith.constant 0 : i32
        %dma_wait3A_436 = tpu.memref_slice %arg17[%dma_wait3A_434, %dma_wait3A_435] : memref<10000x128xf32, #tpu.memory_space<vmem_shared>> -> memref<10000x128xf32, #tpu.memory_space<vmem_shared>>
        tpu.wait_indirect_dma semaphore(%run_scoped3A_424 : memref<!tpu.dma_semaphore, #tpu.memory_space<semaphore_mem>>) src(%arg15 : memref<128x128xf32, #tpu.memory_space<vmem>>) dst(%dma_wait3A_436 : memref<10000x128xf32, #tpu.memory_space<vmem_shared>>)
        tpu.yield
      }) : () -> ()
      %eq3A_401 = arith.constant 0 : i32
      %eq3A_402 = arith.cmpi eq, %arg0, %eq3A_401 : i32
      %convert_element_type3A_403 = arith.extui %eq3A_402 : i1 to i32
      %cond3A_404 = arith.constant 0 : i32
      %cond3A_405 = arith.cmpi ne, %convert_element_type3A_403, %cond3A_404 : i32
      scf.if %cond3A_405 {
        %get3A = arith.constant 1 : i32
        %get3A_424 = arith.index_cast %get3A : i32 to index
        %get3A_425 = arith.constant 0 : index
        %get3A_426 = tpu.vector_load %arg13[%get3A_424, %get3A_425] {strides = array<i32>} : memref<2x128xi32, #tpu.memory_space<vmem>>, vector<16xi32>,
        tpu.vector_store_idx %arg16[%get3A_426], %broadcast_in_dim3A_75 {add = true} : memref<10000xf32, #tpu.memory_space<vmem>>[vector<16xi32>], vector<16xf32>,
        %get3A_427 = arith.constant 1 : i32
        %get3A_428 = arith.index_cast %get3A_427 : i32 to index
        %get3A_429 = arith.constant 16 : index
        %get3A_430 = tpu.vector_load %arg13[%get3A_428, %get3A_429] {strides = array<i32>} : memref<2x128xi32, #tpu.memory_space<vmem>>, vector<16xi32>,
        tpu.vector_store_idx %arg16[%get3A_430], %broadcast_in_dim3A_75 {add = true} : memref<10000xf32, #tpu.memory_space<vmem>>[vector<16xi32>], vector<16xf32>,
        %get3A_431 = arith.constant 1 : i32
        %get3A_432 = arith.index_cast %get3A_431 : i32 to index
        %get3A_433 = arith.constant 32 : index
        %get3A_434 = tpu.vector_load %arg13[%get3A_432, %get3A_433] {strides = array<i32>} : memref<2x128xi32, #tpu.memory_space<vmem>>, vector<16xi32>,
        tpu.vector_store_idx %arg16[%get3A_434], %broadcast_in_dim3A_75 {add = true} : memref<10000xf32, #tpu.memory_space<vmem>>[vector<16xi32>], vector<16xf32>,
        %get3A_435 = arith.constant 1 : i32
        %get3A_436 = arith.index_cast %get3A_435 : i32 to index
        %get3A_437 = arith.constant 48 : index
        %get3A_438 = tpu.vector_load %arg13[%get3A_436, %get3A_437] {strides = array<i32>} : memref<2x128xi32, #tpu.memory_space<vmem>>, vector<16xi32>,
        tpu.vector_store_idx %arg16[%get3A_438], %broadcast_in_dim3A_75 {add = true} : memref<10000xf32, #tpu.memory_space<vmem>>[vector<16xi32>], vector<16xf32>,
        %get3A_439 = arith.constant 1 : i32
        %get3A_440 = arith.index_cast %get3A_439 : i32 to index
        %get3A_441 = arith.constant 64 : index
        %get3A_442 = tpu.vector_load %arg13[%get3A_440, %get3A_441] {strides = array<i32>} : memref<2x128xi32, #tpu.memory_space<vmem>>, vector<16xi32>,
        tpu.vector_store_idx %arg16[%get3A_442], %broadcast_in_dim3A_75 {add = true} : memref<10000xf32, #tpu.memory_space<vmem>>[vector<16xi32>], vector<16xf32>,
        %get3A_443 = arith.constant 1 : i32
        %get3A_444 = arith.index_cast %get3A_443 : i32 to index
        %get3A_445 = arith.constant 80 : index
        %get3A_446 = tpu.vector_load %arg13[%get3A_444, %get3A_445] {strides = array<i32>} : memref<2x128xi32, #tpu.memory_space<vmem>>, vector<16xi32>,
        tpu.vector_store_idx %arg16[%get3A_446], %broadcast_in_dim3A_75 {add = true} : memref<10000xf32, #tpu.memory_space<vmem>>[vector<16xi32>], vector<16xf32>,
        %get3A_447 = arith.constant 1 : i32
        %get3A_448 = arith.index_cast %get3A_447 : i32 to index
        %get3A_449 = arith.constant 96 : index
        %get3A_450 = tpu.vector_load %arg13[%get3A_448, %get3A_449] {strides = array<i32>} : memref<2x128xi32, #tpu.memory_space<vmem>>, vector<16xi32>,
        tpu.vector_store_idx %arg16[%get3A_450], %broadcast_in_dim3A_75 {add = true} : memref<10000xf32, #tpu.memory_space<vmem>>[vector<16xi32>], vector<16xf32>,
        %get3A_451 = arith.constant 1 : i32
        %get3A_452 = arith.index_cast %get3A_451 : i32 to index
        %get3A_453 = arith.constant 112 : index
        %get3A_454 = tpu.vector_load %arg13[%get3A_452, %get3A_453] {strides = array<i32>} : memref<2x128xi32, #tpu.memory_space<vmem>>, vector<16xi32>,
        tpu.vector_store_idx %arg16[%get3A_454], %broadcast_in_dim3A_75 {add = true} : memref<10000xf32, #tpu.memory_space<vmem>>[vector<16xi32>], vector<16xf32>,
      } else {
      }
      %mul3A_406 = arith.constant 2 : i32
      %mul3A_407 = arith.muli %mul3A_406, %scan3A_353 : i32
      %add3A_408 = arith.constant 3 : i32
      %add3A_409 = arith.addi %mul3A_407, %add3A_408 : i32
      %mul3A_410 = arith.constant 16 : i32
      %mul3A_411 = arith.muli %add3A_409, %mul3A_410 : i32
      %add3A_412 = arith.addi %mul3A_411, %arg1 : i32
      "tpu.region"() ({
        %run_scoped3A_424 = tpu.sem_alloc : memref<!tpu.dma_semaphore, #tpu.memory_space<semaphore_mem>>
        %dma_start3A_425 = arith.constant 0 : i32
        %dma_start3A_426 = arith.constant 0 : i32
        %dma_start3A_427 = tpu.memref_slice %arg3[%add3A_412, %dma_start3A_425, %dma_start3A_426] : memref<1250x2x128xi32, #tpu.memory_space<hbm>> -> memref<1x2x128xi32, #tpu.memory_space<hbm>>
        %dma_start3A_428 = tpu.memref_squeeze %dma_start3A_427 : memref<1x2x128xi32, #tpu.memory_space<hbm>> -> memref<2x128xi32, #tpu.memory_space<hbm>>
        %dma_start3A_429 = arith.constant 0 : i32
        %dma_start3A_430 = arith.constant 0 : i32
        %dma_start3A_431 = tpu.memref_slice %arg3[%add3A_412, %dma_start3A_429, %dma_start3A_430] : memref<1250x2x128xi32, #tpu.memory_space<hbm>> -> memref<1x2x128xi32, #tpu.memory_space<hbm>>
        %dma_start3A_432 = tpu.memref_squeeze %dma_start3A_431 : memref<1x2x128xi32, #tpu.memory_space<hbm>> -> memref<2x128xi32, #tpu.memory_space<hbm>>
        tpu.enqueue_dma source(%dma_start3A_432 : memref<2x128xi32, #tpu.memory_space<hbm>>) target(%arg13 : memref<2x128xi32, #tpu.memory_space<vmem>>) target_semaphore(%run_scoped3A_424 : memref<!tpu.dma_semaphore, #tpu.memory_space<semaphore_mem>>)
        %dma_wait3A_433 = arith.constant 0 : i32
        %dma_wait3A_434 = arith.constant 0 : i32
        %dma_wait3A_435 = tpu.memref_slice %arg3[%add3A_412, %dma_wait3A_433, %dma_wait3A_434] : memref<1250x2x128xi32, #tpu.memory_space<hbm>> -> memref<1x2x128xi32, #tpu.memory_space<hbm>>
        %dma_wait3A_436 = tpu.memref_squeeze %dma_wait3A_435 : memref<1x2x128xi32, #tpu.memory_space<hbm>> -> memref<2x128xi32, #tpu.memory_space<hbm>>
        %dma_wait3A_437 = arith.constant 0 : i32
        %dma_wait3A_438 = arith.constant 0 : i32
        %dma_wait3A_439 = tpu.memref_slice %arg3[%add3A_412, %dma_wait3A_437, %dma_wait3A_438] : memref<1250x2x128xi32, #tpu.memory_space<hbm>> -> memref<1x2x128xi32, #tpu.memory_space<hbm>>
        %dma_wait3A_440 = tpu.memref_squeeze %dma_wait3A_439 : memref<1x2x128xi32, #tpu.memory_space<hbm>> -> memref<2x128xi32, #tpu.memory_space<hbm>>
        tpu.wait_dma2 semaphore(%run_scoped3A_424 : memref<!tpu.dma_semaphore, #tpu.memory_space<semaphore_mem>>) src(%dma_wait3A_440 : memref<2x128xi32, #tpu.memory_space<hbm>>) dst(%arg13 : memref<2x128xi32, #tpu.memory_space<vmem>>)
        tpu.yield
      }) : () -> ()
      %dma_start3A_413 = arith.constant 0 : i32
      %dma_start3A_414 = arith.constant 0 : i32
      %dma_start3A_415 = tpu.memref_slice %arg13[%dma_start3A_413, %dma_start3A_414] : memref<2x128xi32, #tpu.memory_space<vmem>> -> memref<1x128xi32, #tpu.memory_space<vmem>>
      %dma_start3A_416 = tpu.memref_squeeze %dma_start3A_415 : memref<1x128xi32, #tpu.memory_space<vmem>> -> memref<128xi32, #tpu.memory_space<vmem>>
      %dma_start3A_417 = arith.constant 0 : i32
      %dma_start3A_418 = arith.constant 0 : i32
      %dma_start3A_419 = tpu.memref_slice %arg2[%arg0, %dma_start3A_417, %dma_start3A_418] : memref<2x10000x128xf32, #tpu.memory_space<hbm>> -> memref<1x10000x128xf32, #tpu.memory_space<hbm>>
      %dma_start3A_420 = tpu.memref_squeeze %dma_start3A_419 : memref<1x10000x128xf32, #tpu.memory_space<hbm>> -> memref<10000x128xf32, #tpu.memory_space<hbm>>
      %dma_start3A_421 = arith.constant 0 : i32
      %dma_start3A_422 = arith.constant 0 : i32
      %dma_start3A_423 = tpu.memref_slice %dma_start3A_420[%dma_start3A_421, %dma_start3A_422] : memref<10000x128xf32, #tpu.memory_space<hbm>> -> memref<10000x128xf32, #tpu.memory_space<hbm>>
      tpu.enqueue_indirect_dma source(%dma_start3A_423 : memref<10000x128xf32, #tpu.memory_space<hbm>>) target(%arg15 : memref<128x128xf32, #tpu.memory_space<vmem>>) offsets(%dma_start3A_416 : memref<128xi32, #tpu.memory_space<vmem>>) semaphore(%arg19 : memref<!tpu.dma_semaphore, #tpu.memory_space<semaphore_mem>>)
    }
    %scan3A_106 = arith.constant 38 : i32
    %dma_wait3A_107 = arith.constant 0 : i32
    %dma_wait3A_108 = arith.constant 0 : i32
    %dma_wait3A_109 = tpu.memref_slice %arg12[%dma_wait3A_107, %dma_wait3A_108] : memref<2x128xi32, #tpu.memory_space<vmem>> -> memref<1x128xi32, #tpu.memory_space<vmem>>
    %dma_wait3A_110 = tpu.memref_squeeze %dma_wait3A_109 : memref<1x128xi32, #tpu.memory_space<vmem>> -> memref<128xi32, #tpu.memory_space<vmem>>
    %dma_wait3A_111 = arith.constant 0 : i32
    %dma_wait3A_112 = arith.constant 0 : i32
    %dma_wait3A_113 = tpu.memref_slice %arg2[%arg0, %dma_wait3A_111, %dma_wait3A_112] : memref<2x10000x128xf32, #tpu.memory_space<hbm>> -> memref<1x10000x128xf32, #tpu.memory_space<hbm>>
    %dma_wait3A_114 = tpu.memref_squeeze %dma_wait3A_113 : memref<1x10000x128xf32, #tpu.memory_space<hbm>> -> memref<10000x128xf32, #tpu.memory_space<hbm>>
    %dma_wait3A_115 = arith.constant 0 : i32
    %dma_wait3A_116 = arith.constant 0 : i32
    %dma_wait3A_117 = tpu.memref_slice %dma_wait3A_114[%dma_wait3A_115, %dma_wait3A_116] : memref<10000x128xf32, #tpu.memory_space<hbm>> -> memref<10000x128xf32, #tpu.memory_space<hbm>>
    tpu.wait_indirect_dma semaphore(%arg18 : memref<!tpu.dma_semaphore, #tpu.memory_space<semaphore_mem>>) src(%dma_wait3A_117 : memref<10000x128xf32, #tpu.memory_space<hbm>>) dst(%arg14 : memref<128x128xf32, #tpu.memory_space<vmem>>)
    %run_scoped3A = arith.constant 1 : i32
    "tpu.region"() ({
      %run_scoped3A_353 = tpu.sem_alloc : memref<!tpu.dma_semaphore, #tpu.memory_space<semaphore_mem>>
      %dma_start3A_354 = arith.constant 0 : i32
      %dma_start3A_355 = tpu.memref_slice %arg12[%run_scoped3A, %dma_start3A_354] : memref<2x128xi32, #tpu.memory_space<vmem>> -> memref<1x128xi32, #tpu.memory_space<vmem>>
      %dma_start3A_356 = tpu.memref_squeeze %dma_start3A_355 : memref<1x128xi32, #tpu.memory_space<vmem>> -> memref<128xi32, #tpu.memory_space<vmem>>
      %dma_start3A_357 = arith.constant 0 : i32
      %dma_start3A_358 = arith.constant 0 : i32
      %dma_start3A_359 = tpu.memref_slice %arg17[%dma_start3A_357, %dma_start3A_358] : memref<10000x128xf32, #tpu.memory_space<vmem_shared>> -> memref<10000x128xf32, #tpu.memory_space<vmem_shared>>
      tpu.enqueue_indirect_dma source(%arg14 : memref<128x128xf32, #tpu.memory_space<vmem>>) target(%dma_start3A_359 : memref<10000x128xf32, #tpu.memory_space<vmem_shared>>) offsets(%dma_start3A_356 : memref<128xi32, #tpu.memory_space<vmem>>) semaphore(%run_scoped3A_353 : memref<!tpu.dma_semaphore, #tpu.memory_space<semaphore_mem>>) {add = true}
      %dma_wait3A_360 = arith.constant 0 : i32
      %dma_wait3A_361 = tpu.memref_slice %arg12[%run_scoped3A, %dma_wait3A_360] : memref<2x128xi32, #tpu.memory_space<vmem>> -> memref<1x128xi32, #tpu.memory_space<vmem>>
      %dma_wait3A_362 = tpu.memref_squeeze %dma_wait3A_361 : memref<1x128xi32, #tpu.memory_space<vmem>> -> memref<128xi32, #tpu.memory_space<vmem>>
      %dma_wait3A_363 = arith.constant 0 : i32
      %dma_wait3A_364 = arith.constant 0 : i32
      %dma_wait3A_365 = tpu.memref_slice %arg17[%dma_wait3A_363, %dma_wait3A_364] : memref<10000x128xf32, #tpu.memory_space<vmem_shared>> -> memref<10000x128xf32, #tpu.memory_space<vmem_shared>>
      tpu.wait_indirect_dma semaphore(%run_scoped3A_353 : memref<!tpu.dma_semaphore, #tpu.memory_space<semaphore_mem>>) src(%arg14 : memref<128x128xf32, #tpu.memory_space<vmem>>) dst(%dma_wait3A_365 : memref<10000x128xf32, #tpu.memory_space<vmem_shared>>)
      tpu.yield
    }) : () -> ()
    %eq3A_118 = arith.constant 0 : i32
    %eq3A_119 = arith.cmpi eq, %arg0, %eq3A_118 : i32
    %convert_element_type3A_120 = arith.extui %eq3A_119 : i1 to i32
    %cond3A_121 = arith.constant 0 : i32
    %cond3A_122 = arith.cmpi ne, %convert_element_type3A_120, %cond3A_121 : i32
    scf.if %cond3A_122 {
      %get3A = arith.constant 1 : i32
      %get3A_353 = arith.index_cast %get3A : i32 to index
      %get3A_354 = arith.constant 0 : index
      %get3A_355 = tpu.vector_load %arg12[%get3A_353, %get3A_354] {strides = array<i32>} : memref<2x128xi32, #tpu.memory_space<vmem>>, vector<16xi32>,
      tpu.vector_store_idx %arg16[%get3A_355], %broadcast_in_dim3A_75 {add = true} : memref<10000xf32, #tpu.memory_space<vmem>>[vector<16xi32>], vector<16xf32>,
      %get3A_356 = arith.constant 1 : i32
      %get3A_357 = arith.index_cast %get3A_356 : i32 to index
      %get3A_358 = arith.constant 16 : index
      %get3A_359 = tpu.vector_load %arg12[%get3A_357, %get3A_358] {strides = array<i32>} : memref<2x128xi32, #tpu.memory_space<vmem>>, vector<16xi32>,
      tpu.vector_store_idx %arg16[%get3A_359], %broadcast_in_dim3A_75 {add = true} : memref<10000xf32, #tpu.memory_space<vmem>>[vector<16xi32>], vector<16xf32>,
      %get3A_360 = arith.constant 1 : i32
      %get3A_361 = arith.index_cast %get3A_360 : i32 to index
      %get3A_362 = arith.constant 32 : index
      %get3A_363 = tpu.vector_load %arg12[%get3A_361, %get3A_362] {strides = array<i32>} : memref<2x128xi32, #tpu.memory_space<vmem>>, vector<16xi32>,
      tpu.vector_store_idx %arg16[%get3A_363], %broadcast_in_dim3A_75 {add = true} : memref<10000xf32, #tpu.memory_space<vmem>>[vector<16xi32>], vector<16xf32>,
      %get3A_364 = arith.constant 1 : i32
      %get3A_365 = arith.index_cast %get3A_364 : i32 to index
      %get3A_366 = arith.constant 48 : index
      %get3A_367 = tpu.vector_load %arg12[%get3A_365, %get3A_366] {strides = array<i32>} : memref<2x128xi32, #tpu.memory_space<vmem>>, vector<16xi32>,
      tpu.vector_store_idx %arg16[%get3A_367], %broadcast_in_dim3A_75 {add = true} : memref<10000xf32, #tpu.memory_space<vmem>>[vector<16xi32>], vector<16xf32>,
      %get3A_368 = arith.constant 1 : i32
      %get3A_369 = arith.index_cast %get3A_368 : i32 to index
      %get3A_370 = arith.constant 64 : index
      %get3A_371 = tpu.vector_load %arg12[%get3A_369, %get3A_370] {strides = array<i32>} : memref<2x128xi32, #tpu.memory_space<vmem>>, vector<16xi32>,
      tpu.vector_store_idx %arg16[%get3A_371], %broadcast_in_dim3A_75 {add = true} : memref<10000xf32, #tpu.memory_space<vmem>>[vector<16xi32>], vector<16xf32>,
      %get3A_372 = arith.constant 1 : i32
      %get3A_373 = arith.index_cast %get3A_372 : i32 to index
      %get3A_374 = arith.constant 80 : index
      %get3A_375 = tpu.vector_load %arg12[%get3A_373, %get3A_374] {strides = array<i32>} : memref<2x128xi32, #tpu.memory_space<vmem>>, vector<16xi32>,
      tpu.vector_store_idx %arg16[%get3A_375], %broadcast_in_dim3A_75 {add = true} : memref<10000xf32, #tpu.memory_space<vmem>>[vector<16xi32>], vector<16xf32>,
      %get3A_376 = arith.constant 1 : i32
      %get3A_377 = arith.index_cast %get3A_376 : i32 to index
      %get3A_378 = arith.constant 96 : index
      %get3A_379 = tpu.vector_load %arg12[%get3A_377, %get3A_378] {strides = array<i32>} : memref<2x128xi32, #tpu.memory_space<vmem>>, vector<16xi32>,
      tpu.vector_store_idx %arg16[%get3A_379], %broadcast_in_dim3A_75 {add = true} : memref<10000xf32, #tpu.memory_space<vmem>>[vector<16xi32>], vector<16xf32>,
      %get3A_380 = arith.constant 1 : i32
      %get3A_381 = arith.index_cast %get3A_380 : i32 to index
      %get3A_382 = arith.constant 112 : index
      %get3A_383 = tpu.vector_load %arg12[%get3A_381, %get3A_382] {strides = array<i32>} : memref<2x128xi32, #tpu.memory_space<vmem>>, vector<16xi32>,
      tpu.vector_store_idx %arg16[%get3A_383], %broadcast_in_dim3A_75 {add = true} : memref<10000xf32, #tpu.memory_space<vmem>>[vector<16xi32>], vector<16xf32>,
    } else {
    }
    %lt3A = arith.constant 2 : i32
    %lt3A_123 = arith.cmpi slt, %arg1, %lt3A : i32
    %convert_element_type3A_124 = arith.extui %lt3A_123 : i1 to i32
    %cond3A_125 = arith.constant 0 : i32
    %cond3A_126 = arith.cmpi ne, %convert_element_type3A_124, %cond3A_125 : i32
    scf.if %cond3A_126 {
      %add3A_353 = arith.constant 1248 : i32
      %add3A_354 = arith.addi %add3A_353, %arg1 : i32
      "tpu.region"() ({
        %run_scoped3A_366 = tpu.sem_alloc : memref<!tpu.dma_semaphore, #tpu.memory_space<semaphore_mem>>
        %dma_start3A_367 = arith.constant 0 : i32
        %dma_start3A_368 = arith.constant 0 : i32
        %dma_start3A_369 = tpu.memref_slice %arg3[%add3A_354, %dma_start3A_367, %dma_start3A_368] : memref<1250x2x128xi32, #tpu.memory_space<hbm>> -> memref<1x2x128xi32, #tpu.memory_space<hbm>>
        %dma_start3A_370 = tpu.memref_squeeze %dma_start3A_369 : memref<1x2x128xi32, #tpu.memory_space<hbm>> -> memref<2x128xi32, #tpu.memory_space<hbm>>
        %dma_start3A_371 = arith.constant 0 : i32
        %dma_start3A_372 = arith.constant 0 : i32
        %dma_start3A_373 = tpu.memref_slice %arg3[%add3A_354, %dma_start3A_371, %dma_start3A_372] : memref<1250x2x128xi32, #tpu.memory_space<hbm>> -> memref<1x2x128xi32, #tpu.memory_space<hbm>>
        %dma_start3A_374 = tpu.memref_squeeze %dma_start3A_373 : memref<1x2x128xi32, #tpu.memory_space<hbm>> -> memref<2x128xi32, #tpu.memory_space<hbm>>
        tpu.enqueue_dma source(%dma_start3A_374 : memref<2x128xi32, #tpu.memory_space<hbm>>) target(%arg12 : memref<2x128xi32, #tpu.memory_space<vmem>>) target_semaphore(%run_scoped3A_366 : memref<!tpu.dma_semaphore, #tpu.memory_space<semaphore_mem>>)
        %dma_wait3A_375 = arith.constant 0 : i32
        %dma_wait3A_376 = arith.constant 0 : i32
        %dma_wait3A_377 = tpu.memref_slice %arg3[%add3A_354, %dma_wait3A_375, %dma_wait3A_376] : memref<1250x2x128xi32, #tpu.memory_space<hbm>> -> memref<1x2x128xi32, #tpu.memory_space<hbm>>
        %dma_wait3A_378 = tpu.memref_squeeze %dma_wait3A_377 : memref<1x2x128xi32, #tpu.memory_space<hbm>> -> memref<2x128xi32, #tpu.memory_space<hbm>>
        %dma_wait3A_379 = arith.constant 0 : i32
        %dma_wait3A_380 = arith.constant 0 : i32
        %dma_wait3A_381 = tpu.memref_slice %arg3[%add3A_354, %dma_wait3A_379, %dma_wait3A_380] : memref<1250x2x128xi32, #tpu.memory_space<hbm>> -> memref<1x2x128xi32, #tpu.memory_space<hbm>>
        %dma_wait3A_382 = tpu.memref_squeeze %dma_wait3A_381 : memref<1x2x128xi32, #tpu.memory_space<hbm>> -> memref<2x128xi32, #tpu.memory_space<hbm>>
        tpu.wait_dma2 semaphore(%run_scoped3A_366 : memref<!tpu.dma_semaphore, #tpu.memory_space<semaphore_mem>>) src(%dma_wait3A_382 : memref<2x128xi32, #tpu.memory_space<hbm>>) dst(%arg12 : memref<2x128xi32, #tpu.memory_space<vmem>>)
        tpu.yield
      }) : () -> ()
      %dma_start3A_355 = arith.constant 0 : i32
      %dma_start3A_356 = arith.constant 0 : i32
      %dma_start3A_357 = tpu.memref_slice %arg12[%dma_start3A_355, %dma_start3A_356] : memref<2x128xi32, #tpu.memory_space<vmem>> -> memref<1x128xi32, #tpu.memory_space<vmem>>
      %dma_start3A_358 = tpu.memref_squeeze %dma_start3A_357 : memref<1x128xi32, #tpu.memory_space<vmem>> -> memref<128xi32, #tpu.memory_space<vmem>>
      %dma_start3A_359 = arith.constant 0 : i32
      %dma_start3A_360 = arith.constant 0 : i32
      %dma_start3A_361 = tpu.memref_slice %arg2[%arg0, %dma_start3A_359, %dma_start3A_360] : memref<2x10000x128xf32, #tpu.memory_space<hbm>> -> memref<1x10000x128xf32, #tpu.memory_space<hbm>>
      %dma_start3A_362 = tpu.memref_squeeze %dma_start3A_361 : memref<1x10000x128xf32, #tpu.memory_space<hbm>> -> memref<10000x128xf32, #tpu.memory_space<hbm>>
      %dma_start3A_363 = arith.constant 0 : i32
      %dma_start3A_364 = arith.constant 0 : i32
      %dma_start3A_365 = tpu.memref_slice %dma_start3A_362[%dma_start3A_363, %dma_start3A_364] : memref<10000x128xf32, #tpu.memory_space<hbm>> -> memref<10000x128xf32, #tpu.memory_space<hbm>>
      tpu.enqueue_indirect_dma source(%dma_start3A_365 : memref<10000x128xf32, #tpu.memory_space<hbm>>) target(%arg14 : memref<128x128xf32, #tpu.memory_space<vmem>>) offsets(%dma_start3A_358 : memref<128xi32, #tpu.memory_space<vmem>>) semaphore(%arg18 : memref<!tpu.dma_semaphore, #tpu.memory_space<semaphore_mem>>)
    } else {
    }
    %dma_wait3A_127 = arith.constant 0 : i32
    %dma_wait3A_128 = arith.constant 0 : i32
    %dma_wait3A_129 = tpu.memref_slice %arg13[%dma_wait3A_127, %dma_wait3A_128] : memref<2x128xi32, #tpu.memory_space<vmem>> -> memref<1x128xi32, #tpu.memory_space<vmem>>
    %dma_wait3A_130 = tpu.memref_squeeze %dma_wait3A_129 : memref<1x128xi32, #tpu.memory_space<vmem>> -> memref<128xi32, #tpu.memory_space<vmem>>
    %dma_wait3A_131 = arith.constant 0 : i32
    %dma_wait3A_132 = arith.constant 0 : i32
    %dma_wait3A_133 = tpu.memref_slice %arg2[%arg0, %dma_wait3A_131, %dma_wait3A_132] : memref<2x10000x128xf32, #tpu.memory_space<hbm>> -> memref<1x10000x128xf32, #tpu.memory_space<hbm>>
    %dma_wait3A_134 = tpu.memref_squeeze %dma_wait3A_133 : memref<1x10000x128xf32, #tpu.memory_space<hbm>> -> memref<10000x128xf32, #tpu.memory_space<hbm>>
    %dma_wait3A_135 = arith.constant 0 : i32
    %dma_wait3A_136 = arith.constant 0 : i32
    %dma_wait3A_137 = tpu.memref_slice %dma_wait3A_134[%dma_wait3A_135, %dma_wait3A_136] : memref<10000x128xf32, #tpu.memory_space<hbm>> -> memref<10000x128xf32, #tpu.memory_space<hbm>>
    tpu.wait_indirect_dma semaphore(%arg19 : memref<!tpu.dma_semaphore, #tpu.memory_space<semaphore_mem>>) src(%dma_wait3A_137 : memref<10000x128xf32, #tpu.memory_space<hbm>>) dst(%arg15 : memref<128x128xf32, #tpu.memory_space<vmem>>)
    %run_scoped3A_138 = arith.constant 1 : i32
    "tpu.region"() ({
      %run_scoped3A_353 = tpu.sem_alloc : memref<!tpu.dma_semaphore, #tpu.memory_space<semaphore_mem>>
      %dma_start3A_354 = arith.constant 0 : i32
      %dma_start3A_355 = tpu.memref_slice %arg13[%run_scoped3A_138, %dma_start3A_354] : memref<2x128xi32, #tpu.memory_space<vmem>> -> memref<1x128xi32, #tpu.memory_space<vmem>>
      %dma_start3A_356 = tpu.memref_squeeze %dma_start3A_355 : memref<1x128xi32, #tpu.memory_space<vmem>> -> memref<128xi32, #tpu.memory_space<vmem>>
      %dma_start3A_357 = arith.constant 0 : i32
      %dma_start3A_358 = arith.constant 0 : i32
      %dma_start3A_359 = tpu.memref_slice %arg17[%dma_start3A_357, %dma_start3A_358] : memref<10000x128xf32, #tpu.memory_space<vmem_shared>> -> memref<10000x128xf32, #tpu.memory_space<vmem_shared>>
      tpu.enqueue_indirect_dma source(%arg15 : memref<128x128xf32, #tpu.memory_space<vmem>>) target(%dma_start3A_359 : memref<10000x128xf32, #tpu.memory_space<vmem_shared>>) offsets(%dma_start3A_356 : memref<128xi32, #tpu.memory_space<vmem>>) semaphore(%run_scoped3A_353 : memref<!tpu.dma_semaphore, #tpu.memory_space<semaphore_mem>>) {add = true}
      %dma_wait3A_360 = arith.constant 0 : i32
      %dma_wait3A_361 = tpu.memref_slice %arg13[%run_scoped3A_138, %dma_wait3A_360] : memref<2x128xi32, #tpu.memory_space<vmem>> -> memref<1x128xi32, #tpu.memory_space<vmem>>
      %dma_wait3A_362 = tpu.memref_squeeze %dma_wait3A_361 : memref<1x128xi32, #tpu.memory_space<vmem>> -> memref<128xi32, #tpu.memory_space<vmem>>
      %dma_wait3A_363 = arith.constant 0 : i32
      %dma_wait3A_364 = arith.constant 0 : i32
      %dma_wait3A_365 = tpu.memref_slice %arg17[%dma_wait3A_363, %dma_wait3A_364] : memref<10000x128xf32, #tpu.memory_space<vmem_shared>> -> memref<10000x128xf32, #tpu.memory_space<vmem_shared>>
      tpu.wait_indirect_dma semaphore(%run_scoped3A_353 : memref<!tpu.dma_semaphore, #tpu.memory_space<semaphore_mem>>) src(%arg15 : memref<128x128xf32, #tpu.memory_space<vmem>>) dst(%dma_wait3A_365 : memref<10000x128xf32, #tpu.memory_space<vmem_shared>>)
      tpu.yield
    }) : () -> ()
    %eq3A_139 = arith.constant 0 : i32
    %eq3A_140 = arith.cmpi eq, %arg0, %eq3A_139 : i32
    %convert_element_type3A_141 = arith.extui %eq3A_140 : i1 to i32
    %cond3A_142 = arith.constant 0 : i32
    %cond3A_143 = arith.cmpi ne, %convert_element_type3A_141, %cond3A_142 : i32
    scf.if %cond3A_143 {
      %get3A = arith.constant 1 : i32
      %get3A_353 = arith.index_cast %get3A : i32 to index
      %get3A_354 = arith.constant 0 : index
      %get3A_355 = tpu.vector_load %arg13[%get3A_353, %get3A_354] {strides = array<i32>} : memref<2x128xi32, #tpu.memory_space<vmem>>, vector<16xi32>,
      tpu.vector_store_idx %arg16[%get3A_355], %broadcast_in_dim3A_75 {add = true} : memref<10000xf32, #tpu.memory_space<vmem>>[vector<16xi32>], vector<16xf32>,
      %get3A_356 = arith.constant 1 : i32
      %get3A_357 = arith.index_cast %get3A_356 : i32 to index
      %get3A_358 = arith.constant 16 : index
      %get3A_359 = tpu.vector_load %arg13[%get3A_357, %get3A_358] {strides = array<i32>} : memref<2x128xi32, #tpu.memory_space<vmem>>, vector<16xi32>,
      tpu.vector_store_idx %arg16[%get3A_359], %broadcast_in_dim3A_75 {add = true} : memref<10000xf32, #tpu.memory_space<vmem>>[vector<16xi32>], vector<16xf32>,
      %get3A_360 = arith.constant 1 : i32
      %get3A_361 = arith.index_cast %get3A_360 : i32 to index
      %get3A_362 = arith.constant 32 : index
      %get3A_363 = tpu.vector_load %arg13[%get3A_361, %get3A_362] {strides = array<i32>} : memref<2x128xi32, #tpu.memory_space<vmem>>, vector<16xi32>,
      tpu.vector_store_idx %arg16[%get3A_363], %broadcast_in_dim3A_75 {add = true} : memref<10000xf32, #tpu.memory_space<vmem>>[vector<16xi32>], vector<16xf32>,
      %get3A_364 = arith.constant 1 : i32
      %get3A_365 = arith.index_cast %get3A_364 : i32 to index
      %get3A_366 = arith.constant 48 : index
      %get3A_367 = tpu.vector_load %arg13[%get3A_365, %get3A_366] {strides = array<i32>} : memref<2x128xi32, #tpu.memory_space<vmem>>, vector<16xi32>,
      tpu.vector_store_idx %arg16[%get3A_367], %broadcast_in_dim3A_75 {add = true} : memref<10000xf32, #tpu.memory_space<vmem>>[vector<16xi32>], vector<16xf32>,
      %get3A_368 = arith.constant 1 : i32
      %get3A_369 = arith.index_cast %get3A_368 : i32 to index
      %get3A_370 = arith.constant 64 : index
      %get3A_371 = tpu.vector_load %arg13[%get3A_369, %get3A_370] {strides = array<i32>} : memref<2x128xi32, #tpu.memory_space<vmem>>, vector<16xi32>,
      tpu.vector_store_idx %arg16[%get3A_371], %broadcast_in_dim3A_75 {add = true} : memref<10000xf32, #tpu.memory_space<vmem>>[vector<16xi32>], vector<16xf32>,
      %get3A_372 = arith.constant 1 : i32
      %get3A_373 = arith.index_cast %get3A_372 : i32 to index
      %get3A_374 = arith.constant 80 : index
      %get3A_375 = tpu.vector_load %arg13[%get3A_373, %get3A_374] {strides = array<i32>} : memref<2x128xi32, #tpu.memory_space<vmem>>, vector<16xi32>,
      tpu.vector_store_idx %arg16[%get3A_375], %broadcast_in_dim3A_75 {add = true} : memref<10000xf32, #tpu.memory_space<vmem>>[vector<16xi32>], vector<16xf32>,
      %get3A_376 = arith.constant 1 : i32
      %get3A_377 = arith.index_cast %get3A_376 : i32 to index
      %get3A_378 = arith.constant 96 : index
      %get3A_379 = tpu.vector_load %arg13[%get3A_377, %get3A_378] {strides = array<i32>} : memref<2x128xi32, #tpu.memory_space<vmem>>, vector<16xi32>,
      tpu.vector_store_idx %arg16[%get3A_379], %broadcast_in_dim3A_75 {add = true} : memref<10000xf32, #tpu.memory_space<vmem>>[vector<16xi32>], vector<16xf32>,
      %get3A_380 = arith.constant 1 : i32
      %get3A_381 = arith.index_cast %get3A_380 : i32 to index
      %get3A_382 = arith.constant 112 : index
      %get3A_383 = tpu.vector_load %arg13[%get3A_381, %get3A_382] {strides = array<i32>} : memref<2x128xi32, #tpu.memory_space<vmem>>, vector<16xi32>,
      tpu.vector_store_idx %arg16[%get3A_383], %broadcast_in_dim3A_75 {add = true} : memref<10000xf32, #tpu.memory_space<vmem>>[vector<16xi32>], vector<16xf32>,
    } else {
    }
    %lt3A_144 = arith.constant 2 : i32
    %lt3A_145 = arith.cmpi slt, %arg1, %lt3A_144 : i32
    %convert_element_type3A_146 = arith.extui %lt3A_145 : i1 to i32
    %cond3A_147 = arith.constant 0 : i32
    %cond3A_148 = arith.cmpi ne, %convert_element_type3A_146, %cond3A_147 : i32
    scf.if %cond3A_148 {
      %dma_wait3A_353 = arith.constant 0 : i32
      %dma_wait3A_354 = arith.constant 0 : i32
      %dma_wait3A_355 = tpu.memref_slice %arg12[%dma_wait3A_353, %dma_wait3A_354] : memref<2x128xi32, #tpu.memory_space<vmem>> -> memref<1x128xi32, #tpu.memory_space<vmem>>
      %dma_wait3A_356 = tpu.memref_squeeze %dma_wait3A_355 : memref<1x128xi32, #tpu.memory_space<vmem>> -> memref<128xi32, #tpu.memory_space<vmem>>
      %dma_wait3A_357 = arith.constant 0 : i32
      %dma_wait3A_358 = arith.constant 0 : i32
      %dma_wait3A_359 = tpu.memref_slice %arg2[%arg0, %dma_wait3A_357, %dma_wait3A_358] : memref<2x10000x128xf32, #tpu.memory_space<hbm>> -> memref<1x10000x128xf32, #tpu.memory_space<hbm>>
      %dma_wait3A_360 = tpu.memref_squeeze %dma_wait3A_359 : memref<1x10000x128xf32, #tpu.memory_space<hbm>> -> memref<10000x128xf32, #tpu.memory_space<hbm>>
      %dma_wait3A_361 = arith.constant 0 : i32
      %dma_wait3A_362 = arith.constant 0 : i32
      %dma_wait3A_363 = tpu.memref_slice %dma_wait3A_360[%dma_wait3A_361, %dma_wait3A_362] : memref<10000x128xf32, #tpu.memory_space<hbm>> -> memref<10000x128xf32, #tpu.memory_space<hbm>>
      tpu.wait_indirect_dma semaphore(%arg18 : memref<!tpu.dma_semaphore, #tpu.memory_space<semaphore_mem>>) src(%dma_wait3A_363 : memref<10000x128xf32, #tpu.memory_space<hbm>>) dst(%arg14 : memref<128x128xf32, #tpu.memory_space<vmem>>)
      %run_scoped3A_364 = arith.constant 1 : i32
      "tpu.region"() ({
        %run_scoped3A_370 = tpu.sem_alloc : memref<!tpu.dma_semaphore, #tpu.memory_space<semaphore_mem>>
        %dma_start3A_371 = arith.constant 0 : i32
        %dma_start3A_372 = tpu.memref_slice %arg12[%run_scoped3A_364, %dma_start3A_371] : memref<2x128xi32, #tpu.memory_space<vmem>> -> memref<1x128xi32, #tpu.memory_space<vmem>>
        %dma_start3A_373 = tpu.memref_squeeze %dma_start3A_372 : memref<1x128xi32, #tpu.memory_space<vmem>> -> memref<128xi32, #tpu.memory_space<vmem>>
        %dma_start3A_374 = arith.constant 0 : i32
        %dma_start3A_375 = arith.constant 0 : i32
        %dma_start3A_376 = tpu.memref_slice %arg17[%dma_start3A_374, %dma_start3A_375] : memref<10000x128xf32, #tpu.memory_space<vmem_shared>> -> memref<10000x128xf32, #tpu.memory_space<vmem_shared>>
        tpu.enqueue_indirect_dma source(%arg14 : memref<128x128xf32, #tpu.memory_space<vmem>>) target(%dma_start3A_376 : memref<10000x128xf32, #tpu.memory_space<vmem_shared>>) offsets(%dma_start3A_373 : memref<128xi32, #tpu.memory_space<vmem>>) semaphore(%run_scoped3A_370 : memref<!tpu.dma_semaphore, #tpu.memory_space<semaphore_mem>>) {add = true}
        %dma_wait3A_377 = arith.constant 0 : i32
        %dma_wait3A_378 = tpu.memref_slice %arg12[%run_scoped3A_364, %dma_wait3A_377] : memref<2x128xi32, #tpu.memory_space<vmem>> -> memref<1x128xi32, #tpu.memory_space<vmem>>
        %dma_wait3A_379 = tpu.memref_squeeze %dma_wait3A_378 : memref<1x128xi32, #tpu.memory_space<vmem>> -> memref<128xi32, #tpu.memory_space<vmem>>
        %dma_wait3A_380 = arith.constant 0 : i32
        %dma_wait3A_381 = arith.constant 0 : i32
        %dma_wait3A_382 = tpu.memref_slice %arg17[%dma_wait3A_380, %dma_wait3A_381] : memref<10000x128xf32, #tpu.memory_space<vmem_shared>> -> memref<10000x128xf32, #tpu.memory_space<vmem_shared>>
        tpu.wait_indirect_dma semaphore(%run_scoped3A_370 : memref<!tpu.dma_semaphore, #tpu.memory_space<semaphore_mem>>) src(%arg14 : memref<128x128xf32, #tpu.memory_space<vmem>>) dst(%dma_wait3A_382 : memref<10000x128xf32, #tpu.memory_space<vmem_shared>>)
        tpu.yield
      }) : () -> ()
      %eq3A_365 = arith.constant 0 : i32
      %eq3A_366 = arith.cmpi eq, %arg0, %eq3A_365 : i32
      %convert_element_type3A_367 = arith.extui %eq3A_366 : i1 to i32
      %cond3A_368 = arith.constant 0 : i32
      %cond3A_369 = arith.cmpi ne, %convert_element_type3A_367, %cond3A_368 : i32
      scf.if %cond3A_369 {
        %get3A = arith.constant 1 : i32
        %get3A_370 = arith.index_cast %get3A : i32 to index
        %get3A_371 = arith.constant 0 : index
        %get3A_372 = tpu.vector_load %arg12[%get3A_370, %get3A_371] {strides = array<i32>} : memref<2x128xi32, #tpu.memory_space<vmem>>, vector<16xi32>,
        tpu.vector_store_idx %arg16[%get3A_372], %broadcast_in_dim3A_75 {add = true} : memref<10000xf32, #tpu.memory_space<vmem>>[vector<16xi32>], vector<16xf32>,
        %get3A_373 = arith.constant 1 : i32
        %get3A_374 = arith.index_cast %get3A_373 : i32 to index
        %get3A_375 = arith.constant 16 : index
        %get3A_376 = tpu.vector_load %arg12[%get3A_374, %get3A_375] {strides = array<i32>} : memref<2x128xi32, #tpu.memory_space<vmem>>, vector<16xi32>,
        tpu.vector_store_idx %arg16[%get3A_376], %broadcast_in_dim3A_75 {add = true} : memref<10000xf32, #tpu.memory_space<vmem>>[vector<16xi32>], vector<16xf32>,
        %get3A_377 = arith.constant 1 : i32
        %get3A_378 = arith.index_cast %get3A_377 : i32 to index
        %get3A_379 = arith.constant 32 : index
        %get3A_380 = tpu.vector_load %arg12[%get3A_378, %get3A_379] {strides = array<i32>} : memref<2x128xi32, #tpu.memory_space<vmem>>, vector<16xi32>,
        tpu.vector_store_idx %arg16[%get3A_380], %broadcast_in_dim3A_75 {add = true} : memref<10000xf32, #tpu.memory_space<vmem>>[vector<16xi32>], vector<16xf32>,
        %get3A_381 = arith.constant 1 : i32
        %get3A_382 = arith.index_cast %get3A_381 : i32 to index
        %get3A_383 = arith.constant 48 : index
        %get3A_384 = tpu.vector_load %arg12[%get3A_382, %get3A_383] {strides = array<i32>} : memref<2x128xi32, #tpu.memory_space<vmem>>, vector<16xi32>,
        tpu.vector_store_idx %arg16[%get3A_384], %broadcast_in_dim3A_75 {add = true} : memref<10000xf32, #tpu.memory_space<vmem>>[vector<16xi32>], vector<16xf32>,
        %get3A_385 = arith.constant 1 : i32
        %get3A_386 = arith.index_cast %get3A_385 : i32 to index
        %get3A_387 = arith.constant 64 : index
        %get3A_388 = tpu.vector_load %arg12[%get3A_386, %get3A_387] {strides = array<i32>} : memref<2x128xi32, #tpu.memory_space<vmem>>, vector<16xi32>,
        tpu.vector_store_idx %arg16[%get3A_388], %broadcast_in_dim3A_75 {add = true} : memref<10000xf32, #tpu.memory_space<vmem>>[vector<16xi32>], vector<16xf32>,
        %get3A_389 = arith.constant 1 : i32
        %get3A_390 = arith.index_cast %get3A_389 : i32 to index
        %get3A_391 = arith.constant 80 : index
        %get3A_392 = tpu.vector_load %arg12[%get3A_390, %get3A_391] {strides = array<i32>} : memref<2x128xi32, #tpu.memory_space<vmem>>, vector<16xi32>,
        tpu.vector_store_idx %arg16[%get3A_392], %broadcast_in_dim3A_75 {add = true} : memref<10000xf32, #tpu.memory_space<vmem>>[vector<16xi32>], vector<16xf32>,
        %get3A_393 = arith.constant 1 : i32
        %get3A_394 = arith.index_cast %get3A_393 : i32 to index
        %get3A_395 = arith.constant 96 : index
        %get3A_396 = tpu.vector_load %arg12[%get3A_394, %get3A_395] {strides = array<i32>} : memref<2x128xi32, #tpu.memory_space<vmem>>, vector<16xi32>,
        tpu.vector_store_idx %arg16[%get3A_396], %broadcast_in_dim3A_75 {add = true} : memref<10000xf32, #tpu.memory_space<vmem>>[vector<16xi32>], vector<16xf32>,
        %get3A_397 = arith.constant 1 : i32
        %get3A_398 = arith.index_cast %get3A_397 : i32 to index
        %get3A_399 = arith.constant 112 : index
        %get3A_400 = tpu.vector_load %arg12[%get3A_398, %get3A_399] {strides = array<i32>} : memref<2x128xi32, #tpu.memory_space<vmem>>, vector<16xi32>,
        tpu.vector_store_idx %arg16[%get3A_400], %broadcast_in_dim3A_75 {add = true} : memref<10000xf32, #tpu.memory_space<vmem>>[vector<16xi32>], vector<16xf32>,
      } else {
      }
    } else {
    }
    %barrier3A_149 = arith.constant 0 : index
    tpu.barrier barrier_id(%barrier3A_149)
    %scan3A_150 = arith.constant 0 : i32
    %scan3A_151 = arith.constant 0 : i32
    %scan3A_152 = arith.constant 4 : i32
    %scan3A_153 = arith.addi %scan3A_151, %scan3A_152 : i32
    %scan3A_154 = arith.constant 1 : i32
    scf.for %scan3A_353 = %scan3A_151 to %scan3A_153 step %scan3A_154  : i32 {
      %mul3A_354 = arith.constant 128 : i32
      %mul3A_355 = arith.muli %scan3A_353, %mul3A_354 : i32
      %add3A_356 = arith.addi %mul3A_0, %mul3A_355 : i32
      "tpu.region"() ({
        %run_scoped3A_360 = tpu.sem_alloc : memref<!tpu.dma_semaphore, #tpu.memory_space<semaphore_mem>>
        %dma_start3A_361 = arith.constant 0 : i32
        %dma_start3A_362 = tpu.memref_slice %arg17[%add3A_356, %dma_start3A_361] : memref<10000x128xf32, #tpu.memory_space<vmem_shared>> -> memref<128x128xf32, #tpu.memory_space<vmem_shared>>
        %dma_start3A_363 = arith.constant 0 : i32
        %dma_start3A_364 = tpu.memref_slice %arg17[%add3A_356, %dma_start3A_363] : memref<10000x128xf32, #tpu.memory_space<vmem_shared>> -> memref<128x128xf32, #tpu.memory_space<vmem_shared>>
        tpu.enqueue_dma source(%dma_start3A_364 : memref<128x128xf32, #tpu.memory_space<vmem_shared>>) target(%arg14 : memref<128x128xf32, #tpu.memory_space<vmem>>) target_semaphore(%run_scoped3A_360 : memref<!tpu.dma_semaphore, #tpu.memory_space<semaphore_mem>>)
        %dma_wait3A_365 = arith.constant 0 : i32
        %dma_wait3A_366 = tpu.memref_slice %arg17[%add3A_356, %dma_wait3A_365] : memref<10000x128xf32, #tpu.memory_space<vmem_shared>> -> memref<128x128xf32, #tpu.memory_space<vmem_shared>>
        %dma_wait3A_367 = arith.constant 0 : i32
        %dma_wait3A_368 = tpu.memref_slice %arg17[%add3A_356, %dma_wait3A_367] : memref<10000x128xf32, #tpu.memory_space<vmem_shared>> -> memref<128x128xf32, #tpu.memory_space<vmem_shared>>
        tpu.wait_dma2 semaphore(%run_scoped3A_360 : memref<!tpu.dma_semaphore, #tpu.memory_space<semaphore_mem>>) src(%dma_wait3A_368 : memref<128x128xf32, #tpu.memory_space<vmem_shared>>) dst(%arg14 : memref<128x128xf32, #tpu.memory_space<vmem>>)
        tpu.yield
      }) : () -> ()
      %mul3A_357 = arith.constant 128 : i32
      %mul3A_358 = arith.muli %scan3A_353, %mul3A_357 : i32
      %add3A_359 = arith.addi %mul3A_0, %mul3A_358 : i32
      "tpu.region"() ({
        %run_scoped3A_360 = tpu.sem_alloc : memref<!tpu.dma_semaphore, #tpu.memory_space<semaphore_mem>>
        %dma_start3A_361 = arith.constant 0 : i32
        %dma_start3A_362 = tpu.memref_slice %arg8[%arg0, %add3A_359, %dma_start3A_361] : memref<2x10000x128xf32, #tpu.memory_space<hbm>> -> memref<1x128x128xf32, #tpu.memory_space<hbm>>
        %dma_start3A_363 = tpu.memref_squeeze %dma_start3A_362 : memref<1x128x128xf32, #tpu.memory_space<hbm>> -> memref<128x128xf32, #tpu.memory_space<hbm>>
        %dma_start3A_364 = arith.constant 0 : i32
        %dma_start3A_365 = tpu.memref_slice %arg8[%arg0, %add3A_359, %dma_start3A_364] : memref<2x10000x128xf32, #tpu.memory_space<hbm>> -> memref<1x128x128xf32, #tpu.memory_space<hbm>>
        %dma_start3A_366 = tpu.memref_squeeze %dma_start3A_365 : memref<1x128x128xf32, #tpu.memory_space<hbm>> -> memref<128x128xf32, #tpu.memory_space<hbm>>
        tpu.enqueue_dma source(%arg14 : memref<128x128xf32, #tpu.memory_space<vmem>>) target(%dma_start3A_366 : memref<128x128xf32, #tpu.memory_space<hbm>>) target_semaphore(%run_scoped3A_360 : memref<!tpu.dma_semaphore, #tpu.memory_space<semaphore_mem>>)
        %dma_wait3A_367 = arith.constant 0 : i32
        %dma_wait3A_368 = tpu.memref_slice %arg8[%arg0, %add3A_359, %dma_wait3A_367] : memref<2x10000x128xf32, #tpu.memory_space<hbm>> -> memref<1x128x128xf32, #tpu.memory_space<hbm>>
        %dma_wait3A_369 = tpu.memref_squeeze %dma_wait3A_368 : memref<1x128x128xf32, #tpu.memory_space<hbm>> -> memref<128x128xf32, #tpu.memory_space<hbm>>
        %dma_wait3A_370 = arith.constant 0 : i32
        %dma_wait3A_371 = tpu.memref_slice %arg8[%arg0, %add3A_359, %dma_wait3A_370] : memref<2x10000x128xf32, #tpu.memory_space<hbm>> -> memref<1x128x128xf32, #tpu.memory_space<hbm>>
        %dma_wait3A_372 = tpu.memref_squeeze %dma_wait3A_371 : memref<1x128x128xf32, #tpu.memory_space<hbm>> -> memref<128x128xf32, #tpu.memory_space<hbm>>
        tpu.wait_dma2 semaphore(%run_scoped3A_360 : memref<!tpu.dma_semaphore, #tpu.memory_space<semaphore_mem>>) src(%arg14 : memref<128x128xf32, #tpu.memory_space<vmem>>) dst(%dma_wait3A_372 : memref<128x128xf32, #tpu.memory_space<hbm>>)
        tpu.yield
      }) : () -> ()
    }
    %scan3A_155 = arith.constant 4 : i32
    %add3A_156 = arith.constant 624 : i32
    %add3A_157 = arith.addi %mul3A_0, %add3A_156 : i32
    %sub3A_158 = arith.constant 112 : i32
    %sub3A_159 = arith.subi %add3A_157, %sub3A_158 : i32
    "tpu.region"() ({
      %run_scoped3A_353 = tpu.sem_alloc : memref<!tpu.dma_semaphore, #tpu.memory_space<semaphore_mem>>
      %dma_start3A_354 = arith.constant 0 : i32
      %dma_start3A_355 = arith.constant 0 : i32
      %dma_start3A_356 = tpu.memref_slice %arg14[%dma_start3A_354, %dma_start3A_355] : memref<128x128xf32, #tpu.memory_space<vmem>> -> memref<112x128xf32, #tpu.memory_space<vmem>>
      %dma_start3A_357 = arith.constant 0 : i32
      %dma_start3A_358 = tpu.memref_slice %arg17[%sub3A_159, %dma_start3A_357] : memref<10000x128xf32, #tpu.memory_space<vmem_shared>> -> memref<112x128xf32, #tpu.memory_space<vmem_shared>>
      %dma_start3A_359 = arith.constant 0 : i32
      %dma_start3A_360 = arith.constant 0 : i32
      %dma_start3A_361 = tpu.memref_slice %arg14[%dma_start3A_359, %dma_start3A_360] : memref<128x128xf32, #tpu.memory_space<vmem>> -> memref<112x128xf32, #tpu.memory_space<vmem>>
      %dma_start3A_362 = arith.constant 0 : i32
      %dma_start3A_363 = tpu.memref_slice %arg17[%sub3A_159, %dma_start3A_362] : memref<10000x128xf32, #tpu.memory_space<vmem_shared>> -> memref<112x128xf32, #tpu.memory_space<vmem_shared>>
      tpu.enqueue_dma source(%dma_start3A_363 : memref<112x128xf32, #tpu.memory_space<vmem_shared>>) target(%dma_start3A_361 : memref<112x128xf32, #tpu.memory_space<vmem>>) target_semaphore(%run_scoped3A_353 : memref<!tpu.dma_semaphore, #tpu.memory_space<semaphore_mem>>)
      %dma_wait3A_364 = arith.constant 0 : i32
      %dma_wait3A_365 = arith.constant 0 : i32
      %dma_wait3A_366 = tpu.memref_slice %arg14[%dma_wait3A_364, %dma_wait3A_365] : memref<128x128xf32, #tpu.memory_space<vmem>> -> memref<112x128xf32, #tpu.memory_space<vmem>>
      %dma_wait3A_367 = arith.constant 0 : i32
      %dma_wait3A_368 = tpu.memref_slice %arg17[%sub3A_159, %dma_wait3A_367] : memref<10000x128xf32, #tpu.memory_space<vmem_shared>> -> memref<112x128xf32, #tpu.memory_space<vmem_shared>>
      %dma_wait3A_369 = arith.constant 0 : i32
      %dma_wait3A_370 = arith.constant 0 : i32
      %dma_wait3A_371 = tpu.memref_slice %arg14[%dma_wait3A_369, %dma_wait3A_370] : memref<128x128xf32, #tpu.memory_space<vmem>> -> memref<112x128xf32, #tpu.memory_space<vmem>>
      %dma_wait3A_372 = arith.constant 0 : i32
      %dma_wait3A_373 = tpu.memref_slice %arg17[%sub3A_159, %dma_wait3A_372] : memref<10000x128xf32, #tpu.memory_space<vmem_shared>> -> memref<112x128xf32, #tpu.memory_space<vmem_shared>>
      tpu.wait_dma2 semaphore(%run_scoped3A_353 : memref<!tpu.dma_semaphore, #tpu.memory_space<semaphore_mem>>) src(%dma_wait3A_373 : memref<112x128xf32, #tpu.memory_space<vmem_shared>>) dst(%dma_wait3A_371 : memref<112x128xf32, #tpu.memory_space<vmem>>)
      tpu.yield
    }) : () -> ()
    %add3A_160 = arith.constant 624 : i32
    %add3A_161 = arith.addi %mul3A_0, %add3A_160 : i32
    %sub3A_162 = arith.constant 112 : i32
    %sub3A_163 = arith.subi %add3A_161, %sub3A_162 : i32
    "tpu.region"() ({
      %run_scoped3A_353 = tpu.sem_alloc : memref<!tpu.dma_semaphore, #tpu.memory_space<semaphore_mem>>
      %dma_start3A_354 = arith.constant 0 : i32
      %dma_start3A_355 = arith.constant 0 : i32
      %dma_start3A_356 = tpu.memref_slice %arg14[%dma_start3A_354, %dma_start3A_355] : memref<128x128xf32, #tpu.memory_space<vmem>> -> memref<112x128xf32, #tpu.memory_space<vmem>>
      %dma_start3A_357 = arith.constant 0 : i32
      %dma_start3A_358 = tpu.memref_slice %arg8[%arg0, %sub3A_163, %dma_start3A_357] : memref<2x10000x128xf32, #tpu.memory_space<hbm>> -> memref<1x112x128xf32, #tpu.memory_space<hbm>>
      %dma_start3A_359 = tpu.memref_squeeze %dma_start3A_358 : memref<1x112x128xf32, #tpu.memory_space<hbm>> -> memref<112x128xf32, #tpu.memory_space<hbm>>
      %dma_start3A_360 = arith.constant 0 : i32
      %dma_start3A_361 = tpu.memref_slice %arg8[%arg0, %sub3A_163, %dma_start3A_360] : memref<2x10000x128xf32, #tpu.memory_space<hbm>> -> memref<1x112x128xf32, #tpu.memory_space<hbm>>
      %dma_start3A_362 = tpu.memref_squeeze %dma_start3A_361 : memref<1x112x128xf32, #tpu.memory_space<hbm>> -> memref<112x128xf32, #tpu.memory_space<hbm>>
      %dma_start3A_363 = arith.constant 0 : i32
      %dma_start3A_364 = arith.constant 0 : i32
      %dma_start3A_365 = tpu.memref_slice %arg14[%dma_start3A_363, %dma_start3A_364] : memref<128x128xf32, #tpu.memory_space<vmem>> -> memref<112x128xf32, #tpu.memory_space<vmem>>
      tpu.enqueue_dma source(%dma_start3A_365 : memref<112x128xf32, #tpu.memory_space<vmem>>) target(%dma_start3A_362 : memref<112x128xf32, #tpu.memory_space<hbm>>) target_semaphore(%run_scoped3A_353 : memref<!tpu.dma_semaphore, #tpu.memory_space<semaphore_mem>>)
      %dma_wait3A_366 = arith.constant 0 : i32
      %dma_wait3A_367 = arith.constant 0 : i32
      %dma_wait3A_368 = tpu.memref_slice %arg14[%dma_wait3A_366, %dma_wait3A_367] : memref<128x128xf32, #tpu.memory_space<vmem>> -> memref<112x128xf32, #tpu.memory_space<vmem>>
      %dma_wait3A_369 = arith.constant 0 : i32
      %dma_wait3A_370 = tpu.memref_slice %arg8[%arg0, %sub3A_163, %dma_wait3A_369] : memref<2x10000x128xf32, #tpu.memory_space<hbm>> -> memref<1x112x128xf32, #tpu.memory_space<hbm>>
      %dma_wait3A_371 = tpu.memref_squeeze %dma_wait3A_370 : memref<1x112x128xf32, #tpu.memory_space<hbm>> -> memref<112x128xf32, #tpu.memory_space<hbm>>
      %dma_wait3A_372 = arith.constant 0 : i32
      %dma_wait3A_373 = tpu.memref_slice %arg8[%arg0, %sub3A_163, %dma_wait3A_372] : memref<2x10000x128xf32, #tpu.memory_space<hbm>> -> memref<1x112x128xf32, #tpu.memory_space<hbm>>
      %dma_wait3A_374 = tpu.memref_squeeze %dma_wait3A_373 : memref<1x112x128xf32, #tpu.memory_space<hbm>> -> memref<112x128xf32, #tpu.memory_space<hbm>>
      %dma_wait3A_375 = arith.constant 0 : i32
      %dma_wait3A_376 = arith.constant 0 : i32
      %dma_wait3A_377 = tpu.memref_slice %arg14[%dma_wait3A_375, %dma_wait3A_376] : memref<128x128xf32, #tpu.memory_space<vmem>> -> memref<112x128xf32, #tpu.memory_space<vmem>>
      tpu.wait_dma2 semaphore(%run_scoped3A_353 : memref<!tpu.dma_semaphore, #tpu.memory_space<semaphore_mem>>) src(%dma_wait3A_377 : memref<112x128xf32, #tpu.memory_space<vmem>>) dst(%dma_wait3A_374 : memref<112x128xf32, #tpu.memory_space<hbm>>)
      tpu.yield
    }) : () -> ()
    %convert_element_type3A_164 = arith.extui %eq3A_1 : i1 to i32
    %cond3A_165 = arith.constant 0 : i32
    %cond3A_166 = arith.cmpi ne, %convert_element_type3A_164, %cond3A_165 : i32
    scf.if %cond3A_166 {
      "tpu.region"() ({
        %run_scoped3A_353 = tpu.sem_alloc : memref<!tpu.dma_semaphore, #tpu.memory_space<semaphore_mem>>
        %dma_start3A_354 = arith.constant 112 : i32
        %dma_start3A_355 = arith.constant 0 : i32
        %dma_start3A_356 = tpu.memref_slice %arg14[%dma_start3A_354, %dma_start3A_355] : memref<128x128xf32, #tpu.memory_space<vmem>> -> memref<16x128xf32, #tpu.memory_space<vmem>>
        %dma_start3A_357 = arith.constant 9984 : i32
        %dma_start3A_358 = arith.constant 0 : i32
        %dma_start3A_359 = tpu.memref_slice %arg17[%dma_start3A_357, %dma_start3A_358] : memref<10000x128xf32, #tpu.memory_space<vmem_shared>> -> memref<16x128xf32, #tpu.memory_space<vmem_shared>>
        %dma_start3A_360 = arith.constant 112 : i32
        %dma_start3A_361 = arith.constant 0 : i32
        %dma_start3A_362 = tpu.memref_slice %arg14[%dma_start3A_360, %dma_start3A_361] : memref<128x128xf32, #tpu.memory_space<vmem>> -> memref<16x128xf32, #tpu.memory_space<vmem>>
        %dma_start3A_363 = arith.constant 9984 : i32
        %dma_start3A_364 = arith.constant 0 : i32
        %dma_start3A_365 = tpu.memref_slice %arg17[%dma_start3A_363, %dma_start3A_364] : memref<10000x128xf32, #tpu.memory_space<vmem_shared>> -> memref<16x128xf32, #tpu.memory_space<vmem_shared>>
        tpu.enqueue_dma source(%dma_start3A_365 : memref<16x128xf32, #tpu.memory_space<vmem_shared>>) target(%dma_start3A_362 : memref<16x128xf32, #tpu.memory_space<vmem>>) target_semaphore(%run_scoped3A_353 : memref<!tpu.dma_semaphore, #tpu.memory_space<semaphore_mem>>)
        %dma_wait3A_366 = arith.constant 112 : i32
        %dma_wait3A_367 = arith.constant 0 : i32
        %dma_wait3A_368 = tpu.memref_slice %arg14[%dma_wait3A_366, %dma_wait3A_367] : memref<128x128xf32, #tpu.memory_space<vmem>> -> memref<16x128xf32, #tpu.memory_space<vmem>>
        %dma_wait3A_369 = arith.constant 9984 : i32
        %dma_wait3A_370 = arith.constant 0 : i32
        %dma_wait3A_371 = tpu.memref_slice %arg17[%dma_wait3A_369, %dma_wait3A_370] : memref<10000x128xf32, #tpu.memory_space<vmem_shared>> -> memref<16x128xf32, #tpu.memory_space<vmem_shared>>
        %dma_wait3A_372 = arith.constant 112 : i32
        %dma_wait3A_373 = arith.constant 0 : i32
        %dma_wait3A_374 = tpu.memref_slice %arg14[%dma_wait3A_372, %dma_wait3A_373] : memref<128x128xf32, #tpu.memory_space<vmem>> -> memref<16x128xf32, #tpu.memory_space<vmem>>
        %dma_wait3A_375 = arith.constant 9984 : i32
        %dma_wait3A_376 = arith.constant 0 : i32
        %dma_wait3A_377 = tpu.memref_slice %arg17[%dma_wait3A_375, %dma_wait3A_376] : memref<10000x128xf32, #tpu.memory_space<vmem_shared>> -> memref<16x128xf32, #tpu.memory_space<vmem_shared>>
        tpu.wait_dma2 semaphore(%run_scoped3A_353 : memref<!tpu.dma_semaphore, #tpu.memory_space<semaphore_mem>>) src(%dma_wait3A_377 : memref<16x128xf32, #tpu.memory_space<vmem_shared>>) dst(%dma_wait3A_374 : memref<16x128xf32, #tpu.memory_space<vmem>>)
        tpu.yield
      }) : () -> ()
      "tpu.region"() ({
        %run_scoped3A_353 = tpu.sem_alloc : memref<!tpu.dma_semaphore, #tpu.memory_space<semaphore_mem>>
        %dma_start3A_354 = arith.constant 112 : i32
        %dma_start3A_355 = arith.constant 0 : i32
        %dma_start3A_356 = tpu.memref_slice %arg14[%dma_start3A_354, %dma_start3A_355] : memref<128x128xf32, #tpu.memory_space<vmem>> -> memref<16x128xf32, #tpu.memory_space<vmem>>
        %dma_start3A_357 = arith.constant 9984 : i32
        %dma_start3A_358 = arith.constant 0 : i32
        %dma_start3A_359 = tpu.memref_slice %arg8[%arg0, %dma_start3A_357, %dma_start3A_358] : memref<2x10000x128xf32, #tpu.memory_space<hbm>> -> memref<1x16x128xf32, #tpu.memory_space<hbm>>
        %dma_start3A_360 = tpu.memref_squeeze %dma_start3A_359 : memref<1x16x128xf32, #tpu.memory_space<hbm>> -> memref<16x128xf32, #tpu.memory_space<hbm>>
        %dma_start3A_361 = arith.constant 9984 : i32
        %dma_start3A_362 = arith.constant 0 : i32
        %dma_start3A_363 = tpu.memref_slice %arg8[%arg0, %dma_start3A_361, %dma_start3A_362] : memref<2x10000x128xf32, #tpu.memory_space<hbm>> -> memref<1x16x128xf32, #tpu.memory_space<hbm>>
        %dma_start3A_364 = tpu.memref_squeeze %dma_start3A_363 : memref<1x16x128xf32, #tpu.memory_space<hbm>> -> memref<16x128xf32, #tpu.memory_space<hbm>>
        %dma_start3A_365 = arith.constant 112 : i32
        %dma_start3A_366 = arith.constant 0 : i32
        %dma_start3A_367 = tpu.memref_slice %arg14[%dma_start3A_365, %dma_start3A_366] : memref<128x128xf32, #tpu.memory_space<vmem>> -> memref<16x128xf32, #tpu.memory_space<vmem>>
        tpu.enqueue_dma source(%dma_start3A_367 : memref<16x128xf32, #tpu.memory_space<vmem>>) target(%dma_start3A_364 : memref<16x128xf32, #tpu.memory_space<hbm>>) target_semaphore(%run_scoped3A_353 : memref<!tpu.dma_semaphore, #tpu.memory_space<semaphore_mem>>)
        %dma_wait3A_368 = arith.constant 112 : i32
        %dma_wait3A_369 = arith.constant 0 : i32
        %dma_wait3A_370 = tpu.memref_slice %arg14[%dma_wait3A_368, %dma_wait3A_369] : memref<128x128xf32, #tpu.memory_space<vmem>> -> memref<16x128xf32, #tpu.memory_space<vmem>>
        %dma_wait3A_371 = arith.constant 9984 : i32
        %dma_wait3A_372 = arith.constant 0 : i32
        %dma_wait3A_373 = tpu.memref_slice %arg8[%arg0, %dma_wait3A_371, %dma_wait3A_372] : memref<2x10000x128xf32, #tpu.memory_space<hbm>> -> memref<1x16x128xf32, #tpu.memory_space<hbm>>
        %dma_wait3A_374 = tpu.memref_squeeze %dma_wait3A_373 : memref<1x16x128xf32, #tpu.memory_space<hbm>> -> memref<16x128xf32, #tpu.memory_space<hbm>>
        %dma_wait3A_375 = arith.constant 9984 : i32
        %dma_wait3A_376 = arith.constant 0 : i32
        %dma_wait3A_377 = tpu.memref_slice %arg8[%arg0, %dma_wait3A_375, %dma_wait3A_376] : memref<2x10000x128xf32, #tpu.memory_space<hbm>> -> memref<1x16x128xf32, #tpu.memory_space<hbm>>
        %dma_wait3A_378 = tpu.memref_squeeze %dma_wait3A_377 : memref<1x16x128xf32, #tpu.memory_space<hbm>> -> memref<16x128xf32, #tpu.memory_space<hbm>>
        %dma_wait3A_379 = arith.constant 112 : i32
        %dma_wait3A_380 = arith.constant 0 : i32
        %dma_wait3A_381 = tpu.memref_slice %arg14[%dma_wait3A_379, %dma_wait3A_380] : memref<128x128xf32, #tpu.memory_space<vmem>> -> memref<16x128xf32, #tpu.memory_space<vmem>>
        tpu.wait_dma2 semaphore(%run_scoped3A_353 : memref<!tpu.dma_semaphore, #tpu.memory_space<semaphore_mem>>) src(%dma_wait3A_381 : memref<16x128xf32, #tpu.memory_space<vmem>>) dst(%dma_wait3A_378 : memref<16x128xf32, #tpu.memory_space<hbm>>)
        tpu.yield
      }) : () -> ()
    } else {
    }
    %eq3A_167 = arith.constant 0 : i32
    %eq3A_168 = arith.cmpi eq, %arg0, %eq3A_167 : i32
    %convert_element_type3A_169 = arith.extui %eq3A_168 : i1 to i32
    %cond3A_170 = arith.constant 0 : i32
    %cond3A_171 = arith.cmpi ne, %convert_element_type3A_169, %cond3A_170 : i32
    scf.if %cond3A_171 {
      %run_scoped3A_353 = arith.constant 0 : i32
      "tpu.region"() ({
        %run_scoped3A_354 = tpu.sem_alloc : memref<!tpu.dma_semaphore, #tpu.memory_space<semaphore_mem>>
        %dma_start3A_355 = arith.constant 0 : i32
        %dma_start3A_356 = tpu.memref_slice %arg10[%arg1, %run_scoped3A_353, %dma_start3A_355] : memref<16x1x10000xf32, #tpu.memory_space<hbm>> -> memref<1x1x10000xf32, #tpu.memory_space<hbm>>
        %dma_start3A_357 = tpu.memref_squeeze %dma_start3A_356 : memref<1x1x10000xf32, #tpu.memory_space<hbm>> -> memref<10000xf32, #tpu.memory_space<hbm>>
        %dma_start3A_358 = arith.constant 0 : i32
        %dma_start3A_359 = tpu.memref_slice %arg10[%arg1, %run_scoped3A_353, %dma_start3A_358] : memref<16x1x10000xf32, #tpu.memory_space<hbm>> -> memref<1x1x10000xf32, #tpu.memory_space<hbm>>
        %dma_start3A_360 = tpu.memref_squeeze %dma_start3A_359 : memref<1x1x10000xf32, #tpu.memory_space<hbm>> -> memref<10000xf32, #tpu.memory_space<hbm>>
        tpu.enqueue_dma source(%arg16 : memref<10000xf32, #tpu.memory_space<vmem>>) target(%dma_start3A_360 : memref<10000xf32, #tpu.memory_space<hbm>>) target_semaphore(%run_scoped3A_354 : memref<!tpu.dma_semaphore, #tpu.memory_space<semaphore_mem>>)
        %dma_wait3A_361 = arith.constant 0 : i32
        %dma_wait3A_362 = tpu.memref_slice %arg10[%arg1, %run_scoped3A_353, %dma_wait3A_361] : memref<16x1x10000xf32, #tpu.memory_space<hbm>> -> memref<1x1x10000xf32, #tpu.memory_space<hbm>>
        %dma_wait3A_363 = tpu.memref_squeeze %dma_wait3A_362 : memref<1x1x10000xf32, #tpu.memory_space<hbm>> -> memref<10000xf32, #tpu.memory_space<hbm>>
        %dma_wait3A_364 = arith.constant 0 : i32
        %dma_wait3A_365 = tpu.memref_slice %arg10[%arg1, %run_scoped3A_353, %dma_wait3A_364] : memref<16x1x10000xf32, #tpu.memory_space<hbm>> -> memref<1x1x10000xf32, #tpu.memory_space<hbm>>
        %dma_wait3A_366 = tpu.memref_squeeze %dma_wait3A_365 : memref<1x1x10000xf32, #tpu.memory_space<hbm>> -> memref<10000xf32, #tpu.memory_space<hbm>>
        tpu.wait_dma2 semaphore(%run_scoped3A_354 : memref<!tpu.dma_semaphore, #tpu.memory_space<semaphore_mem>>) src(%arg16 : memref<10000xf32, #tpu.memory_space<vmem>>) dst(%dma_wait3A_366 : memref<10000xf32, #tpu.memory_space<hbm>>)
        tpu.yield
      }) : () -> ()
    } else {
    }
    "tpu.region"() ({
      %run_scoped3A_353 = tpu.sem_alloc : memref<!tpu.dma_semaphore, #tpu.memory_space<semaphore_mem>>
      tpu.enqueue_dma source(%arg6 : memref<128x128xf32, #tpu.memory_space<hbm>>) target(%arg14 : memref<128x128xf32, #tpu.memory_space<vmem>>) target_semaphore(%run_scoped3A_353 : memref<!tpu.dma_semaphore, #tpu.memory_space<semaphore_mem>>)
      tpu.wait_dma2 semaphore(%run_scoped3A_353 : memref<!tpu.dma_semaphore, #tpu.memory_space<semaphore_mem>>) src(%arg6 : memref<128x128xf32, #tpu.memory_space<hbm>>) dst(%arg14 : memref<128x128xf32, #tpu.memory_space<vmem>>)
      tpu.yield
    }) : () -> ()
    "tpu.region"() ({
      %run_scoped3A_353 = tpu.sem_alloc : memref<!tpu.dma_semaphore, #tpu.memory_space<semaphore_mem>>
      tpu.enqueue_dma source(%arg7 : memref<10000xf32, #tpu.memory_space<hbm>>) target(%arg16 : memref<10000xf32, #tpu.memory_space<vmem>>) target_semaphore(%run_scoped3A_353 : memref<!tpu.dma_semaphore, #tpu.memory_space<semaphore_mem>>)
      tpu.wait_dma2 semaphore(%run_scoped3A_353 : memref<!tpu.dma_semaphore, #tpu.memory_space<semaphore_mem>>) src(%arg7 : memref<10000xf32, #tpu.memory_space<hbm>>) dst(%arg16 : memref<10000xf32, #tpu.memory_space<vmem>>)
      tpu.yield
    }) : () -> ()
    %add3A_172 = arith.constant 0 : i32
    %add3A_173 = arith.addi %mul3A_0, %add3A_172 : i32
    %dma_start3A_174 = arith.constant 0 : i32
    %dma_start3A_175 = tpu.memref_slice %arg17[%add3A_173, %dma_start3A_174] : memref<10000x128xf32, #tpu.memory_space<vmem_shared>> -> memref<128x128xf32, #tpu.memory_space<vmem_shared>>
    %dma_start3A_176 = arith.constant 0 : i32
    %dma_start3A_177 = tpu.memref_slice %arg17[%add3A_173, %dma_start3A_176] : memref<10000x128xf32, #tpu.memory_space<vmem_shared>> -> memref<128x128xf32, #tpu.memory_space<vmem_shared>>
    tpu.enqueue_dma source(%arg14 : memref<128x128xf32, #tpu.memory_space<vmem>>) target(%dma_start3A_177 : memref<128x128xf32, #tpu.memory_space<vmem_shared>>) target_semaphore(%arg20 : memref<!tpu.dma_semaphore, #tpu.memory_space<semaphore_mem>>)
    %add3A_178 = arith.constant 128 : i32
    %add3A_179 = arith.addi %mul3A_0, %add3A_178 : i32
    %dma_start3A_180 = arith.constant 0 : i32
    %dma_start3A_181 = tpu.memref_slice %arg17[%add3A_179, %dma_start3A_180] : memref<10000x128xf32, #tpu.memory_space<vmem_shared>> -> memref<128x128xf32, #tpu.memory_space<vmem_shared>>
    %dma_start3A_182 = arith.constant 0 : i32
    %dma_start3A_183 = tpu.memref_slice %arg17[%add3A_179, %dma_start3A_182] : memref<10000x128xf32, #tpu.memory_space<vmem_shared>> -> memref<128x128xf32, #tpu.memory_space<vmem_shared>>
    tpu.enqueue_dma source(%arg14 : memref<128x128xf32, #tpu.memory_space<vmem>>) target(%dma_start3A_183 : memref<128x128xf32, #tpu.memory_space<vmem_shared>>) target_semaphore(%arg20 : memref<!tpu.dma_semaphore, #tpu.memory_space<semaphore_mem>>)
    %add3A_184 = arith.constant 256 : i32
    %add3A_185 = arith.addi %mul3A_0, %add3A_184 : i32
    %dma_start3A_186 = arith.constant 0 : i32
    %dma_start3A_187 = tpu.memref_slice %arg17[%add3A_185, %dma_start3A_186] : memref<10000x128xf32, #tpu.memory_space<vmem_shared>> -> memref<128x128xf32, #tpu.memory_space<vmem_shared>>
    %dma_start3A_188 = arith.constant 0 : i32
    %dma_start3A_189 = tpu.memref_slice %arg17[%add3A_185, %dma_start3A_188] : memref<10000x128xf32, #tpu.memory_space<vmem_shared>> -> memref<128x128xf32, #tpu.memory_space<vmem_shared>>
    tpu.enqueue_dma source(%arg14 : memref<128x128xf32, #tpu.memory_space<vmem>>) target(%dma_start3A_189 : memref<128x128xf32, #tpu.memory_space<vmem_shared>>) target_semaphore(%arg20 : memref<!tpu.dma_semaphore, #tpu.memory_space<semaphore_mem>>)
    %add3A_190 = arith.constant 384 : i32
    %add3A_191 = arith.addi %mul3A_0, %add3A_190 : i32
    %dma_start3A_192 = arith.constant 0 : i32
    %dma_start3A_193 = tpu.memref_slice %arg17[%add3A_191, %dma_start3A_192] : memref<10000x128xf32, #tpu.memory_space<vmem_shared>> -> memref<128x128xf32, #tpu.memory_space<vmem_shared>>
    %dma_start3A_194 = arith.constant 0 : i32
    %dma_start3A_195 = tpu.memref_slice %arg17[%add3A_191, %dma_start3A_194] : memref<10000x128xf32, #tpu.memory_space<vmem_shared>> -> memref<128x128xf32, #tpu.memory_space<vmem_shared>>
    tpu.enqueue_dma source(%arg14 : memref<128x128xf32, #tpu.memory_space<vmem>>) target(%dma_start3A_195 : memref<128x128xf32, #tpu.memory_space<vmem_shared>>) target_semaphore(%arg20 : memref<!tpu.dma_semaphore, #tpu.memory_space<semaphore_mem>>)
    %add3A_196 = arith.constant 624 : i32
    %add3A_197 = arith.addi %mul3A_0, %add3A_196 : i32
    %sub3A_198 = arith.constant 112 : i32
    %sub3A_199 = arith.subi %add3A_197, %sub3A_198 : i32
    %dma_start3A_200 = arith.constant 0 : i32
    %dma_start3A_201 = arith.constant 0 : i32
    %dma_start3A_202 = tpu.memref_slice %arg14[%dma_start3A_200, %dma_start3A_201] : memref<128x128xf32, #tpu.memory_space<vmem>> -> memref<112x128xf32, #tpu.memory_space<vmem>>
    %dma_start3A_203 = arith.constant 0 : i32
    %dma_start3A_204 = tpu.memref_slice %arg17[%sub3A_199, %dma_start3A_203] : memref<10000x128xf32, #tpu.memory_space<vmem_shared>> -> memref<112x128xf32, #tpu.memory_space<vmem_shared>>
    %dma_start3A_205 = arith.constant 0 : i32
    %dma_start3A_206 = tpu.memref_slice %arg17[%sub3A_199, %dma_start3A_205] : memref<10000x128xf32, #tpu.memory_space<vmem_shared>> -> memref<112x128xf32, #tpu.memory_space<vmem_shared>>
    %dma_start3A_207 = arith.constant 0 : i32
    %dma_start3A_208 = arith.constant 0 : i32
    %dma_start3A_209 = tpu.memref_slice %arg14[%dma_start3A_207, %dma_start3A_208] : memref<128x128xf32, #tpu.memory_space<vmem>> -> memref<112x128xf32, #tpu.memory_space<vmem>>
    tpu.enqueue_dma source(%dma_start3A_209 : memref<112x128xf32, #tpu.memory_space<vmem>>) target(%dma_start3A_206 : memref<112x128xf32, #tpu.memory_space<vmem_shared>>) target_semaphore(%arg20 : memref<!tpu.dma_semaphore, #tpu.memory_space<semaphore_mem>>)
    %convert_element_type3A_210 = arith.extui %eq3A_1 : i1 to i32
    %cond3A_211 = arith.constant 0 : i32
    %cond3A_212 = arith.cmpi ne, %convert_element_type3A_210, %cond3A_211 : i32
    scf.if %cond3A_212 {
      %dma_start3A_353 = arith.constant 0 : i32
      %dma_start3A_354 = arith.constant 0 : i32
      %dma_start3A_355 = tpu.memref_slice %arg14[%dma_start3A_353, %dma_start3A_354] : memref<128x128xf32, #tpu.memory_space<vmem>> -> memref<16x128xf32, #tpu.memory_space<vmem>>
      %dma_start3A_356 = arith.constant 9984 : i32
      %dma_start3A_357 = arith.constant 0 : i32
      %dma_start3A_358 = tpu.memref_slice %arg17[%dma_start3A_356, %dma_start3A_357] : memref<10000x128xf32, #tpu.memory_space<vmem_shared>> -> memref<16x128xf32, #tpu.memory_space<vmem_shared>>
      %dma_start3A_359 = arith.constant 9984 : i32
      %dma_start3A_360 = arith.constant 0 : i32
      %dma_start3A_361 = tpu.memref_slice %arg17[%dma_start3A_359, %dma_start3A_360] : memref<10000x128xf32, #tpu.memory_space<vmem_shared>> -> memref<16x128xf32, #tpu.memory_space<vmem_shared>>
      %dma_start3A_362 = arith.constant 0 : i32
      %dma_start3A_363 = arith.constant 0 : i32
      %dma_start3A_364 = tpu.memref_slice %arg14[%dma_start3A_362, %dma_start3A_363] : memref<128x128xf32, #tpu.memory_space<vmem>> -> memref<16x128xf32, #tpu.memory_space<vmem>>
      tpu.enqueue_dma source(%dma_start3A_364 : memref<16x128xf32, #tpu.memory_space<vmem>>) target(%dma_start3A_361 : memref<16x128xf32, #tpu.memory_space<vmem_shared>>) target_semaphore(%arg20 : memref<!tpu.dma_semaphore, #tpu.memory_space<semaphore_mem>>)
      %dma_wait3A_365 = arith.constant 0 : i32
      %dma_wait3A_366 = arith.constant 0 : i32
      %dma_wait3A_367 = tpu.memref_slice %arg14[%dma_wait3A_365, %dma_wait3A_366] : memref<128x128xf32, #tpu.memory_space<vmem>> -> memref<16x128xf32, #tpu.memory_space<vmem>>
      %dma_wait3A_368 = arith.constant 9984 : i32
      %dma_wait3A_369 = arith.constant 0 : i32
      %dma_wait3A_370 = tpu.memref_slice %arg17[%dma_wait3A_368, %dma_wait3A_369] : memref<10000x128xf32, #tpu.memory_space<vmem_shared>> -> memref<16x128xf32, #tpu.memory_space<vmem_shared>>
      %dma_wait3A_371 = arith.constant 9984 : i32
      %dma_wait3A_372 = arith.constant 0 : i32
      %dma_wait3A_373 = tpu.memref_slice %arg17[%dma_wait3A_371, %dma_wait3A_372] : memref<10000x128xf32, #tpu.memory_space<vmem_shared>> -> memref<16x128xf32, #tpu.memory_space<vmem_shared>>
      %dma_wait3A_374 = arith.constant 0 : i32
      %dma_wait3A_375 = arith.constant 0 : i32
      %dma_wait3A_376 = tpu.memref_slice %arg14[%dma_wait3A_374, %dma_wait3A_375] : memref<128x128xf32, #tpu.memory_space<vmem>> -> memref<16x128xf32, #tpu.memory_space<vmem>>
      tpu.wait_dma2 semaphore(%arg20 : memref<!tpu.dma_semaphore, #tpu.memory_space<semaphore_mem>>) src(%dma_wait3A_376 : memref<16x128xf32, #tpu.memory_space<vmem>>) dst(%dma_wait3A_373 : memref<16x128xf32, #tpu.memory_space<vmem_shared>>)
    } else {
    }
    %add3A_213 = arith.constant 0 : i32
    %add3A_214 = arith.addi %mul3A_0, %add3A_213 : i32
    %dma_wait3A_215 = arith.constant 0 : i32
    %dma_wait3A_216 = tpu.memref_slice %arg17[%add3A_214, %dma_wait3A_215] : memref<10000x128xf32, #tpu.memory_space<vmem_shared>> -> memref<128x128xf32, #tpu.memory_space<vmem_shared>>
    %dma_wait3A_217 = arith.constant 0 : i32
    %dma_wait3A_218 = tpu.memref_slice %arg17[%add3A_214, %dma_wait3A_217] : memref<10000x128xf32, #tpu.memory_space<vmem_shared>> -> memref<128x128xf32, #tpu.memory_space<vmem_shared>>
    tpu.wait_dma2 semaphore(%arg20 : memref<!tpu.dma_semaphore, #tpu.memory_space<semaphore_mem>>) src(%arg14 : memref<128x128xf32, #tpu.memory_space<vmem>>) dst(%dma_wait3A_218 : memref<128x128xf32, #tpu.memory_space<vmem_shared>>)
    %add3A_219 = arith.constant 128 : i32
    %add3A_220 = arith.addi %mul3A_0, %add3A_219 : i32
    %dma_wait3A_221 = arith.constant 0 : i32
    %dma_wait3A_222 = tpu.memref_slice %arg17[%add3A_220, %dma_wait3A_221] : memref<10000x128xf32, #tpu.memory_space<vmem_shared>> -> memref<128x128xf32, #tpu.memory_space<vmem_shared>>
    %dma_wait3A_223 = arith.constant 0 : i32
    %dma_wait3A_224 = tpu.memref_slice %arg17[%add3A_220, %dma_wait3A_223] : memref<10000x128xf32, #tpu.memory_space<vmem_shared>> -> memref<128x128xf32, #tpu.memory_space<vmem_shared>>
    tpu.wait_dma2 semaphore(%arg20 : memref<!tpu.dma_semaphore, #tpu.memory_space<semaphore_mem>>) src(%arg14 : memref<128x128xf32, #tpu.memory_space<vmem>>) dst(%dma_wait3A_224 : memref<128x128xf32, #tpu.memory_space<vmem_shared>>)
    %add3A_225 = arith.constant 256 : i32
    %add3A_226 = arith.addi %mul3A_0, %add3A_225 : i32
    %dma_wait3A_227 = arith.constant 0 : i32
    %dma_wait3A_228 = tpu.memref_slice %arg17[%add3A_226, %dma_wait3A_227] : memref<10000x128xf32, #tpu.memory_space<vmem_shared>> -> memref<128x128xf32, #tpu.memory_space<vmem_shared>>
    %dma_wait3A_229 = arith.constant 0 : i32
    %dma_wait3A_230 = tpu.memref_slice %arg17[%add3A_226, %dma_wait3A_229] : memref<10000x128xf32, #tpu.memory_space<vmem_shared>> -> memref<128x128xf32, #tpu.memory_space<vmem_shared>>
    tpu.wait_dma2 semaphore(%arg20 : memref<!tpu.dma_semaphore, #tpu.memory_space<semaphore_mem>>) src(%arg14 : memref<128x128xf32, #tpu.memory_space<vmem>>) dst(%dma_wait3A_230 : memref<128x128xf32, #tpu.memory_space<vmem_shared>>)
    %add3A_231 = arith.constant 384 : i32
    %add3A_232 = arith.addi %mul3A_0, %add3A_231 : i32
    %dma_wait3A_233 = arith.constant 0 : i32
    %dma_wait3A_234 = tpu.memref_slice %arg17[%add3A_232, %dma_wait3A_233] : memref<10000x128xf32, #tpu.memory_space<vmem_shared>> -> memref<128x128xf32, #tpu.memory_space<vmem_shared>>
    %dma_wait3A_235 = arith.constant 0 : i32
    %dma_wait3A_236 = tpu.memref_slice %arg17[%add3A_232, %dma_wait3A_235] : memref<10000x128xf32, #tpu.memory_space<vmem_shared>> -> memref<128x128xf32, #tpu.memory_space<vmem_shared>>
    tpu.wait_dma2 semaphore(%arg20 : memref<!tpu.dma_semaphore, #tpu.memory_space<semaphore_mem>>) src(%arg14 : memref<128x128xf32, #tpu.memory_space<vmem>>) dst(%dma_wait3A_236 : memref<128x128xf32, #tpu.memory_space<vmem_shared>>)
    %add3A_237 = arith.constant 624 : i32
    %add3A_238 = arith.addi %mul3A_0, %add3A_237 : i32
    %sub3A_239 = arith.constant 112 : i32
    %sub3A_240 = arith.subi %add3A_238, %sub3A_239 : i32
    %dma_wait3A_241 = arith.constant 0 : i32
    %dma_wait3A_242 = arith.constant 0 : i32
    %dma_wait3A_243 = tpu.memref_slice %arg14[%dma_wait3A_241, %dma_wait3A_242] : memref<128x128xf32, #tpu.memory_space<vmem>> -> memref<112x128xf32, #tpu.memory_space<vmem>>
    %dma_wait3A_244 = arith.constant 0 : i32
    %dma_wait3A_245 = tpu.memref_slice %arg17[%sub3A_240, %dma_wait3A_244] : memref<10000x128xf32, #tpu.memory_space<vmem_shared>> -> memref<112x128xf32, #tpu.memory_space<vmem_shared>>
    %dma_wait3A_246 = arith.constant 0 : i32
    %dma_wait3A_247 = tpu.memref_slice %arg17[%sub3A_240, %dma_wait3A_246] : memref<10000x128xf32, #tpu.memory_space<vmem_shared>> -> memref<112x128xf32, #tpu.memory_space<vmem_shared>>
    %dma_wait3A_248 = arith.constant 0 : i32
    %dma_wait3A_249 = arith.constant 0 : i32
    %dma_wait3A_250 = tpu.memref_slice %arg14[%dma_wait3A_248, %dma_wait3A_249] : memref<128x128xf32, #tpu.memory_space<vmem>> -> memref<112x128xf32, #tpu.memory_space<vmem>>
    tpu.wait_dma2 semaphore(%arg20 : memref<!tpu.dma_semaphore, #tpu.memory_space<semaphore_mem>>) src(%dma_wait3A_250 : memref<112x128xf32, #tpu.memory_space<vmem>>) dst(%dma_wait3A_247 : memref<112x128xf32, #tpu.memory_space<vmem_shared>>)
    %barrier3A_251 = arith.constant 0 : index
    tpu.barrier barrier_id(%barrier3A_251)
    %broadcast_in_dim3A_252 = arith.constant 1.000000e+00 : f32
    %broadcast_in_dim3A_253 = vector.broadcast %broadcast_in_dim3A_252 : f32 to vector<16xf32>
    %add3A_254 = arith.constant 0 : i32
    %add3A_255 = arith.addi %add3A_254, %arg1 : i32
    "tpu.region"() ({
      %run_scoped3A_353 = tpu.sem_alloc : memref<!tpu.dma_semaphore, #tpu.memory_space<semaphore_mem>>
      %dma_start3A_354 = arith.constant 0 : i32
      %dma_start3A_355 = arith.constant 0 : i32
      %dma_start3A_356 = tpu.memref_slice %arg5[%add3A_255, %dma_start3A_354, %dma_start3A_355] : memref<1250x2x128xi32, #tpu.memory_space<hbm>> -> memref<1x2x128xi32, #tpu.memory_space<hbm>>
      %dma_start3A_357 = tpu.memref_squeeze %dma_start3A_356 : memref<1x2x128xi32, #tpu.memory_space<hbm>> -> memref<2x128xi32, #tpu.memory_space<hbm>>
      %dma_start3A_358 = arith.constant 0 : i32
      %dma_start3A_359 = arith.constant 0 : i32
      %dma_start3A_360 = tpu.memref_slice %arg5[%add3A_255, %dma_start3A_358, %dma_start3A_359] : memref<1250x2x128xi32, #tpu.memory_space<hbm>> -> memref<1x2x128xi32, #tpu.memory_space<hbm>>
      %dma_start3A_361 = tpu.memref_squeeze %dma_start3A_360 : memref<1x2x128xi32, #tpu.memory_space<hbm>> -> memref<2x128xi32, #tpu.memory_space<hbm>>
      tpu.enqueue_dma source(%dma_start3A_361 : memref<2x128xi32, #tpu.memory_space<hbm>>) target(%arg12 : memref<2x128xi32, #tpu.memory_space<vmem>>) target_semaphore(%run_scoped3A_353 : memref<!tpu.dma_semaphore, #tpu.memory_space<semaphore_mem>>)
      %dma_wait3A_362 = arith.constant 0 : i32
      %dma_wait3A_363 = arith.constant 0 : i32
      %dma_wait3A_364 = tpu.memref_slice %arg5[%add3A_255, %dma_wait3A_362, %dma_wait3A_363] : memref<1250x2x128xi32, #tpu.memory_space<hbm>> -> memref<1x2x128xi32, #tpu.memory_space<hbm>>
      %dma_wait3A_365 = tpu.memref_squeeze %dma_wait3A_364 : memref<1x2x128xi32, #tpu.memory_space<hbm>> -> memref<2x128xi32, #tpu.memory_space<hbm>>
      %dma_wait3A_366 = arith.constant 0 : i32
      %dma_wait3A_367 = arith.constant 0 : i32
      %dma_wait3A_368 = tpu.memref_slice %arg5[%add3A_255, %dma_wait3A_366, %dma_wait3A_367] : memref<1250x2x128xi32, #tpu.memory_space<hbm>> -> memref<1x2x128xi32, #tpu.memory_space<hbm>>
      %dma_wait3A_369 = tpu.memref_squeeze %dma_wait3A_368 : memref<1x2x128xi32, #tpu.memory_space<hbm>> -> memref<2x128xi32, #tpu.memory_space<hbm>>
      tpu.wait_dma2 semaphore(%run_scoped3A_353 : memref<!tpu.dma_semaphore, #tpu.memory_space<semaphore_mem>>) src(%dma_wait3A_369 : memref<2x128xi32, #tpu.memory_space<hbm>>) dst(%arg12 : memref<2x128xi32, #tpu.memory_space<vmem>>)
      tpu.yield
    }) : () -> ()
    %dma_start3A_256 = arith.constant 0 : i32
    %dma_start3A_257 = arith.constant 0 : i32
    %dma_start3A_258 = tpu.memref_slice %arg12[%dma_start3A_256, %dma_start3A_257] : memref<2x128xi32, #tpu.memory_space<vmem>> -> memref<1x128xi32, #tpu.memory_space<vmem>>
    %dma_start3A_259 = tpu.memref_squeeze %dma_start3A_258 : memref<1x128xi32, #tpu.memory_space<vmem>> -> memref<128xi32, #tpu.memory_space<vmem>>
    %dma_start3A_260 = arith.constant 0 : i32
    %dma_start3A_261 = arith.constant 0 : i32
    %dma_start3A_262 = tpu.memref_slice %arg4[%arg0, %dma_start3A_260, %dma_start3A_261] : memref<2x10000x128xf32, #tpu.memory_space<hbm>> -> memref<1x10000x128xf32, #tpu.memory_space<hbm>>
    %dma_start3A_263 = tpu.memref_squeeze %dma_start3A_262 : memref<1x10000x128xf32, #tpu.memory_space<hbm>> -> memref<10000x128xf32, #tpu.memory_space<hbm>>
    %dma_start3A_264 = arith.constant 0 : i32
    %dma_start3A_265 = arith.constant 0 : i32
    %dma_start3A_266 = tpu.memref_slice %dma_start3A_263[%dma_start3A_264, %dma_start3A_265] : memref<10000x128xf32, #tpu.memory_space<hbm>> -> memref<10000x128xf32, #tpu.memory_space<hbm>>
    tpu.enqueue_indirect_dma source(%dma_start3A_266 : memref<10000x128xf32, #tpu.memory_space<hbm>>) target(%arg14 : memref<128x128xf32, #tpu.memory_space<vmem>>) offsets(%dma_start3A_259 : memref<128xi32, #tpu.memory_space<vmem>>) semaphore(%arg18 : memref<!tpu.dma_semaphore, #tpu.memory_space<semaphore_mem>>)
    %add3A_267 = arith.constant 16 : i32
    %add3A_268 = arith.addi %add3A_267, %arg1 : i32
    "tpu.region"() ({
      %run_scoped3A_353 = tpu.sem_alloc : memref<!tpu.dma_semaphore, #tpu.memory_space<semaphore_mem>>
      %dma_start3A_354 = arith.constant 0 : i32
      %dma_start3A_355 = arith.constant 0 : i32
      %dma_start3A_356 = tpu.memref_slice %arg5[%add3A_268, %dma_start3A_354, %dma_start3A_355] : memref<1250x2x128xi32, #tpu.memory_space<hbm>> -> memref<1x2x128xi32, #tpu.memory_space<hbm>>
      %dma_start3A_357 = tpu.memref_squeeze %dma_start3A_356 : memref<1x2x128xi32, #tpu.memory_space<hbm>> -> memref<2x128xi32, #tpu.memory_space<hbm>>
      %dma_start3A_358 = arith.constant 0 : i32
      %dma_start3A_359 = arith.constant 0 : i32
      %dma_start3A_360 = tpu.memref_slice %arg5[%add3A_268, %dma_start3A_358, %dma_start3A_359] : memref<1250x2x128xi32, #tpu.memory_space<hbm>> -> memref<1x2x128xi32, #tpu.memory_space<hbm>>
      %dma_start3A_361 = tpu.memref_squeeze %dma_start3A_360 : memref<1x2x128xi32, #tpu.memory_space<hbm>> -> memref<2x128xi32, #tpu.memory_space<hbm>>
      tpu.enqueue_dma source(%dma_start3A_361 : memref<2x128xi32, #tpu.memory_space<hbm>>) target(%arg13 : memref<2x128xi32, #tpu.memory_space<vmem>>) target_semaphore(%run_scoped3A_353 : memref<!tpu.dma_semaphore, #tpu.memory_space<semaphore_mem>>)
      %dma_wait3A_362 = arith.constant 0 : i32
      %dma_wait3A_363 = arith.constant 0 : i32
      %dma_wait3A_364 = tpu.memref_slice %arg5[%add3A_268, %dma_wait3A_362, %dma_wait3A_363] : memref<1250x2x128xi32, #tpu.memory_space<hbm>> -> memref<1x2x128xi32, #tpu.memory_space<hbm>>
      %dma_wait3A_365 = tpu.memref_squeeze %dma_wait3A_364 : memref<1x2x128xi32, #tpu.memory_space<hbm>> -> memref<2x128xi32, #tpu.memory_space<hbm>>
      %dma_wait3A_366 = arith.constant 0 : i32
      %dma_wait3A_367 = arith.constant 0 : i32
      %dma_wait3A_368 = tpu.memref_slice %arg5[%add3A_268, %dma_wait3A_366, %dma_wait3A_367] : memref<1250x2x128xi32, #tpu.memory_space<hbm>> -> memref<1x2x128xi32, #tpu.memory_space<hbm>>
      %dma_wait3A_369 = tpu.memref_squeeze %dma_wait3A_368 : memref<1x2x128xi32, #tpu.memory_space<hbm>> -> memref<2x128xi32, #tpu.memory_space<hbm>>
      tpu.wait_dma2 semaphore(%run_scoped3A_353 : memref<!tpu.dma_semaphore, #tpu.memory_space<semaphore_mem>>) src(%dma_wait3A_369 : memref<2x128xi32, #tpu.memory_space<hbm>>) dst(%arg13 : memref<2x128xi32, #tpu.memory_space<vmem>>)
      tpu.yield
    }) : () -> ()
    %dma_start3A_269 = arith.constant 0 : i32
    %dma_start3A_270 = arith.constant 0 : i32
    %dma_start3A_271 = tpu.memref_slice %arg13[%dma_start3A_269, %dma_start3A_270] : memref<2x128xi32, #tpu.memory_space<vmem>> -> memref<1x128xi32, #tpu.memory_space<vmem>>
    %dma_start3A_272 = tpu.memref_squeeze %dma_start3A_271 : memref<1x128xi32, #tpu.memory_space<vmem>> -> memref<128xi32, #tpu.memory_space<vmem>>
    %dma_start3A_273 = arith.constant 0 : i32
    %dma_start3A_274 = arith.constant 0 : i32
    %dma_start3A_275 = tpu.memref_slice %arg4[%arg0, %dma_start3A_273, %dma_start3A_274] : memref<2x10000x128xf32, #tpu.memory_space<hbm>> -> memref<1x10000x128xf32, #tpu.memory_space<hbm>>
    %dma_start3A_276 = tpu.memref_squeeze %dma_start3A_275 : memref<1x10000x128xf32, #tpu.memory_space<hbm>> -> memref<10000x128xf32, #tpu.memory_space<hbm>>
    %dma_start3A_277 = arith.constant 0 : i32
    %dma_start3A_278 = arith.constant 0 : i32
    %dma_start3A_279 = tpu.memref_slice %dma_start3A_276[%dma_start3A_277, %dma_start3A_278] : memref<10000x128xf32, #tpu.memory_space<hbm>> -> memref<10000x128xf32, #tpu.memory_space<hbm>>
    tpu.enqueue_indirect_dma source(%dma_start3A_279 : memref<10000x128xf32, #tpu.memory_space<hbm>>) target(%arg15 : memref<128x128xf32, #tpu.memory_space<vmem>>) offsets(%dma_start3A_272 : memref<128xi32, #tpu.memory_space<vmem>>) semaphore(%arg19 : memref<!tpu.dma_semaphore, #tpu.memory_space<semaphore_mem>>)
    %scan3A_280 = arith.constant 0 : i32
    %scan3A_281 = arith.constant 0 : i32
    %scan3A_282 = arith.constant 38 : i32
    %scan3A_283 = arith.addi %scan3A_281, %scan3A_282 : i32
    %scan3A_284 = arith.constant 1 : i32
    scf.for %scan3A_353 = %scan3A_281 to %scan3A_283 step %scan3A_284  : i32 {
      %dma_wait3A_354 = arith.constant 0 : i32
      %dma_wait3A_355 = arith.constant 0 : i32
      %dma_wait3A_356 = tpu.memref_slice %arg12[%dma_wait3A_354, %dma_wait3A_355] : memref<2x128xi32, #tpu.memory_space<vmem>> -> memref<1x128xi32, #tpu.memory_space<vmem>>
      %dma_wait3A_357 = tpu.memref_squeeze %dma_wait3A_356 : memref<1x128xi32, #tpu.memory_space<vmem>> -> memref<128xi32, #tpu.memory_space<vmem>>
      %dma_wait3A_358 = arith.constant 0 : i32
      %dma_wait3A_359 = arith.constant 0 : i32
      %dma_wait3A_360 = tpu.memref_slice %arg4[%arg0, %dma_wait3A_358, %dma_wait3A_359] : memref<2x10000x128xf32, #tpu.memory_space<hbm>> -> memref<1x10000x128xf32, #tpu.memory_space<hbm>>
      %dma_wait3A_361 = tpu.memref_squeeze %dma_wait3A_360 : memref<1x10000x128xf32, #tpu.memory_space<hbm>> -> memref<10000x128xf32, #tpu.memory_space<hbm>>
      %dma_wait3A_362 = arith.constant 0 : i32
      %dma_wait3A_363 = arith.constant 0 : i32
      %dma_wait3A_364 = tpu.memref_slice %dma_wait3A_361[%dma_wait3A_362, %dma_wait3A_363] : memref<10000x128xf32, #tpu.memory_space<hbm>> -> memref<10000x128xf32, #tpu.memory_space<hbm>>
      tpu.wait_indirect_dma semaphore(%arg18 : memref<!tpu.dma_semaphore, #tpu.memory_space<semaphore_mem>>) src(%dma_wait3A_364 : memref<10000x128xf32, #tpu.memory_space<hbm>>) dst(%arg14 : memref<128x128xf32, #tpu.memory_space<vmem>>)
      %run_scoped3A_365 = arith.constant 1 : i32
      "tpu.region"() ({
        %run_scoped3A_424 = tpu.sem_alloc : memref<!tpu.dma_semaphore, #tpu.memory_space<semaphore_mem>>
        %dma_start3A_425 = arith.constant 0 : i32
        %dma_start3A_426 = tpu.memref_slice %arg12[%run_scoped3A_365, %dma_start3A_425] : memref<2x128xi32, #tpu.memory_space<vmem>> -> memref<1x128xi32, #tpu.memory_space<vmem>>
        %dma_start3A_427 = tpu.memref_squeeze %dma_start3A_426 : memref<1x128xi32, #tpu.memory_space<vmem>> -> memref<128xi32, #tpu.memory_space<vmem>>
        %dma_start3A_428 = arith.constant 0 : i32
        %dma_start3A_429 = arith.constant 0 : i32
        %dma_start3A_430 = tpu.memref_slice %arg17[%dma_start3A_428, %dma_start3A_429] : memref<10000x128xf32, #tpu.memory_space<vmem_shared>> -> memref<10000x128xf32, #tpu.memory_space<vmem_shared>>
        tpu.enqueue_indirect_dma source(%arg14 : memref<128x128xf32, #tpu.memory_space<vmem>>) target(%dma_start3A_430 : memref<10000x128xf32, #tpu.memory_space<vmem_shared>>) offsets(%dma_start3A_427 : memref<128xi32, #tpu.memory_space<vmem>>) semaphore(%run_scoped3A_424 : memref<!tpu.dma_semaphore, #tpu.memory_space<semaphore_mem>>) {add = true}
        %dma_wait3A_431 = arith.constant 0 : i32
        %dma_wait3A_432 = tpu.memref_slice %arg12[%run_scoped3A_365, %dma_wait3A_431] : memref<2x128xi32, #tpu.memory_space<vmem>> -> memref<1x128xi32, #tpu.memory_space<vmem>>
        %dma_wait3A_433 = tpu.memref_squeeze %dma_wait3A_432 : memref<1x128xi32, #tpu.memory_space<vmem>> -> memref<128xi32, #tpu.memory_space<vmem>>
        %dma_wait3A_434 = arith.constant 0 : i32
        %dma_wait3A_435 = arith.constant 0 : i32
        %dma_wait3A_436 = tpu.memref_slice %arg17[%dma_wait3A_434, %dma_wait3A_435] : memref<10000x128xf32, #tpu.memory_space<vmem_shared>> -> memref<10000x128xf32, #tpu.memory_space<vmem_shared>>
        tpu.wait_indirect_dma semaphore(%run_scoped3A_424 : memref<!tpu.dma_semaphore, #tpu.memory_space<semaphore_mem>>) src(%arg14 : memref<128x128xf32, #tpu.memory_space<vmem>>) dst(%dma_wait3A_436 : memref<10000x128xf32, #tpu.memory_space<vmem_shared>>)
        tpu.yield
      }) : () -> ()
      %eq3A_366 = arith.constant 1 : i32
      %eq3A_367 = arith.cmpi eq, %arg0, %eq3A_366 : i32
      %convert_element_type3A_368 = arith.extui %eq3A_367 : i1 to i32
      %cond3A_369 = arith.constant 0 : i32
      %cond3A_370 = arith.cmpi ne, %convert_element_type3A_368, %cond3A_369 : i32
      scf.if %cond3A_370 {
        %get3A = arith.constant 1 : i32
        %get3A_424 = arith.index_cast %get3A : i32 to index
        %get3A_425 = arith.constant 0 : index
        %get3A_426 = tpu.vector_load %arg12[%get3A_424, %get3A_425] {strides = array<i32>} : memref<2x128xi32, #tpu.memory_space<vmem>>, vector<16xi32>,
        tpu.vector_store_idx %arg16[%get3A_426], %broadcast_in_dim3A_253 {add = true} : memref<10000xf32, #tpu.memory_space<vmem>>[vector<16xi32>], vector<16xf32>,
        %get3A_427 = arith.constant 1 : i32
        %get3A_428 = arith.index_cast %get3A_427 : i32 to index
        %get3A_429 = arith.constant 16 : index
        %get3A_430 = tpu.vector_load %arg12[%get3A_428, %get3A_429] {strides = array<i32>} : memref<2x128xi32, #tpu.memory_space<vmem>>, vector<16xi32>,
        tpu.vector_store_idx %arg16[%get3A_430], %broadcast_in_dim3A_253 {add = true} : memref<10000xf32, #tpu.memory_space<vmem>>[vector<16xi32>], vector<16xf32>,
        %get3A_431 = arith.constant 1 : i32
        %get3A_432 = arith.index_cast %get3A_431 : i32 to index
        %get3A_433 = arith.constant 32 : index
        %get3A_434 = tpu.vector_load %arg12[%get3A_432, %get3A_433] {strides = array<i32>} : memref<2x128xi32, #tpu.memory_space<vmem>>, vector<16xi32>,
        tpu.vector_store_idx %arg16[%get3A_434], %broadcast_in_dim3A_253 {add = true} : memref<10000xf32, #tpu.memory_space<vmem>>[vector<16xi32>], vector<16xf32>,
        %get3A_435 = arith.constant 1 : i32
        %get3A_436 = arith.index_cast %get3A_435 : i32 to index
        %get3A_437 = arith.constant 48 : index
        %get3A_438 = tpu.vector_load %arg12[%get3A_436, %get3A_437] {strides = array<i32>} : memref<2x128xi32, #tpu.memory_space<vmem>>, vector<16xi32>,
        tpu.vector_store_idx %arg16[%get3A_438], %broadcast_in_dim3A_253 {add = true} : memref<10000xf32, #tpu.memory_space<vmem>>[vector<16xi32>], vector<16xf32>,
        %get3A_439 = arith.constant 1 : i32
        %get3A_440 = arith.index_cast %get3A_439 : i32 to index
        %get3A_441 = arith.constant 64 : index
        %get3A_442 = tpu.vector_load %arg12[%get3A_440, %get3A_441] {strides = array<i32>} : memref<2x128xi32, #tpu.memory_space<vmem>>, vector<16xi32>,
        tpu.vector_store_idx %arg16[%get3A_442], %broadcast_in_dim3A_253 {add = true} : memref<10000xf32, #tpu.memory_space<vmem>>[vector<16xi32>], vector<16xf32>,
        %get3A_443 = arith.constant 1 : i32
        %get3A_444 = arith.index_cast %get3A_443 : i32 to index
        %get3A_445 = arith.constant 80 : index
        %get3A_446 = tpu.vector_load %arg12[%get3A_444, %get3A_445] {strides = array<i32>} : memref<2x128xi32, #tpu.memory_space<vmem>>, vector<16xi32>,
        tpu.vector_store_idx %arg16[%get3A_446], %broadcast_in_dim3A_253 {add = true} : memref<10000xf32, #tpu.memory_space<vmem>>[vector<16xi32>], vector<16xf32>,
        %get3A_447 = arith.constant 1 : i32
        %get3A_448 = arith.index_cast %get3A_447 : i32 to index
        %get3A_449 = arith.constant 96 : index
        %get3A_450 = tpu.vector_load %arg12[%get3A_448, %get3A_449] {strides = array<i32>} : memref<2x128xi32, #tpu.memory_space<vmem>>, vector<16xi32>,
        tpu.vector_store_idx %arg16[%get3A_450], %broadcast_in_dim3A_253 {add = true} : memref<10000xf32, #tpu.memory_space<vmem>>[vector<16xi32>], vector<16xf32>,
        %get3A_451 = arith.constant 1 : i32
        %get3A_452 = arith.index_cast %get3A_451 : i32 to index
        %get3A_453 = arith.constant 112 : index
        %get3A_454 = tpu.vector_load %arg12[%get3A_452, %get3A_453] {strides = array<i32>} : memref<2x128xi32, #tpu.memory_space<vmem>>, vector<16xi32>,
        tpu.vector_store_idx %arg16[%get3A_454], %broadcast_in_dim3A_253 {add = true} : memref<10000xf32, #tpu.memory_space<vmem>>[vector<16xi32>], vector<16xf32>,
      } else {
      }
      %mul3A_371 = arith.constant 2 : i32
      %mul3A_372 = arith.muli %mul3A_371, %scan3A_353 : i32
      %add3A_373 = arith.constant 2 : i32
      %add3A_374 = arith.addi %mul3A_372, %add3A_373 : i32
      %mul3A_375 = arith.constant 16 : i32
      %mul3A_376 = arith.muli %add3A_374, %mul3A_375 : i32
      %add3A_377 = arith.addi %mul3A_376, %arg1 : i32
      "tpu.region"() ({
        %run_scoped3A_424 = tpu.sem_alloc : memref<!tpu.dma_semaphore, #tpu.memory_space<semaphore_mem>>
        %dma_start3A_425 = arith.constant 0 : i32
        %dma_start3A_426 = arith.constant 0 : i32
        %dma_start3A_427 = tpu.memref_slice %arg5[%add3A_377, %dma_start3A_425, %dma_start3A_426] : memref<1250x2x128xi32, #tpu.memory_space<hbm>> -> memref<1x2x128xi32, #tpu.memory_space<hbm>>
        %dma_start3A_428 = tpu.memref_squeeze %dma_start3A_427 : memref<1x2x128xi32, #tpu.memory_space<hbm>> -> memref<2x128xi32, #tpu.memory_space<hbm>>
        %dma_start3A_429 = arith.constant 0 : i32
        %dma_start3A_430 = arith.constant 0 : i32
        %dma_start3A_431 = tpu.memref_slice %arg5[%add3A_377, %dma_start3A_429, %dma_start3A_430] : memref<1250x2x128xi32, #tpu.memory_space<hbm>> -> memref<1x2x128xi32, #tpu.memory_space<hbm>>
        %dma_start3A_432 = tpu.memref_squeeze %dma_start3A_431 : memref<1x2x128xi32, #tpu.memory_space<hbm>> -> memref<2x128xi32, #tpu.memory_space<hbm>>
        tpu.enqueue_dma source(%dma_start3A_432 : memref<2x128xi32, #tpu.memory_space<hbm>>) target(%arg12 : memref<2x128xi32, #tpu.memory_space<vmem>>) target_semaphore(%run_scoped3A_424 : memref<!tpu.dma_semaphore, #tpu.memory_space<semaphore_mem>>)
        %dma_wait3A_433 = arith.constant 0 : i32
        %dma_wait3A_434 = arith.constant 0 : i32
        %dma_wait3A_435 = tpu.memref_slice %arg5[%add3A_377, %dma_wait3A_433, %dma_wait3A_434] : memref<1250x2x128xi32, #tpu.memory_space<hbm>> -> memref<1x2x128xi32, #tpu.memory_space<hbm>>
        %dma_wait3A_436 = tpu.memref_squeeze %dma_wait3A_435 : memref<1x2x128xi32, #tpu.memory_space<hbm>> -> memref<2x128xi32, #tpu.memory_space<hbm>>
        %dma_wait3A_437 = arith.constant 0 : i32
        %dma_wait3A_438 = arith.constant 0 : i32
        %dma_wait3A_439 = tpu.memref_slice %arg5[%add3A_377, %dma_wait3A_437, %dma_wait3A_438] : memref<1250x2x128xi32, #tpu.memory_space<hbm>> -> memref<1x2x128xi32, #tpu.memory_space<hbm>>
        %dma_wait3A_440 = tpu.memref_squeeze %dma_wait3A_439 : memref<1x2x128xi32, #tpu.memory_space<hbm>> -> memref<2x128xi32, #tpu.memory_space<hbm>>
        tpu.wait_dma2 semaphore(%run_scoped3A_424 : memref<!tpu.dma_semaphore, #tpu.memory_space<semaphore_mem>>) src(%dma_wait3A_440 : memref<2x128xi32, #tpu.memory_space<hbm>>) dst(%arg12 : memref<2x128xi32, #tpu.memory_space<vmem>>)
        tpu.yield
      }) : () -> ()
      %dma_start3A_378 = arith.constant 0 : i32
      %dma_start3A_379 = arith.constant 0 : i32
      %dma_start3A_380 = tpu.memref_slice %arg12[%dma_start3A_378, %dma_start3A_379] : memref<2x128xi32, #tpu.memory_space<vmem>> -> memref<1x128xi32, #tpu.memory_space<vmem>>
      %dma_start3A_381 = tpu.memref_squeeze %dma_start3A_380 : memref<1x128xi32, #tpu.memory_space<vmem>> -> memref<128xi32, #tpu.memory_space<vmem>>
      %dma_start3A_382 = arith.constant 0 : i32
      %dma_start3A_383 = arith.constant 0 : i32
      %dma_start3A_384 = tpu.memref_slice %arg4[%arg0, %dma_start3A_382, %dma_start3A_383] : memref<2x10000x128xf32, #tpu.memory_space<hbm>> -> memref<1x10000x128xf32, #tpu.memory_space<hbm>>
      %dma_start3A_385 = tpu.memref_squeeze %dma_start3A_384 : memref<1x10000x128xf32, #tpu.memory_space<hbm>> -> memref<10000x128xf32, #tpu.memory_space<hbm>>
      %dma_start3A_386 = arith.constant 0 : i32
      %dma_start3A_387 = arith.constant 0 : i32
      %dma_start3A_388 = tpu.memref_slice %dma_start3A_385[%dma_start3A_386, %dma_start3A_387] : memref<10000x128xf32, #tpu.memory_space<hbm>> -> memref<10000x128xf32, #tpu.memory_space<hbm>>
      tpu.enqueue_indirect_dma source(%dma_start3A_388 : memref<10000x128xf32, #tpu.memory_space<hbm>>) target(%arg14 : memref<128x128xf32, #tpu.memory_space<vmem>>) offsets(%dma_start3A_381 : memref<128xi32, #tpu.memory_space<vmem>>) semaphore(%arg18 : memref<!tpu.dma_semaphore, #tpu.memory_space<semaphore_mem>>)
      %dma_wait3A_389 = arith.constant 0 : i32
      %dma_wait3A_390 = arith.constant 0 : i32
      %dma_wait3A_391 = tpu.memref_slice %arg13[%dma_wait3A_389, %dma_wait3A_390] : memref<2x128xi32, #tpu.memory_space<vmem>> -> memref<1x128xi32, #tpu.memory_space<vmem>>
      %dma_wait3A_392 = tpu.memref_squeeze %dma_wait3A_391 : memref<1x128xi32, #tpu.memory_space<vmem>> -> memref<128xi32, #tpu.memory_space<vmem>>
      %dma_wait3A_393 = arith.constant 0 : i32
      %dma_wait3A_394 = arith.constant 0 : i32
      %dma_wait3A_395 = tpu.memref_slice %arg4[%arg0, %dma_wait3A_393, %dma_wait3A_394] : memref<2x10000x128xf32, #tpu.memory_space<hbm>> -> memref<1x10000x128xf32, #tpu.memory_space<hbm>>
      %dma_wait3A_396 = tpu.memref_squeeze %dma_wait3A_395 : memref<1x10000x128xf32, #tpu.memory_space<hbm>> -> memref<10000x128xf32, #tpu.memory_space<hbm>>
      %dma_wait3A_397 = arith.constant 0 : i32
      %dma_wait3A_398 = arith.constant 0 : i32
      %dma_wait3A_399 = tpu.memref_slice %dma_wait3A_396[%dma_wait3A_397, %dma_wait3A_398] : memref<10000x128xf32, #tpu.memory_space<hbm>> -> memref<10000x128xf32, #tpu.memory_space<hbm>>
      tpu.wait_indirect_dma semaphore(%arg19 : memref<!tpu.dma_semaphore, #tpu.memory_space<semaphore_mem>>) src(%dma_wait3A_399 : memref<10000x128xf32, #tpu.memory_space<hbm>>) dst(%arg15 : memref<128x128xf32, #tpu.memory_space<vmem>>)
      %run_scoped3A_400 = arith.constant 1 : i32
      "tpu.region"() ({
        %run_scoped3A_424 = tpu.sem_alloc : memref<!tpu.dma_semaphore, #tpu.memory_space<semaphore_mem>>
        %dma_start3A_425 = arith.constant 0 : i32
        %dma_start3A_426 = tpu.memref_slice %arg13[%run_scoped3A_400, %dma_start3A_425] : memref<2x128xi32, #tpu.memory_space<vmem>> -> memref<1x128xi32, #tpu.memory_space<vmem>>
        %dma_start3A_427 = tpu.memref_squeeze %dma_start3A_426 : memref<1x128xi32, #tpu.memory_space<vmem>> -> memref<128xi32, #tpu.memory_space<vmem>>
        %dma_start3A_428 = arith.constant 0 : i32
        %dma_start3A_429 = arith.constant 0 : i32
        %dma_start3A_430 = tpu.memref_slice %arg17[%dma_start3A_428, %dma_start3A_429] : memref<10000x128xf32, #tpu.memory_space<vmem_shared>> -> memref<10000x128xf32, #tpu.memory_space<vmem_shared>>
        tpu.enqueue_indirect_dma source(%arg15 : memref<128x128xf32, #tpu.memory_space<vmem>>) target(%dma_start3A_430 : memref<10000x128xf32, #tpu.memory_space<vmem_shared>>) offsets(%dma_start3A_427 : memref<128xi32, #tpu.memory_space<vmem>>) semaphore(%run_scoped3A_424 : memref<!tpu.dma_semaphore, #tpu.memory_space<semaphore_mem>>) {add = true}
        %dma_wait3A_431 = arith.constant 0 : i32
        %dma_wait3A_432 = tpu.memref_slice %arg13[%run_scoped3A_400, %dma_wait3A_431] : memref<2x128xi32, #tpu.memory_space<vmem>> -> memref<1x128xi32, #tpu.memory_space<vmem>>
        %dma_wait3A_433 = tpu.memref_squeeze %dma_wait3A_432 : memref<1x128xi32, #tpu.memory_space<vmem>> -> memref<128xi32, #tpu.memory_space<vmem>>
        %dma_wait3A_434 = arith.constant 0 : i32
        %dma_wait3A_435 = arith.constant 0 : i32
        %dma_wait3A_436 = tpu.memref_slice %arg17[%dma_wait3A_434, %dma_wait3A_435] : memref<10000x128xf32, #tpu.memory_space<vmem_shared>> -> memref<10000x128xf32, #tpu.memory_space<vmem_shared>>
        tpu.wait_indirect_dma semaphore(%run_scoped3A_424 : memref<!tpu.dma_semaphore, #tpu.memory_space<semaphore_mem>>) src(%arg15 : memref<128x128xf32, #tpu.memory_space<vmem>>) dst(%dma_wait3A_436 : memref<10000x128xf32, #tpu.memory_space<vmem_shared>>)
        tpu.yield
      }) : () -> ()
      %eq3A_401 = arith.constant 1 : i32
      %eq3A_402 = arith.cmpi eq, %arg0, %eq3A_401 : i32
      %convert_element_type3A_403 = arith.extui %eq3A_402 : i1 to i32
      %cond3A_404 = arith.constant 0 : i32
      %cond3A_405 = arith.cmpi ne, %convert_element_type3A_403, %cond3A_404 : i32
      scf.if %cond3A_405 {
        %get3A = arith.constant 1 : i32
        %get3A_424 = arith.index_cast %get3A : i32 to index
        %get3A_425 = arith.constant 0 : index
        %get3A_426 = tpu.vector_load %arg13[%get3A_424, %get3A_425] {strides = array<i32>} : memref<2x128xi32, #tpu.memory_space<vmem>>, vector<16xi32>,
        tpu.vector_store_idx %arg16[%get3A_426], %broadcast_in_dim3A_253 {add = true} : memref<10000xf32, #tpu.memory_space<vmem>>[vector<16xi32>], vector<16xf32>,
        %get3A_427 = arith.constant 1 : i32
        %get3A_428 = arith.index_cast %get3A_427 : i32 to index
        %get3A_429 = arith.constant 16 : index
        %get3A_430 = tpu.vector_load %arg13[%get3A_428, %get3A_429] {strides = array<i32>} : memref<2x128xi32, #tpu.memory_space<vmem>>, vector<16xi32>,
        tpu.vector_store_idx %arg16[%get3A_430], %broadcast_in_dim3A_253 {add = true} : memref<10000xf32, #tpu.memory_space<vmem>>[vector<16xi32>], vector<16xf32>,
        %get3A_431 = arith.constant 1 : i32
        %get3A_432 = arith.index_cast %get3A_431 : i32 to index
        %get3A_433 = arith.constant 32 : index
        %get3A_434 = tpu.vector_load %arg13[%get3A_432, %get3A_433] {strides = array<i32>} : memref<2x128xi32, #tpu.memory_space<vmem>>, vector<16xi32>,
        tpu.vector_store_idx %arg16[%get3A_434], %broadcast_in_dim3A_253 {add = true} : memref<10000xf32, #tpu.memory_space<vmem>>[vector<16xi32>], vector<16xf32>,
        %get3A_435 = arith.constant 1 : i32
        %get3A_436 = arith.index_cast %get3A_435 : i32 to index
        %get3A_437 = arith.constant 48 : index
        %get3A_438 = tpu.vector_load %arg13[%get3A_436, %get3A_437] {strides = array<i32>} : memref<2x128xi32, #tpu.memory_space<vmem>>, vector<16xi32>,
        tpu.vector_store_idx %arg16[%get3A_438], %broadcast_in_dim3A_253 {add = true} : memref<10000xf32, #tpu.memory_space<vmem>>[vector<16xi32>], vector<16xf32>,
        %get3A_439 = arith.constant 1 : i32
        %get3A_440 = arith.index_cast %get3A_439 : i32 to index
        %get3A_441 = arith.constant 64 : index
        %get3A_442 = tpu.vector_load %arg13[%get3A_440, %get3A_441] {strides = array<i32>} : memref<2x128xi32, #tpu.memory_space<vmem>>, vector<16xi32>,
        tpu.vector_store_idx %arg16[%get3A_442], %broadcast_in_dim3A_253 {add = true} : memref<10000xf32, #tpu.memory_space<vmem>>[vector<16xi32>], vector<16xf32>,
        %get3A_443 = arith.constant 1 : i32
        %get3A_444 = arith.index_cast %get3A_443 : i32 to index
        %get3A_445 = arith.constant 80 : index
        %get3A_446 = tpu.vector_load %arg13[%get3A_444, %get3A_445] {strides = array<i32>} : memref<2x128xi32, #tpu.memory_space<vmem>>, vector<16xi32>,
        tpu.vector_store_idx %arg16[%get3A_446], %broadcast_in_dim3A_253 {add = true} : memref<10000xf32, #tpu.memory_space<vmem>>[vector<16xi32>], vector<16xf32>,
        %get3A_447 = arith.constant 1 : i32
        %get3A_448 = arith.index_cast %get3A_447 : i32 to index
        %get3A_449 = arith.constant 96 : index
        %get3A_450 = tpu.vector_load %arg13[%get3A_448, %get3A_449] {strides = array<i32>} : memref<2x128xi32, #tpu.memory_space<vmem>>, vector<16xi32>,
        tpu.vector_store_idx %arg16[%get3A_450], %broadcast_in_dim3A_253 {add = true} : memref<10000xf32, #tpu.memory_space<vmem>>[vector<16xi32>], vector<16xf32>,
        %get3A_451 = arith.constant 1 : i32
        %get3A_452 = arith.index_cast %get3A_451 : i32 to index
        %get3A_453 = arith.constant 112 : index
        %get3A_454 = tpu.vector_load %arg13[%get3A_452, %get3A_453] {strides = array<i32>} : memref<2x128xi32, #tpu.memory_space<vmem>>, vector<16xi32>,
        tpu.vector_store_idx %arg16[%get3A_454], %broadcast_in_dim3A_253 {add = true} : memref<10000xf32, #tpu.memory_space<vmem>>[vector<16xi32>], vector<16xf32>,
      } else {
      }
      %mul3A_406 = arith.constant 2 : i32
      %mul3A_407 = arith.muli %mul3A_406, %scan3A_353 : i32
      %add3A_408 = arith.constant 3 : i32
      %add3A_409 = arith.addi %mul3A_407, %add3A_408 : i32
      %mul3A_410 = arith.constant 16 : i32
      %mul3A_411 = arith.muli %add3A_409, %mul3A_410 : i32
      %add3A_412 = arith.addi %mul3A_411, %arg1 : i32
      "tpu.region"() ({
        %run_scoped3A_424 = tpu.sem_alloc : memref<!tpu.dma_semaphore, #tpu.memory_space<semaphore_mem>>
        %dma_start3A_425 = arith.constant 0 : i32
        %dma_start3A_426 = arith.constant 0 : i32
        %dma_start3A_427 = tpu.memref_slice %arg5[%add3A_412, %dma_start3A_425, %dma_start3A_426] : memref<1250x2x128xi32, #tpu.memory_space<hbm>> -> memref<1x2x128xi32, #tpu.memory_space<hbm>>
        %dma_start3A_428 = tpu.memref_squeeze %dma_start3A_427 : memref<1x2x128xi32, #tpu.memory_space<hbm>> -> memref<2x128xi32, #tpu.memory_space<hbm>>
        %dma_start3A_429 = arith.constant 0 : i32
        %dma_start3A_430 = arith.constant 0 : i32
        %dma_start3A_431 = tpu.memref_slice %arg5[%add3A_412, %dma_start3A_429, %dma_start3A_430] : memref<1250x2x128xi32, #tpu.memory_space<hbm>> -> memref<1x2x128xi32, #tpu.memory_space<hbm>>
        %dma_start3A_432 = tpu.memref_squeeze %dma_start3A_431 : memref<1x2x128xi32, #tpu.memory_space<hbm>> -> memref<2x128xi32, #tpu.memory_space<hbm>>
        tpu.enqueue_dma source(%dma_start3A_432 : memref<2x128xi32, #tpu.memory_space<hbm>>) target(%arg13 : memref<2x128xi32, #tpu.memory_space<vmem>>) target_semaphore(%run_scoped3A_424 : memref<!tpu.dma_semaphore, #tpu.memory_space<semaphore_mem>>)
        %dma_wait3A_433 = arith.constant 0 : i32
        %dma_wait3A_434 = arith.constant 0 : i32
        %dma_wait3A_435 = tpu.memref_slice %arg5[%add3A_412, %dma_wait3A_433, %dma_wait3A_434] : memref<1250x2x128xi32, #tpu.memory_space<hbm>> -> memref<1x2x128xi32, #tpu.memory_space<hbm>>
        %dma_wait3A_436 = tpu.memref_squeeze %dma_wait3A_435 : memref<1x2x128xi32, #tpu.memory_space<hbm>> -> memref<2x128xi32, #tpu.memory_space<hbm>>
        %dma_wait3A_437 = arith.constant 0 : i32
        %dma_wait3A_438 = arith.constant 0 : i32
        %dma_wait3A_439 = tpu.memref_slice %arg5[%add3A_412, %dma_wait3A_437, %dma_wait3A_438] : memref<1250x2x128xi32, #tpu.memory_space<hbm>> -> memref<1x2x128xi32, #tpu.memory_space<hbm>>
        %dma_wait3A_440 = tpu.memref_squeeze %dma_wait3A_439 : memref<1x2x128xi32, #tpu.memory_space<hbm>> -> memref<2x128xi32, #tpu.memory_space<hbm>>
        tpu.wait_dma2 semaphore(%run_scoped3A_424 : memref<!tpu.dma_semaphore, #tpu.memory_space<semaphore_mem>>) src(%dma_wait3A_440 : memref<2x128xi32, #tpu.memory_space<hbm>>) dst(%arg13 : memref<2x128xi32, #tpu.memory_space<vmem>>)
        tpu.yield
      }) : () -> ()
      %dma_start3A_413 = arith.constant 0 : i32
      %dma_start3A_414 = arith.constant 0 : i32
      %dma_start3A_415 = tpu.memref_slice %arg13[%dma_start3A_413, %dma_start3A_414] : memref<2x128xi32, #tpu.memory_space<vmem>> -> memref<1x128xi32, #tpu.memory_space<vmem>>
      %dma_start3A_416 = tpu.memref_squeeze %dma_start3A_415 : memref<1x128xi32, #tpu.memory_space<vmem>> -> memref<128xi32, #tpu.memory_space<vmem>>
      %dma_start3A_417 = arith.constant 0 : i32
      %dma_start3A_418 = arith.constant 0 : i32
      %dma_start3A_419 = tpu.memref_slice %arg4[%arg0, %dma_start3A_417, %dma_start3A_418] : memref<2x10000x128xf32, #tpu.memory_space<hbm>> -> memref<1x10000x128xf32, #tpu.memory_space<hbm>>
      %dma_start3A_420 = tpu.memref_squeeze %dma_start3A_419 : memref<1x10000x128xf32, #tpu.memory_space<hbm>> -> memref<10000x128xf32, #tpu.memory_space<hbm>>
      %dma_start3A_421 = arith.constant 0 : i32
      %dma_start3A_422 = arith.constant 0 : i32
      %dma_start3A_423 = tpu.memref_slice %dma_start3A_420[%dma_start3A_421, %dma_start3A_422] : memref<10000x128xf32, #tpu.memory_space<hbm>> -> memref<10000x128xf32, #tpu.memory_space<hbm>>
      tpu.enqueue_indirect_dma source(%dma_start3A_423 : memref<10000x128xf32, #tpu.memory_space<hbm>>) target(%arg15 : memref<128x128xf32, #tpu.memory_space<vmem>>) offsets(%dma_start3A_416 : memref<128xi32, #tpu.memory_space<vmem>>) semaphore(%arg19 : memref<!tpu.dma_semaphore, #tpu.memory_space<semaphore_mem>>)
    }
    %scan3A_285 = arith.constant 38 : i32
    %dma_wait3A_286 = arith.constant 0 : i32
    %dma_wait3A_287 = arith.constant 0 : i32
    %dma_wait3A_288 = tpu.memref_slice %arg12[%dma_wait3A_286, %dma_wait3A_287] : memref<2x128xi32, #tpu.memory_space<vmem>> -> memref<1x128xi32, #tpu.memory_space<vmem>>
    %dma_wait3A_289 = tpu.memref_squeeze %dma_wait3A_288 : memref<1x128xi32, #tpu.memory_space<vmem>> -> memref<128xi32, #tpu.memory_space<vmem>>
    %dma_wait3A_290 = arith.constant 0 : i32
    %dma_wait3A_291 = arith.constant 0 : i32
    %dma_wait3A_292 = tpu.memref_slice %arg4[%arg0, %dma_wait3A_290, %dma_wait3A_291] : memref<2x10000x128xf32, #tpu.memory_space<hbm>> -> memref<1x10000x128xf32, #tpu.memory_space<hbm>>
    %dma_wait3A_293 = tpu.memref_squeeze %dma_wait3A_292 : memref<1x10000x128xf32, #tpu.memory_space<hbm>> -> memref<10000x128xf32, #tpu.memory_space<hbm>>
    %dma_wait3A_294 = arith.constant 0 : i32
    %dma_wait3A_295 = arith.constant 0 : i32
    %dma_wait3A_296 = tpu.memref_slice %dma_wait3A_293[%dma_wait3A_294, %dma_wait3A_295] : memref<10000x128xf32, #tpu.memory_space<hbm>> -> memref<10000x128xf32, #tpu.memory_space<hbm>>
    tpu.wait_indirect_dma semaphore(%arg18 : memref<!tpu.dma_semaphore, #tpu.memory_space<semaphore_mem>>) src(%dma_wait3A_296 : memref<10000x128xf32, #tpu.memory_space<hbm>>) dst(%arg14 : memref<128x128xf32, #tpu.memory_space<vmem>>)
    %run_scoped3A_297 = arith.constant 1 : i32
    "tpu.region"() ({
      %run_scoped3A_353 = tpu.sem_alloc : memref<!tpu.dma_semaphore, #tpu.memory_space<semaphore_mem>>
      %dma_start3A_354 = arith.constant 0 : i32
      %dma_start3A_355 = tpu.memref_slice %arg12[%run_scoped3A_297, %dma_start3A_354] : memref<2x128xi32, #tpu.memory_space<vmem>> -> memref<1x128xi32, #tpu.memory_space<vmem>>
      %dma_start3A_356 = tpu.memref_squeeze %dma_start3A_355 : memref<1x128xi32, #tpu.memory_space<vmem>> -> memref<128xi32, #tpu.memory_space<vmem>>
      %dma_start3A_357 = arith.constant 0 : i32
      %dma_start3A_358 = arith.constant 0 : i32
      %dma_start3A_359 = tpu.memref_slice %arg17[%dma_start3A_357, %dma_start3A_358] : memref<10000x128xf32, #tpu.memory_space<vmem_shared>> -> memref<10000x128xf32, #tpu.memory_space<vmem_shared>>
      tpu.enqueue_indirect_dma source(%arg14 : memref<128x128xf32, #tpu.memory_space<vmem>>) target(%dma_start3A_359 : memref<10000x128xf32, #tpu.memory_space<vmem_shared>>) offsets(%dma_start3A_356 : memref<128xi32, #tpu.memory_space<vmem>>) semaphore(%run_scoped3A_353 : memref<!tpu.dma_semaphore, #tpu.memory_space<semaphore_mem>>) {add = true}
      %dma_wait3A_360 = arith.constant 0 : i32
      %dma_wait3A_361 = tpu.memref_slice %arg12[%run_scoped3A_297, %dma_wait3A_360] : memref<2x128xi32, #tpu.memory_space<vmem>> -> memref<1x128xi32, #tpu.memory_space<vmem>>
      %dma_wait3A_362 = tpu.memref_squeeze %dma_wait3A_361 : memref<1x128xi32, #tpu.memory_space<vmem>> -> memref<128xi32, #tpu.memory_space<vmem>>
      %dma_wait3A_363 = arith.constant 0 : i32
      %dma_wait3A_364 = arith.constant 0 : i32
      %dma_wait3A_365 = tpu.memref_slice %arg17[%dma_wait3A_363, %dma_wait3A_364] : memref<10000x128xf32, #tpu.memory_space<vmem_shared>> -> memref<10000x128xf32, #tpu.memory_space<vmem_shared>>
      tpu.wait_indirect_dma semaphore(%run_scoped3A_353 : memref<!tpu.dma_semaphore, #tpu.memory_space<semaphore_mem>>) src(%arg14 : memref<128x128xf32, #tpu.memory_space<vmem>>) dst(%dma_wait3A_365 : memref<10000x128xf32, #tpu.memory_space<vmem_shared>>)
      tpu.yield
    }) : () -> ()
    %eq3A_298 = arith.constant 1 : i32
    %eq3A_299 = arith.cmpi eq, %arg0, %eq3A_298 : i32
    %convert_element_type3A_300 = arith.extui %eq3A_299 : i1 to i32
    %cond3A_301 = arith.constant 0 : i32
    %cond3A_302 = arith.cmpi ne, %convert_element_type3A_300, %cond3A_301 : i32
    scf.if %cond3A_302 {
      %get3A = arith.constant 1 : i32
      %get3A_353 = arith.index_cast %get3A : i32 to index
      %get3A_354 = arith.constant 0 : index
      %get3A_355 = tpu.vector_load %arg12[%get3A_353, %get3A_354] {strides = array<i32>} : memref<2x128xi32, #tpu.memory_space<vmem>>, vector<16xi32>,
      tpu.vector_store_idx %arg16[%get3A_355], %broadcast_in_dim3A_253 {add = true} : memref<10000xf32, #tpu.memory_space<vmem>>[vector<16xi32>], vector<16xf32>,
      %get3A_356 = arith.constant 1 : i32
      %get3A_357 = arith.index_cast %get3A_356 : i32 to index
      %get3A_358 = arith.constant 16 : index
      %get3A_359 = tpu.vector_load %arg12[%get3A_357, %get3A_358] {strides = array<i32>} : memref<2x128xi32, #tpu.memory_space<vmem>>, vector<16xi32>,
      tpu.vector_store_idx %arg16[%get3A_359], %broadcast_in_dim3A_253 {add = true} : memref<10000xf32, #tpu.memory_space<vmem>>[vector<16xi32>], vector<16xf32>,
      %get3A_360 = arith.constant 1 : i32
      %get3A_361 = arith.index_cast %get3A_360 : i32 to index
      %get3A_362 = arith.constant 32 : index
      %get3A_363 = tpu.vector_load %arg12[%get3A_361, %get3A_362] {strides = array<i32>} : memref<2x128xi32, #tpu.memory_space<vmem>>, vector<16xi32>,
      tpu.vector_store_idx %arg16[%get3A_363], %broadcast_in_dim3A_253 {add = true} : memref<10000xf32, #tpu.memory_space<vmem>>[vector<16xi32>], vector<16xf32>,
      %get3A_364 = arith.constant 1 : i32
      %get3A_365 = arith.index_cast %get3A_364 : i32 to index
      %get3A_366 = arith.constant 48 : index
      %get3A_367 = tpu.vector_load %arg12[%get3A_365, %get3A_366] {strides = array<i32>} : memref<2x128xi32, #tpu.memory_space<vmem>>, vector<16xi32>,
      tpu.vector_store_idx %arg16[%get3A_367], %broadcast_in_dim3A_253 {add = true} : memref<10000xf32, #tpu.memory_space<vmem>>[vector<16xi32>], vector<16xf32>,
      %get3A_368 = arith.constant 1 : i32
      %get3A_369 = arith.index_cast %get3A_368 : i32 to index
      %get3A_370 = arith.constant 64 : index
      %get3A_371 = tpu.vector_load %arg12[%get3A_369, %get3A_370] {strides = array<i32>} : memref<2x128xi32, #tpu.memory_space<vmem>>, vector<16xi32>,
      tpu.vector_store_idx %arg16[%get3A_371], %broadcast_in_dim3A_253 {add = true} : memref<10000xf32, #tpu.memory_space<vmem>>[vector<16xi32>], vector<16xf32>,
      %get3A_372 = arith.constant 1 : i32
      %get3A_373 = arith.index_cast %get3A_372 : i32 to index
      %get3A_374 = arith.constant 80 : index
      %get3A_375 = tpu.vector_load %arg12[%get3A_373, %get3A_374] {strides = array<i32>} : memref<2x128xi32, #tpu.memory_space<vmem>>, vector<16xi32>,
      tpu.vector_store_idx %arg16[%get3A_375], %broadcast_in_dim3A_253 {add = true} : memref<10000xf32, #tpu.memory_space<vmem>>[vector<16xi32>], vector<16xf32>,
      %get3A_376 = arith.constant 1 : i32
      %get3A_377 = arith.index_cast %get3A_376 : i32 to index
      %get3A_378 = arith.constant 96 : index
      %get3A_379 = tpu.vector_load %arg12[%get3A_377, %get3A_378] {strides = array<i32>} : memref<2x128xi32, #tpu.memory_space<vmem>>, vector<16xi32>,
      tpu.vector_store_idx %arg16[%get3A_379], %broadcast_in_dim3A_253 {add = true} : memref<10000xf32, #tpu.memory_space<vmem>>[vector<16xi32>], vector<16xf32>,
      %get3A_380 = arith.constant 1 : i32
      %get3A_381 = arith.index_cast %get3A_380 : i32 to index
      %get3A_382 = arith.constant 112 : index
      %get3A_383 = tpu.vector_load %arg12[%get3A_381, %get3A_382] {strides = array<i32>} : memref<2x128xi32, #tpu.memory_space<vmem>>, vector<16xi32>,
      tpu.vector_store_idx %arg16[%get3A_383], %broadcast_in_dim3A_253 {add = true} : memref<10000xf32, #tpu.memory_space<vmem>>[vector<16xi32>], vector<16xf32>,
    } else {
    }
    %lt3A_303 = arith.constant 2 : i32
    %lt3A_304 = arith.cmpi slt, %arg1, %lt3A_303 : i32
    %convert_element_type3A_305 = arith.extui %lt3A_304 : i1 to i32
    %cond3A_306 = arith.constant 0 : i32
    %cond3A_307 = arith.cmpi ne, %convert_element_type3A_305, %cond3A_306 : i32
    scf.if %cond3A_307 {
      %add3A_353 = arith.constant 1248 : i32
      %add3A_354 = arith.addi %add3A_353, %arg1 : i32
      "tpu.region"() ({
        %run_scoped3A_366 = tpu.sem_alloc : memref<!tpu.dma_semaphore, #tpu.memory_space<semaphore_mem>>
        %dma_start3A_367 = arith.constant 0 : i32
        %dma_start3A_368 = arith.constant 0 : i32
        %dma_start3A_369 = tpu.memref_slice %arg5[%add3A_354, %dma_start3A_367, %dma_start3A_368] : memref<1250x2x128xi32, #tpu.memory_space<hbm>> -> memref<1x2x128xi32, #tpu.memory_space<hbm>>
        %dma_start3A_370 = tpu.memref_squeeze %dma_start3A_369 : memref<1x2x128xi32, #tpu.memory_space<hbm>> -> memref<2x128xi32, #tpu.memory_space<hbm>>
        %dma_start3A_371 = arith.constant 0 : i32
        %dma_start3A_372 = arith.constant 0 : i32
        %dma_start3A_373 = tpu.memref_slice %arg5[%add3A_354, %dma_start3A_371, %dma_start3A_372] : memref<1250x2x128xi32, #tpu.memory_space<hbm>> -> memref<1x2x128xi32, #tpu.memory_space<hbm>>
        %dma_start3A_374 = tpu.memref_squeeze %dma_start3A_373 : memref<1x2x128xi32, #tpu.memory_space<hbm>> -> memref<2x128xi32, #tpu.memory_space<hbm>>
        tpu.enqueue_dma source(%dma_start3A_374 : memref<2x128xi32, #tpu.memory_space<hbm>>) target(%arg12 : memref<2x128xi32, #tpu.memory_space<vmem>>) target_semaphore(%run_scoped3A_366 : memref<!tpu.dma_semaphore, #tpu.memory_space<semaphore_mem>>)
        %dma_wait3A_375 = arith.constant 0 : i32
        %dma_wait3A_376 = arith.constant 0 : i32
        %dma_wait3A_377 = tpu.memref_slice %arg5[%add3A_354, %dma_wait3A_375, %dma_wait3A_376] : memref<1250x2x128xi32, #tpu.memory_space<hbm>> -> memref<1x2x128xi32, #tpu.memory_space<hbm>>
        %dma_wait3A_378 = tpu.memref_squeeze %dma_wait3A_377 : memref<1x2x128xi32, #tpu.memory_space<hbm>> -> memref<2x128xi32, #tpu.memory_space<hbm>>
        %dma_wait3A_379 = arith.constant 0 : i32
        %dma_wait3A_380 = arith.constant 0 : i32
        %dma_wait3A_381 = tpu.memref_slice %arg5[%add3A_354, %dma_wait3A_379, %dma_wait3A_380] : memref<1250x2x128xi32, #tpu.memory_space<hbm>> -> memref<1x2x128xi32, #tpu.memory_space<hbm>>
        %dma_wait3A_382 = tpu.memref_squeeze %dma_wait3A_381 : memref<1x2x128xi32, #tpu.memory_space<hbm>> -> memref<2x128xi32, #tpu.memory_space<hbm>>
        tpu.wait_dma2 semaphore(%run_scoped3A_366 : memref<!tpu.dma_semaphore, #tpu.memory_space<semaphore_mem>>) src(%dma_wait3A_382 : memref<2x128xi32, #tpu.memory_space<hbm>>) dst(%arg12 : memref<2x128xi32, #tpu.memory_space<vmem>>)
        tpu.yield
      }) : () -> ()
      %dma_start3A_355 = arith.constant 0 : i32
      %dma_start3A_356 = arith.constant 0 : i32
      %dma_start3A_357 = tpu.memref_slice %arg12[%dma_start3A_355, %dma_start3A_356] : memref<2x128xi32, #tpu.memory_space<vmem>> -> memref<1x128xi32, #tpu.memory_space<vmem>>
      %dma_start3A_358 = tpu.memref_squeeze %dma_start3A_357 : memref<1x128xi32, #tpu.memory_space<vmem>> -> memref<128xi32, #tpu.memory_space<vmem>>
      %dma_start3A_359 = arith.constant 0 : i32
      %dma_start3A_360 = arith.constant 0 : i32
      %dma_start3A_361 = tpu.memref_slice %arg4[%arg0, %dma_start3A_359, %dma_start3A_360] : memref<2x10000x128xf32, #tpu.memory_space<hbm>> -> memref<1x10000x128xf32, #tpu.memory_space<hbm>>
      %dma_start3A_362 = tpu.memref_squeeze %dma_start3A_361 : memref<1x10000x128xf32, #tpu.memory_space<hbm>> -> memref<10000x128xf32, #tpu.memory_space<hbm>>
      %dma_start3A_363 = arith.constant 0 : i32
      %dma_start3A_364 = arith.constant 0 : i32
      %dma_start3A_365 = tpu.memref_slice %dma_start3A_362[%dma_start3A_363, %dma_start3A_364] : memref<10000x128xf32, #tpu.memory_space<hbm>> -> memref<10000x128xf32, #tpu.memory_space<hbm>>
      tpu.enqueue_indirect_dma source(%dma_start3A_365 : memref<10000x128xf32, #tpu.memory_space<hbm>>) target(%arg14 : memref<128x128xf32, #tpu.memory_space<vmem>>) offsets(%dma_start3A_358 : memref<128xi32, #tpu.memory_space<vmem>>) semaphore(%arg18 : memref<!tpu.dma_semaphore, #tpu.memory_space<semaphore_mem>>)
    } else {
    }
    %dma_wait3A_308 = arith.constant 0 : i32
    %dma_wait3A_309 = arith.constant 0 : i32
    %dma_wait3A_310 = tpu.memref_slice %arg13[%dma_wait3A_308, %dma_wait3A_309] : memref<2x128xi32, #tpu.memory_space<vmem>> -> memref<1x128xi32, #tpu.memory_space<vmem>>
    %dma_wait3A_311 = tpu.memref_squeeze %dma_wait3A_310 : memref<1x128xi32, #tpu.memory_space<vmem>> -> memref<128xi32, #tpu.memory_space<vmem>>
    %dma_wait3A_312 = arith.constant 0 : i32
    %dma_wait3A_313 = arith.constant 0 : i32
    %dma_wait3A_314 = tpu.memref_slice %arg4[%arg0, %dma_wait3A_312, %dma_wait3A_313] : memref<2x10000x128xf32, #tpu.memory_space<hbm>> -> memref<1x10000x128xf32, #tpu.memory_space<hbm>>
    %dma_wait3A_315 = tpu.memref_squeeze %dma_wait3A_314 : memref<1x10000x128xf32, #tpu.memory_space<hbm>> -> memref<10000x128xf32, #tpu.memory_space<hbm>>
    %dma_wait3A_316 = arith.constant 0 : i32
    %dma_wait3A_317 = arith.constant 0 : i32
    %dma_wait3A_318 = tpu.memref_slice %dma_wait3A_315[%dma_wait3A_316, %dma_wait3A_317] : memref<10000x128xf32, #tpu.memory_space<hbm>> -> memref<10000x128xf32, #tpu.memory_space<hbm>>
    tpu.wait_indirect_dma semaphore(%arg19 : memref<!tpu.dma_semaphore, #tpu.memory_space<semaphore_mem>>) src(%dma_wait3A_318 : memref<10000x128xf32, #tpu.memory_space<hbm>>) dst(%arg15 : memref<128x128xf32, #tpu.memory_space<vmem>>)
    %run_scoped3A_319 = arith.constant 1 : i32
    "tpu.region"() ({
      %run_scoped3A_353 = tpu.sem_alloc : memref<!tpu.dma_semaphore, #tpu.memory_space<semaphore_mem>>
      %dma_start3A_354 = arith.constant 0 : i32
      %dma_start3A_355 = tpu.memref_slice %arg13[%run_scoped3A_319, %dma_start3A_354] : memref<2x128xi32, #tpu.memory_space<vmem>> -> memref<1x128xi32, #tpu.memory_space<vmem>>
      %dma_start3A_356 = tpu.memref_squeeze %dma_start3A_355 : memref<1x128xi32, #tpu.memory_space<vmem>> -> memref<128xi32, #tpu.memory_space<vmem>>
      %dma_start3A_357 = arith.constant 0 : i32
      %dma_start3A_358 = arith.constant 0 : i32
      %dma_start3A_359 = tpu.memref_slice %arg17[%dma_start3A_357, %dma_start3A_358] : memref<10000x128xf32, #tpu.memory_space<vmem_shared>> -> memref<10000x128xf32, #tpu.memory_space<vmem_shared>>
      tpu.enqueue_indirect_dma source(%arg15 : memref<128x128xf32, #tpu.memory_space<vmem>>) target(%dma_start3A_359 : memref<10000x128xf32, #tpu.memory_space<vmem_shared>>) offsets(%dma_start3A_356 : memref<128xi32, #tpu.memory_space<vmem>>) semaphore(%run_scoped3A_353 : memref<!tpu.dma_semaphore, #tpu.memory_space<semaphore_mem>>) {add = true}
      %dma_wait3A_360 = arith.constant 0 : i32
      %dma_wait3A_361 = tpu.memref_slice %arg13[%run_scoped3A_319, %dma_wait3A_360] : memref<2x128xi32, #tpu.memory_space<vmem>> -> memref<1x128xi32, #tpu.memory_space<vmem>>
      %dma_wait3A_362 = tpu.memref_squeeze %dma_wait3A_361 : memref<1x128xi32, #tpu.memory_space<vmem>> -> memref<128xi32, #tpu.memory_space<vmem>>
      %dma_wait3A_363 = arith.constant 0 : i32
      %dma_wait3A_364 = arith.constant 0 : i32
      %dma_wait3A_365 = tpu.memref_slice %arg17[%dma_wait3A_363, %dma_wait3A_364] : memref<10000x128xf32, #tpu.memory_space<vmem_shared>> -> memref<10000x128xf32, #tpu.memory_space<vmem_shared>>
      tpu.wait_indirect_dma semaphore(%run_scoped3A_353 : memref<!tpu.dma_semaphore, #tpu.memory_space<semaphore_mem>>) src(%arg15 : memref<128x128xf32, #tpu.memory_space<vmem>>) dst(%dma_wait3A_365 : memref<10000x128xf32, #tpu.memory_space<vmem_shared>>)
      tpu.yield
    }) : () -> ()
    %eq3A_320 = arith.constant 1 : i32
    %eq3A_321 = arith.cmpi eq, %arg0, %eq3A_320 : i32
    %convert_element_type3A_322 = arith.extui %eq3A_321 : i1 to i32
    %cond3A_323 = arith.constant 0 : i32
    %cond3A_324 = arith.cmpi ne, %convert_element_type3A_322, %cond3A_323 : i32
    scf.if %cond3A_324 {
      %get3A = arith.constant 1 : i32
      %get3A_353 = arith.index_cast %get3A : i32 to index
      %get3A_354 = arith.constant 0 : index
      %get3A_355 = tpu.vector_load %arg13[%get3A_353, %get3A_354] {strides = array<i32>} : memref<2x128xi32, #tpu.memory_space<vmem>>, vector<16xi32>,
      tpu.vector_store_idx %arg16[%get3A_355], %broadcast_in_dim3A_253 {add = true} : memref<10000xf32, #tpu.memory_space<vmem>>[vector<16xi32>], vector<16xf32>,
      %get3A_356 = arith.constant 1 : i32
      %get3A_357 = arith.index_cast %get3A_356 : i32 to index
      %get3A_358 = arith.constant 16 : index
      %get3A_359 = tpu.vector_load %arg13[%get3A_357, %get3A_358] {strides = array<i32>} : memref<2x128xi32, #tpu.memory_space<vmem>>, vector<16xi32>,
      tpu.vector_store_idx %arg16[%get3A_359], %broadcast_in_dim3A_253 {add = true} : memref<10000xf32, #tpu.memory_space<vmem>>[vector<16xi32>], vector<16xf32>,
      %get3A_360 = arith.constant 1 : i32
      %get3A_361 = arith.index_cast %get3A_360 : i32 to index
      %get3A_362 = arith.constant 32 : index
      %get3A_363 = tpu.vector_load %arg13[%get3A_361, %get3A_362] {strides = array<i32>} : memref<2x128xi32, #tpu.memory_space<vmem>>, vector<16xi32>,
      tpu.vector_store_idx %arg16[%get3A_363], %broadcast_in_dim3A_253 {add = true} : memref<10000xf32, #tpu.memory_space<vmem>>[vector<16xi32>], vector<16xf32>,
      %get3A_364 = arith.constant 1 : i32
      %get3A_365 = arith.index_cast %get3A_364 : i32 to index
      %get3A_366 = arith.constant 48 : index
      %get3A_367 = tpu.vector_load %arg13[%get3A_365, %get3A_366] {strides = array<i32>} : memref<2x128xi32, #tpu.memory_space<vmem>>, vector<16xi32>,
      tpu.vector_store_idx %arg16[%get3A_367], %broadcast_in_dim3A_253 {add = true} : memref<10000xf32, #tpu.memory_space<vmem>>[vector<16xi32>], vector<16xf32>,
      %get3A_368 = arith.constant 1 : i32
      %get3A_369 = arith.index_cast %get3A_368 : i32 to index
      %get3A_370 = arith.constant 64 : index
      %get3A_371 = tpu.vector_load %arg13[%get3A_369, %get3A_370] {strides = array<i32>} : memref<2x128xi32, #tpu.memory_space<vmem>>, vector<16xi32>,
      tpu.vector_store_idx %arg16[%get3A_371], %broadcast_in_dim3A_253 {add = true} : memref<10000xf32, #tpu.memory_space<vmem>>[vector<16xi32>], vector<16xf32>,
      %get3A_372 = arith.constant 1 : i32
      %get3A_373 = arith.index_cast %get3A_372 : i32 to index
      %get3A_374 = arith.constant 80 : index
      %get3A_375 = tpu.vector_load %arg13[%get3A_373, %get3A_374] {strides = array<i32>} : memref<2x128xi32, #tpu.memory_space<vmem>>, vector<16xi32>,
      tpu.vector_store_idx %arg16[%get3A_375], %broadcast_in_dim3A_253 {add = true} : memref<10000xf32, #tpu.memory_space<vmem>>[vector<16xi32>], vector<16xf32>,
      %get3A_376 = arith.constant 1 : i32
      %get3A_377 = arith.index_cast %get3A_376 : i32 to index
      %get3A_378 = arith.constant 96 : index
      %get3A_379 = tpu.vector_load %arg13[%get3A_377, %get3A_378] {strides = array<i32>} : memref<2x128xi32, #tpu.memory_space<vmem>>, vector<16xi32>,
      tpu.vector_store_idx %arg16[%get3A_379], %broadcast_in_dim3A_253 {add = true} : memref<10000xf32, #tpu.memory_space<vmem>>[vector<16xi32>], vector<16xf32>,
      %get3A_380 = arith.constant 1 : i32
      %get3A_381 = arith.index_cast %get3A_380 : i32 to index
      %get3A_382 = arith.constant 112 : index
      %get3A_383 = tpu.vector_load %arg13[%get3A_381, %get3A_382] {strides = array<i32>} : memref<2x128xi32, #tpu.memory_space<vmem>>, vector<16xi32>,
      tpu.vector_store_idx %arg16[%get3A_383], %broadcast_in_dim3A_253 {add = true} : memref<10000xf32, #tpu.memory_space<vmem>>[vector<16xi32>], vector<16xf32>,
    } else {
    }
    %lt3A_325 = arith.constant 2 : i32
    %lt3A_326 = arith.cmpi slt, %arg1, %lt3A_325 : i32
    %convert_element_type3A_327 = arith.extui %lt3A_326 : i1 to i32
    %cond3A_328 = arith.constant 0 : i32
    %cond3A_329 = arith.cmpi ne, %convert_element_type3A_327, %cond3A_328 : i32
    scf.if %cond3A_329 {
      %dma_wait3A_353 = arith.constant 0 : i32
      %dma_wait3A_354 = arith.constant 0 : i32
      %dma_wait3A_355 = tpu.memref_slice %arg12[%dma_wait3A_353, %dma_wait3A_354] : memref<2x128xi32, #tpu.memory_space<vmem>> -> memref<1x128xi32, #tpu.memory_space<vmem>>
      %dma_wait3A_356 = tpu.memref_squeeze %dma_wait3A_355 : memref<1x128xi32, #tpu.memory_space<vmem>> -> memref<128xi32, #tpu.memory_space<vmem>>
      %dma_wait3A_357 = arith.constant 0 : i32
      %dma_wait3A_358 = arith.constant 0 : i32
      %dma_wait3A_359 = tpu.memref_slice %arg4[%arg0, %dma_wait3A_357, %dma_wait3A_358] : memref<2x10000x128xf32, #tpu.memory_space<hbm>> -> memref<1x10000x128xf32, #tpu.memory_space<hbm>>
      %dma_wait3A_360 = tpu.memref_squeeze %dma_wait3A_359 : memref<1x10000x128xf32, #tpu.memory_space<hbm>> -> memref<10000x128xf32, #tpu.memory_space<hbm>>
      %dma_wait3A_361 = arith.constant 0 : i32
      %dma_wait3A_362 = arith.constant 0 : i32
      %dma_wait3A_363 = tpu.memref_slice %dma_wait3A_360[%dma_wait3A_361, %dma_wait3A_362] : memref<10000x128xf32, #tpu.memory_space<hbm>> -> memref<10000x128xf32, #tpu.memory_space<hbm>>
      tpu.wait_indirect_dma semaphore(%arg18 : memref<!tpu.dma_semaphore, #tpu.memory_space<semaphore_mem>>) src(%dma_wait3A_363 : memref<10000x128xf32, #tpu.memory_space<hbm>>) dst(%arg14 : memref<128x128xf32, #tpu.memory_space<vmem>>)
      %run_scoped3A_364 = arith.constant 1 : i32
      "tpu.region"() ({
        %run_scoped3A_370 = tpu.sem_alloc : memref<!tpu.dma_semaphore, #tpu.memory_space<semaphore_mem>>
        %dma_start3A_371 = arith.constant 0 : i32
        %dma_start3A_372 = tpu.memref_slice %arg12[%run_scoped3A_364, %dma_start3A_371] : memref<2x128xi32, #tpu.memory_space<vmem>> -> memref<1x128xi32, #tpu.memory_space<vmem>>
        %dma_start3A_373 = tpu.memref_squeeze %dma_start3A_372 : memref<1x128xi32, #tpu.memory_space<vmem>> -> memref<128xi32, #tpu.memory_space<vmem>>
        %dma_start3A_374 = arith.constant 0 : i32
        %dma_start3A_375 = arith.constant 0 : i32
        %dma_start3A_376 = tpu.memref_slice %arg17[%dma_start3A_374, %dma_start3A_375] : memref<10000x128xf32, #tpu.memory_space<vmem_shared>> -> memref<10000x128xf32, #tpu.memory_space<vmem_shared>>
        tpu.enqueue_indirect_dma source(%arg14 : memref<128x128xf32, #tpu.memory_space<vmem>>) target(%dma_start3A_376 : memref<10000x128xf32, #tpu.memory_space<vmem_shared>>) offsets(%dma_start3A_373 : memref<128xi32, #tpu.memory_space<vmem>>) semaphore(%run_scoped3A_370 : memref<!tpu.dma_semaphore, #tpu.memory_space<semaphore_mem>>) {add = true}
        %dma_wait3A_377 = arith.constant 0 : i32
        %dma_wait3A_378 = tpu.memref_slice %arg12[%run_scoped3A_364, %dma_wait3A_377] : memref<2x128xi32, #tpu.memory_space<vmem>> -> memref<1x128xi32, #tpu.memory_space<vmem>>
        %dma_wait3A_379 = tpu.memref_squeeze %dma_wait3A_378 : memref<1x128xi32, #tpu.memory_space<vmem>> -> memref<128xi32, #tpu.memory_space<vmem>>
        %dma_wait3A_380 = arith.constant 0 : i32
        %dma_wait3A_381 = arith.constant 0 : i32
        %dma_wait3A_382 = tpu.memref_slice %arg17[%dma_wait3A_380, %dma_wait3A_381] : memref<10000x128xf32, #tpu.memory_space<vmem_shared>> -> memref<10000x128xf32, #tpu.memory_space<vmem_shared>>
        tpu.wait_indirect_dma semaphore(%run_scoped3A_370 : memref<!tpu.dma_semaphore, #tpu.memory_space<semaphore_mem>>) src(%arg14 : memref<128x128xf32, #tpu.memory_space<vmem>>) dst(%dma_wait3A_382 : memref<10000x128xf32, #tpu.memory_space<vmem_shared>>)
        tpu.yield
      }) : () -> ()
      %eq3A_365 = arith.constant 1 : i32
      %eq3A_366 = arith.cmpi eq, %arg0, %eq3A_365 : i32
      %convert_element_type3A_367 = arith.extui %eq3A_366 : i1 to i32
      %cond3A_368 = arith.constant 0 : i32
      %cond3A_369 = arith.cmpi ne, %convert_element_type3A_367, %cond3A_368 : i32
      scf.if %cond3A_369 {
        %get3A = arith.constant 1 : i32
        %get3A_370 = arith.index_cast %get3A : i32 to index
        %get3A_371 = arith.constant 0 : index
        %get3A_372 = tpu.vector_load %arg12[%get3A_370, %get3A_371] {strides = array<i32>} : memref<2x128xi32, #tpu.memory_space<vmem>>, vector<16xi32>,
        tpu.vector_store_idx %arg16[%get3A_372], %broadcast_in_dim3A_253 {add = true} : memref<10000xf32, #tpu.memory_space<vmem>>[vector<16xi32>], vector<16xf32>,
        %get3A_373 = arith.constant 1 : i32
        %get3A_374 = arith.index_cast %get3A_373 : i32 to index
        %get3A_375 = arith.constant 16 : index
        %get3A_376 = tpu.vector_load %arg12[%get3A_374, %get3A_375] {strides = array<i32>} : memref<2x128xi32, #tpu.memory_space<vmem>>, vector<16xi32>,
        tpu.vector_store_idx %arg16[%get3A_376], %broadcast_in_dim3A_253 {add = true} : memref<10000xf32, #tpu.memory_space<vmem>>[vector<16xi32>], vector<16xf32>,
        %get3A_377 = arith.constant 1 : i32
        %get3A_378 = arith.index_cast %get3A_377 : i32 to index
        %get3A_379 = arith.constant 32 : index
        %get3A_380 = tpu.vector_load %arg12[%get3A_378, %get3A_379] {strides = array<i32>} : memref<2x128xi32, #tpu.memory_space<vmem>>, vector<16xi32>,
        tpu.vector_store_idx %arg16[%get3A_380], %broadcast_in_dim3A_253 {add = true} : memref<10000xf32, #tpu.memory_space<vmem>>[vector<16xi32>], vector<16xf32>,
        %get3A_381 = arith.constant 1 : i32
        %get3A_382 = arith.index_cast %get3A_381 : i32 to index
        %get3A_383 = arith.constant 48 : index
        %get3A_384 = tpu.vector_load %arg12[%get3A_382, %get3A_383] {strides = array<i32>} : memref<2x128xi32, #tpu.memory_space<vmem>>, vector<16xi32>,
        tpu.vector_store_idx %arg16[%get3A_384], %broadcast_in_dim3A_253 {add = true} : memref<10000xf32, #tpu.memory_space<vmem>>[vector<16xi32>], vector<16xf32>,
        %get3A_385 = arith.constant 1 : i32
        %get3A_386 = arith.index_cast %get3A_385 : i32 to index
        %get3A_387 = arith.constant 64 : index
        %get3A_388 = tpu.vector_load %arg12[%get3A_386, %get3A_387] {strides = array<i32>} : memref<2x128xi32, #tpu.memory_space<vmem>>, vector<16xi32>,
        tpu.vector_store_idx %arg16[%get3A_388], %broadcast_in_dim3A_253 {add = true} : memref<10000xf32, #tpu.memory_space<vmem>>[vector<16xi32>], vector<16xf32>,
        %get3A_389 = arith.constant 1 : i32
        %get3A_390 = arith.index_cast %get3A_389 : i32 to index
        %get3A_391 = arith.constant 80 : index
        %get3A_392 = tpu.vector_load %arg12[%get3A_390, %get3A_391] {strides = array<i32>} : memref<2x128xi32, #tpu.memory_space<vmem>>, vector<16xi32>,
        tpu.vector_store_idx %arg16[%get3A_392], %broadcast_in_dim3A_253 {add = true} : memref<10000xf32, #tpu.memory_space<vmem>>[vector<16xi32>], vector<16xf32>,
        %get3A_393 = arith.constant 1 : i32
        %get3A_394 = arith.index_cast %get3A_393 : i32 to index
        %get3A_395 = arith.constant 96 : index
        %get3A_396 = tpu.vector_load %arg12[%get3A_394, %get3A_395] {strides = array<i32>} : memref<2x128xi32, #tpu.memory_space<vmem>>, vector<16xi32>,
        tpu.vector_store_idx %arg16[%get3A_396], %broadcast_in_dim3A_253 {add = true} : memref<10000xf32, #tpu.memory_space<vmem>>[vector<16xi32>], vector<16xf32>,
        %get3A_397 = arith.constant 1 : i32
        %get3A_398 = arith.index_cast %get3A_397 : i32 to index
        %get3A_399 = arith.constant 112 : index
        %get3A_400 = tpu.vector_load %arg12[%get3A_398, %get3A_399] {strides = array<i32>} : memref<2x128xi32, #tpu.memory_space<vmem>>, vector<16xi32>,
        tpu.vector_store_idx %arg16[%get3A_400], %broadcast_in_dim3A_253 {add = true} : memref<10000xf32, #tpu.memory_space<vmem>>[vector<16xi32>], vector<16xf32>,
      } else {
      }
    } else {
    }
    %barrier3A_330 = arith.constant 0 : index
    tpu.barrier barrier_id(%barrier3A_330)
    %scan3A_331 = arith.constant 0 : i32
    %scan3A_332 = arith.constant 0 : i32
    %scan3A_333 = arith.constant 4 : i32
    %scan3A_334 = arith.addi %scan3A_332, %scan3A_333 : i32
    %scan3A_335 = arith.constant 1 : i32
    scf.for %scan3A_353 = %scan3A_332 to %scan3A_334 step %scan3A_335  : i32 {
      %mul3A_354 = arith.constant 128 : i32
      %mul3A_355 = arith.muli %scan3A_353, %mul3A_354 : i32
      %add3A_356 = arith.addi %mul3A_0, %mul3A_355 : i32
      "tpu.region"() ({
        %run_scoped3A_360 = tpu.sem_alloc : memref<!tpu.dma_semaphore, #tpu.memory_space<semaphore_mem>>
        %dma_start3A_361 = arith.constant 0 : i32
        %dma_start3A_362 = tpu.memref_slice %arg17[%add3A_356, %dma_start3A_361] : memref<10000x128xf32, #tpu.memory_space<vmem_shared>> -> memref<128x128xf32, #tpu.memory_space<vmem_shared>>
        %dma_start3A_363 = arith.constant 0 : i32
        %dma_start3A_364 = tpu.memref_slice %arg17[%add3A_356, %dma_start3A_363] : memref<10000x128xf32, #tpu.memory_space<vmem_shared>> -> memref<128x128xf32, #tpu.memory_space<vmem_shared>>
        tpu.enqueue_dma source(%dma_start3A_364 : memref<128x128xf32, #tpu.memory_space<vmem_shared>>) target(%arg14 : memref<128x128xf32, #tpu.memory_space<vmem>>) target_semaphore(%run_scoped3A_360 : memref<!tpu.dma_semaphore, #tpu.memory_space<semaphore_mem>>)
        %dma_wait3A_365 = arith.constant 0 : i32
        %dma_wait3A_366 = tpu.memref_slice %arg17[%add3A_356, %dma_wait3A_365] : memref<10000x128xf32, #tpu.memory_space<vmem_shared>> -> memref<128x128xf32, #tpu.memory_space<vmem_shared>>
        %dma_wait3A_367 = arith.constant 0 : i32
        %dma_wait3A_368 = tpu.memref_slice %arg17[%add3A_356, %dma_wait3A_367] : memref<10000x128xf32, #tpu.memory_space<vmem_shared>> -> memref<128x128xf32, #tpu.memory_space<vmem_shared>>
        tpu.wait_dma2 semaphore(%run_scoped3A_360 : memref<!tpu.dma_semaphore, #tpu.memory_space<semaphore_mem>>) src(%dma_wait3A_368 : memref<128x128xf32, #tpu.memory_space<vmem_shared>>) dst(%arg14 : memref<128x128xf32, #tpu.memory_space<vmem>>)
        tpu.yield
      }) : () -> ()
      %mul3A_357 = arith.constant 128 : i32
      %mul3A_358 = arith.muli %scan3A_353, %mul3A_357 : i32
      %add3A_359 = arith.addi %mul3A_0, %mul3A_358 : i32
      "tpu.region"() ({
        %run_scoped3A_360 = tpu.sem_alloc : memref<!tpu.dma_semaphore, #tpu.memory_space<semaphore_mem>>
        %dma_start3A_361 = arith.constant 0 : i32
        %dma_start3A_362 = tpu.memref_slice %arg9[%arg0, %add3A_359, %dma_start3A_361] : memref<2x10000x128xf32, #tpu.memory_space<hbm>> -> memref<1x128x128xf32, #tpu.memory_space<hbm>>
        %dma_start3A_363 = tpu.memref_squeeze %dma_start3A_362 : memref<1x128x128xf32, #tpu.memory_space<hbm>> -> memref<128x128xf32, #tpu.memory_space<hbm>>
        %dma_start3A_364 = arith.constant 0 : i32
        %dma_start3A_365 = tpu.memref_slice %arg9[%arg0, %add3A_359, %dma_start3A_364] : memref<2x10000x128xf32, #tpu.memory_space<hbm>> -> memref<1x128x128xf32, #tpu.memory_space<hbm>>
        %dma_start3A_366 = tpu.memref_squeeze %dma_start3A_365 : memref<1x128x128xf32, #tpu.memory_space<hbm>> -> memref<128x128xf32, #tpu.memory_space<hbm>>
        tpu.enqueue_dma source(%arg14 : memref<128x128xf32, #tpu.memory_space<vmem>>) target(%dma_start3A_366 : memref<128x128xf32, #tpu.memory_space<hbm>>) target_semaphore(%run_scoped3A_360 : memref<!tpu.dma_semaphore, #tpu.memory_space<semaphore_mem>>)
        %dma_wait3A_367 = arith.constant 0 : i32
        %dma_wait3A_368 = tpu.memref_slice %arg9[%arg0, %add3A_359, %dma_wait3A_367] : memref<2x10000x128xf32, #tpu.memory_space<hbm>> -> memref<1x128x128xf32, #tpu.memory_space<hbm>>
        %dma_wait3A_369 = tpu.memref_squeeze %dma_wait3A_368 : memref<1x128x128xf32, #tpu.memory_space<hbm>> -> memref<128x128xf32, #tpu.memory_space<hbm>>
        %dma_wait3A_370 = arith.constant 0 : i32
        %dma_wait3A_371 = tpu.memref_slice %arg9[%arg0, %add3A_359, %dma_wait3A_370] : memref<2x10000x128xf32, #tpu.memory_space<hbm>> -> memref<1x128x128xf32, #tpu.memory_space<hbm>>
        %dma_wait3A_372 = tpu.memref_squeeze %dma_wait3A_371 : memref<1x128x128xf32, #tpu.memory_space<hbm>> -> memref<128x128xf32, #tpu.memory_space<hbm>>
        tpu.wait_dma2 semaphore(%run_scoped3A_360 : memref<!tpu.dma_semaphore, #tpu.memory_space<semaphore_mem>>) src(%arg14 : memref<128x128xf32, #tpu.memory_space<vmem>>) dst(%dma_wait3A_372 : memref<128x128xf32, #tpu.memory_space<hbm>>)
        tpu.yield
      }) : () -> ()
    }
    %scan3A_336 = arith.constant 4 : i32
    %add3A_337 = arith.constant 624 : i32
    %add3A_338 = arith.addi %mul3A_0, %add3A_337 : i32
    %sub3A_339 = arith.constant 112 : i32
    %sub3A_340 = arith.subi %add3A_338, %sub3A_339 : i32
    "tpu.region"() ({
      %run_scoped3A_353 = tpu.sem_alloc : memref<!tpu.dma_semaphore, #tpu.memory_space<semaphore_mem>>
      %dma_start3A_354 = arith.constant 0 : i32
      %dma_start3A_355 = arith.constant 0 : i32
      %dma_start3A_356 = tpu.memref_slice %arg14[%dma_start3A_354, %dma_start3A_355] : memref<128x128xf32, #tpu.memory_space<vmem>> -> memref<112x128xf32, #tpu.memory_space<vmem>>
      %dma_start3A_357 = arith.constant 0 : i32
      %dma_start3A_358 = tpu.memref_slice %arg17[%sub3A_340, %dma_start3A_357] : memref<10000x128xf32, #tpu.memory_space<vmem_shared>> -> memref<112x128xf32, #tpu.memory_space<vmem_shared>>
      %dma_start3A_359 = arith.constant 0 : i32
      %dma_start3A_360 = arith.constant 0 : i32
      %dma_start3A_361 = tpu.memref_slice %arg14[%dma_start3A_359, %dma_start3A_360] : memref<128x128xf32, #tpu.memory_space<vmem>> -> memref<112x128xf32, #tpu.memory_space<vmem>>
      %dma_start3A_362 = arith.constant 0 : i32
      %dma_start3A_363 = tpu.memref_slice %arg17[%sub3A_340, %dma_start3A_362] : memref<10000x128xf32, #tpu.memory_space<vmem_shared>> -> memref<112x128xf32, #tpu.memory_space<vmem_shared>>
      tpu.enqueue_dma source(%dma_start3A_363 : memref<112x128xf32, #tpu.memory_space<vmem_shared>>) target(%dma_start3A_361 : memref<112x128xf32, #tpu.memory_space<vmem>>) target_semaphore(%run_scoped3A_353 : memref<!tpu.dma_semaphore, #tpu.memory_space<semaphore_mem>>)
      %dma_wait3A_364 = arith.constant 0 : i32
      %dma_wait3A_365 = arith.constant 0 : i32
      %dma_wait3A_366 = tpu.memref_slice %arg14[%dma_wait3A_364, %dma_wait3A_365] : memref<128x128xf32, #tpu.memory_space<vmem>> -> memref<112x128xf32, #tpu.memory_space<vmem>>
      %dma_wait3A_367 = arith.constant 0 : i32
      %dma_wait3A_368 = tpu.memref_slice %arg17[%sub3A_340, %dma_wait3A_367] : memref<10000x128xf32, #tpu.memory_space<vmem_shared>> -> memref<112x128xf32, #tpu.memory_space<vmem_shared>>
      %dma_wait3A_369 = arith.constant 0 : i32
      %dma_wait3A_370 = arith.constant 0 : i32
      %dma_wait3A_371 = tpu.memref_slice %arg14[%dma_wait3A_369, %dma_wait3A_370] : memref<128x128xf32, #tpu.memory_space<vmem>> -> memref<112x128xf32, #tpu.memory_space<vmem>>
      %dma_wait3A_372 = arith.constant 0 : i32
      %dma_wait3A_373 = tpu.memref_slice %arg17[%sub3A_340, %dma_wait3A_372] : memref<10000x128xf32, #tpu.memory_space<vmem_shared>> -> memref<112x128xf32, #tpu.memory_space<vmem_shared>>
      tpu.wait_dma2 semaphore(%run_scoped3A_353 : memref<!tpu.dma_semaphore, #tpu.memory_space<semaphore_mem>>) src(%dma_wait3A_373 : memref<112x128xf32, #tpu.memory_space<vmem_shared>>) dst(%dma_wait3A_371 : memref<112x128xf32, #tpu.memory_space<vmem>>)
      tpu.yield
    }) : () -> ()
    %add3A_341 = arith.constant 624 : i32
    %add3A_342 = arith.addi %mul3A_0, %add3A_341 : i32
    %sub3A_343 = arith.constant 112 : i32
    %sub3A_344 = arith.subi %add3A_342, %sub3A_343 : i32
    "tpu.region"() ({
      %run_scoped3A_353 = tpu.sem_alloc : memref<!tpu.dma_semaphore, #tpu.memory_space<semaphore_mem>>
      %dma_start3A_354 = arith.constant 0 : i32
      %dma_start3A_355 = arith.constant 0 : i32
      %dma_start3A_356 = tpu.memref_slice %arg14[%dma_start3A_354, %dma_start3A_355] : memref<128x128xf32, #tpu.memory_space<vmem>> -> memref<112x128xf32, #tpu.memory_space<vmem>>
      %dma_start3A_357 = arith.constant 0 : i32
      %dma_start3A_358 = tpu.memref_slice %arg9[%arg0, %sub3A_344, %dma_start3A_357] : memref<2x10000x128xf32, #tpu.memory_space<hbm>> -> memref<1x112x128xf32, #tpu.memory_space<hbm>>
      %dma_start3A_359 = tpu.memref_squeeze %dma_start3A_358 : memref<1x112x128xf32, #tpu.memory_space<hbm>> -> memref<112x128xf32, #tpu.memory_space<hbm>>
      %dma_start3A_360 = arith.constant 0 : i32
      %dma_start3A_361 = tpu.memref_slice %arg9[%arg0, %sub3A_344, %dma_start3A_360] : memref<2x10000x128xf32, #tpu.memory_space<hbm>> -> memref<1x112x128xf32, #tpu.memory_space<hbm>>
      %dma_start3A_362 = tpu.memref_squeeze %dma_start3A_361 : memref<1x112x128xf32, #tpu.memory_space<hbm>> -> memref<112x128xf32, #tpu.memory_space<hbm>>
      %dma_start3A_363 = arith.constant 0 : i32
      %dma_start3A_364 = arith.constant 0 : i32
      %dma_start3A_365 = tpu.memref_slice %arg14[%dma_start3A_363, %dma_start3A_364] : memref<128x128xf32, #tpu.memory_space<vmem>> -> memref<112x128xf32, #tpu.memory_space<vmem>>
      tpu.enqueue_dma source(%dma_start3A_365 : memref<112x128xf32, #tpu.memory_space<vmem>>) target(%dma_start3A_362 : memref<112x128xf32, #tpu.memory_space<hbm>>) target_semaphore(%run_scoped3A_353 : memref<!tpu.dma_semaphore, #tpu.memory_space<semaphore_mem>>)
      %dma_wait3A_366 = arith.constant 0 : i32
      %dma_wait3A_367 = arith.constant 0 : i32
      %dma_wait3A_368 = tpu.memref_slice %arg14[%dma_wait3A_366, %dma_wait3A_367] : memref<128x128xf32, #tpu.memory_space<vmem>> -> memref<112x128xf32, #tpu.memory_space<vmem>>
      %dma_wait3A_369 = arith.constant 0 : i32
      %dma_wait3A_370 = tpu.memref_slice %arg9[%arg0, %sub3A_344, %dma_wait3A_369] : memref<2x10000x128xf32, #tpu.memory_space<hbm>> -> memref<1x112x128xf32, #tpu.memory_space<hbm>>
      %dma_wait3A_371 = tpu.memref_squeeze %dma_wait3A_370 : memref<1x112x128xf32, #tpu.memory_space<hbm>> -> memref<112x128xf32, #tpu.memory_space<hbm>>
      %dma_wait3A_372 = arith.constant 0 : i32
      %dma_wait3A_373 = tpu.memref_slice %arg9[%arg0, %sub3A_344, %dma_wait3A_372] : memref<2x10000x128xf32, #tpu.memory_space<hbm>> -> memref<1x112x128xf32, #tpu.memory_space<hbm>>
      %dma_wait3A_374 = tpu.memref_squeeze %dma_wait3A_373 : memref<1x112x128xf32, #tpu.memory_space<hbm>> -> memref<112x128xf32, #tpu.memory_space<hbm>>
      %dma_wait3A_375 = arith.constant 0 : i32
      %dma_wait3A_376 = arith.constant 0 : i32
      %dma_wait3A_377 = tpu.memref_slice %arg14[%dma_wait3A_375, %dma_wait3A_376] : memref<128x128xf32, #tpu.memory_space<vmem>> -> memref<112x128xf32, #tpu.memory_space<vmem>>
      tpu.wait_dma2 semaphore(%run_scoped3A_353 : memref<!tpu.dma_semaphore, #tpu.memory_space<semaphore_mem>>) src(%dma_wait3A_377 : memref<112x128xf32, #tpu.memory_space<vmem>>) dst(%dma_wait3A_374 : memref<112x128xf32, #tpu.memory_space<hbm>>)
      tpu.yield
    }) : () -> ()
    %convert_element_type3A_345 = arith.extui %eq3A_1 : i1 to i32
    %cond3A_346 = arith.constant 0 : i32
    %cond3A_347 = arith.cmpi ne, %convert_element_type3A_345, %cond3A_346 : i32
    scf.if %cond3A_347 {
      "tpu.region"() ({
        %run_scoped3A_353 = tpu.sem_alloc : memref<!tpu.dma_semaphore, #tpu.memory_space<semaphore_mem>>
        %dma_start3A_354 = arith.constant 112 : i32
        %dma_start3A_355 = arith.constant 0 : i32
        %dma_start3A_356 = tpu.memref_slice %arg14[%dma_start3A_354, %dma_start3A_355] : memref<128x128xf32, #tpu.memory_space<vmem>> -> memref<16x128xf32, #tpu.memory_space<vmem>>
        %dma_start3A_357 = arith.constant 9984 : i32
        %dma_start3A_358 = arith.constant 0 : i32
        %dma_start3A_359 = tpu.memref_slice %arg17[%dma_start3A_357, %dma_start3A_358] : memref<10000x128xf32, #tpu.memory_space<vmem_shared>> -> memref<16x128xf32, #tpu.memory_space<vmem_shared>>
        %dma_start3A_360 = arith.constant 112 : i32
        %dma_start3A_361 = arith.constant 0 : i32
        %dma_start3A_362 = tpu.memref_slice %arg14[%dma_start3A_360, %dma_start3A_361] : memref<128x128xf32, #tpu.memory_space<vmem>> -> memref<16x128xf32, #tpu.memory_space<vmem>>
        %dma_start3A_363 = arith.constant 9984 : i32
        %dma_start3A_364 = arith.constant 0 : i32
        %dma_start3A_365 = tpu.memref_slice %arg17[%dma_start3A_363, %dma_start3A_364] : memref<10000x128xf32, #tpu.memory_space<vmem_shared>> -> memref<16x128xf32, #tpu.memory_space<vmem_shared>>
        tpu.enqueue_dma source(%dma_start3A_365 : memref<16x128xf32, #tpu.memory_space<vmem_shared>>) target(%dma_start3A_362 : memref<16x128xf32, #tpu.memory_space<vmem>>) target_semaphore(%run_scoped3A_353 : memref<!tpu.dma_semaphore, #tpu.memory_space<semaphore_mem>>)
        %dma_wait3A_366 = arith.constant 112 : i32
        %dma_wait3A_367 = arith.constant 0 : i32
        %dma_wait3A_368 = tpu.memref_slice %arg14[%dma_wait3A_366, %dma_wait3A_367] : memref<128x128xf32, #tpu.memory_space<vmem>> -> memref<16x128xf32, #tpu.memory_space<vmem>>
        %dma_wait3A_369 = arith.constant 9984 : i32
        %dma_wait3A_370 = arith.constant 0 : i32
        %dma_wait3A_371 = tpu.memref_slice %arg17[%dma_wait3A_369, %dma_wait3A_370] : memref<10000x128xf32, #tpu.memory_space<vmem_shared>> -> memref<16x128xf32, #tpu.memory_space<vmem_shared>>
        %dma_wait3A_372 = arith.constant 112 : i32
        %dma_wait3A_373 = arith.constant 0 : i32
        %dma_wait3A_374 = tpu.memref_slice %arg14[%dma_wait3A_372, %dma_wait3A_373] : memref<128x128xf32, #tpu.memory_space<vmem>> -> memref<16x128xf32, #tpu.memory_space<vmem>>
        %dma_wait3A_375 = arith.constant 9984 : i32
        %dma_wait3A_376 = arith.constant 0 : i32
        %dma_wait3A_377 = tpu.memref_slice %arg17[%dma_wait3A_375, %dma_wait3A_376] : memref<10000x128xf32, #tpu.memory_space<vmem_shared>> -> memref<16x128xf32, #tpu.memory_space<vmem_shared>>
        tpu.wait_dma2 semaphore(%run_scoped3A_353 : memref<!tpu.dma_semaphore, #tpu.memory_space<semaphore_mem>>) src(%dma_wait3A_377 : memref<16x128xf32, #tpu.memory_space<vmem_shared>>) dst(%dma_wait3A_374 : memref<16x128xf32, #tpu.memory_space<vmem>>)
        tpu.yield
      }) : () -> ()
      "tpu.region"() ({
        %run_scoped3A_353 = tpu.sem_alloc : memref<!tpu.dma_semaphore, #tpu.memory_space<semaphore_mem>>
        %dma_start3A_354 = arith.constant 112 : i32
        %dma_start3A_355 = arith.constant 0 : i32
        %dma_start3A_356 = tpu.memref_slice %arg14[%dma_start3A_354, %dma_start3A_355] : memref<128x128xf32, #tpu.memory_space<vmem>> -> memref<16x128xf32, #tpu.memory_space<vmem>>
        %dma_start3A_357 = arith.constant 9984 : i32
        %dma_start3A_358 = arith.constant 0 : i32
        %dma_start3A_359 = tpu.memref_slice %arg9[%arg0, %dma_start3A_357, %dma_start3A_358] : memref<2x10000x128xf32, #tpu.memory_space<hbm>> -> memref<1x16x128xf32, #tpu.memory_space<hbm>>
        %dma_start3A_360 = tpu.memref_squeeze %dma_start3A_359 : memref<1x16x128xf32, #tpu.memory_space<hbm>> -> memref<16x128xf32, #tpu.memory_space<hbm>>
        %dma_start3A_361 = arith.constant 9984 : i32
        %dma_start3A_362 = arith.constant 0 : i32
        %dma_start3A_363 = tpu.memref_slice %arg9[%arg0, %dma_start3A_361, %dma_start3A_362] : memref<2x10000x128xf32, #tpu.memory_space<hbm>> -> memref<1x16x128xf32, #tpu.memory_space<hbm>>
        %dma_start3A_364 = tpu.memref_squeeze %dma_start3A_363 : memref<1x16x128xf32, #tpu.memory_space<hbm>> -> memref<16x128xf32, #tpu.memory_space<hbm>>
        %dma_start3A_365 = arith.constant 112 : i32
        %dma_start3A_366 = arith.constant 0 : i32
        %dma_start3A_367 = tpu.memref_slice %arg14[%dma_start3A_365, %dma_start3A_366] : memref<128x128xf32, #tpu.memory_space<vmem>> -> memref<16x128xf32, #tpu.memory_space<vmem>>
        tpu.enqueue_dma source(%dma_start3A_367 : memref<16x128xf32, #tpu.memory_space<vmem>>) target(%dma_start3A_364 : memref<16x128xf32, #tpu.memory_space<hbm>>) target_semaphore(%run_scoped3A_353 : memref<!tpu.dma_semaphore, #tpu.memory_space<semaphore_mem>>)
        %dma_wait3A_368 = arith.constant 112 : i32
        %dma_wait3A_369 = arith.constant 0 : i32
        %dma_wait3A_370 = tpu.memref_slice %arg14[%dma_wait3A_368, %dma_wait3A_369] : memref<128x128xf32, #tpu.memory_space<vmem>> -> memref<16x128xf32, #tpu.memory_space<vmem>>
        %dma_wait3A_371 = arith.constant 9984 : i32
        %dma_wait3A_372 = arith.constant 0 : i32
        %dma_wait3A_373 = tpu.memref_slice %arg9[%arg0, %dma_wait3A_371, %dma_wait3A_372] : memref<2x10000x128xf32, #tpu.memory_space<hbm>> -> memref<1x16x128xf32, #tpu.memory_space<hbm>>
        %dma_wait3A_374 = tpu.memref_squeeze %dma_wait3A_373 : memref<1x16x128xf32, #tpu.memory_space<hbm>> -> memref<16x128xf32, #tpu.memory_space<hbm>>
        %dma_wait3A_375 = arith.constant 9984 : i32
        %dma_wait3A_376 = arith.constant 0 : i32
        %dma_wait3A_377 = tpu.memref_slice %arg9[%arg0, %dma_wait3A_375, %dma_wait3A_376] : memref<2x10000x128xf32, #tpu.memory_space<hbm>> -> memref<1x16x128xf32, #tpu.memory_space<hbm>>
        %dma_wait3A_378 = tpu.memref_squeeze %dma_wait3A_377 : memref<1x16x128xf32, #tpu.memory_space<hbm>> -> memref<16x128xf32, #tpu.memory_space<hbm>>
        %dma_wait3A_379 = arith.constant 112 : i32
        %dma_wait3A_380 = arith.constant 0 : i32
        %dma_wait3A_381 = tpu.memref_slice %arg14[%dma_wait3A_379, %dma_wait3A_380] : memref<128x128xf32, #tpu.memory_space<vmem>> -> memref<16x128xf32, #tpu.memory_space<vmem>>
        tpu.wait_dma2 semaphore(%run_scoped3A_353 : memref<!tpu.dma_semaphore, #tpu.memory_space<semaphore_mem>>) src(%dma_wait3A_381 : memref<16x128xf32, #tpu.memory_space<vmem>>) dst(%dma_wait3A_378 : memref<16x128xf32, #tpu.memory_space<hbm>>)
        tpu.yield
      }) : () -> ()
    } else {
    }
    %eq3A_348 = arith.constant 1 : i32
    %eq3A_349 = arith.cmpi eq, %arg0, %eq3A_348 : i32
    %convert_element_type3A_350 = arith.extui %eq3A_349 : i1 to i32
    %cond3A_351 = arith.constant 0 : i32
    %cond3A_352 = arith.cmpi ne, %convert_element_type3A_350, %cond3A_351 : i32
    scf.if %cond3A_352 {
      %run_scoped3A_353 = arith.constant 0 : i32
      "tpu.region"() ({
        %run_scoped3A_354 = tpu.sem_alloc : memref<!tpu.dma_semaphore, #tpu.memory_space<semaphore_mem>>
        %dma_start3A_355 = arith.constant 0 : i32
        %dma_start3A_356 = tpu.memref_slice %arg11[%arg1, %run_scoped3A_353, %dma_start3A_355] : memref<16x1x10000xf32, #tpu.memory_space<hbm>> -> memref<1x1x10000xf32, #tpu.memory_space<hbm>>
        %dma_start3A_357 = tpu.memref_squeeze %dma_start3A_356 : memref<1x1x10000xf32, #tpu.memory_space<hbm>> -> memref<10000xf32, #tpu.memory_space<hbm>>
        %dma_start3A_358 = arith.constant 0 : i32
        %dma_start3A_359 = tpu.memref_slice %arg11[%arg1, %run_scoped3A_353, %dma_start3A_358] : memref<16x1x10000xf32, #tpu.memory_space<hbm>> -> memref<1x1x10000xf32, #tpu.memory_space<hbm>>
        %dma_start3A_360 = tpu.memref_squeeze %dma_start3A_359 : memref<1x1x10000xf32, #tpu.memory_space<hbm>> -> memref<10000xf32, #tpu.memory_space<hbm>>
        tpu.enqueue_dma source(%arg16 : memref<10000xf32, #tpu.memory_space<vmem>>) target(%dma_start3A_360 : memref<10000xf32, #tpu.memory_space<hbm>>) target_semaphore(%run_scoped3A_354 : memref<!tpu.dma_semaphore, #tpu.memory_space<semaphore_mem>>)
        %dma_wait3A_361 = arith.constant 0 : i32
        %dma_wait3A_362 = tpu.memref_slice %arg11[%arg1, %run_scoped3A_353, %dma_wait3A_361] : memref<16x1x10000xf32, #tpu.memory_space<hbm>> -> memref<1x1x10000xf32, #tpu.memory_space<hbm>>
        %dma_wait3A_363 = tpu.memref_squeeze %dma_wait3A_362 : memref<1x1x10000xf32, #tpu.memory_space<hbm>> -> memref<10000xf32, #tpu.memory_space<hbm>>
        %dma_wait3A_364 = arith.constant 0 : i32
        %dma_wait3A_365 = tpu.memref_slice %arg11[%arg1, %run_scoped3A_353, %dma_wait3A_364] : memref<16x1x10000xf32, #tpu.memory_space<hbm>> -> memref<1x1x10000xf32, #tpu.memory_space<hbm>>
        %dma_wait3A_366 = tpu.memref_squeeze %dma_wait3A_365 : memref<1x1x10000xf32, #tpu.memory_space<hbm>> -> memref<10000xf32, #tpu.memory_space<hbm>>
        tpu.wait_dma2 semaphore(%run_scoped3A_354 : memref<!tpu.dma_semaphore, #tpu.memory_space<semaphore_mem>>) src(%arg16 : memref<10000xf32, #tpu.memory_space<vmem>>) dst(%dma_wait3A_366 : memref<10000xf32, #tpu.memory_space<hbm>>)
        tpu.yield
      }) : () -> ()
    } else {
    }
    return
  }
}

module attributes {stable_mosaic.version = 14 : i64} {
  func.func @_tc_degsum_body(%arg0: memref<16x1x10000xf32, #tpu.memory_space<vmem>>, %arg1: memref<10000x1xf32, #tpu.memory_space<vmem>>) attributes {dimension_semantics = [], scalar_prefetch = 0 : i64, scratch_operands = 0 : i64, tpu.core_type = #tpu.core_type<tc>} {
    %get3A = arith.constant 0 : index
    %get3A_0 = arith.constant 0 : index
    %get3A_1 = arith.constant 0 : index
    %get3A_2 = vector.load %arg0[%get3A, %get3A_0, %get3A_1] : memref<16x1x10000xf32, #tpu.memory_space<vmem>>, vector<16x1x10000xf32>
    %get3A_3 = vector.shape_cast %get3A_2 : vector<16x1x10000xf32> to vector<16x10000xf32>
    %broadcast_in_dim3A = arith.constant 1.000000e+00 : f32
    %broadcast_in_dim3A_4 = vector.broadcast %broadcast_in_dim3A : f32 to vector<16x1xf32>
    %dot_general3A = arith.constant dense<0.000000e+00> : vector<10000x1xf32>
    %dot_general3A_5 = tpu.matmul %get3A_3, %broadcast_in_dim3A_4, %dot_general3A {dimension_numbers = #tpu.dot_dimension_numbers<[0], [0], [1], [1], [0, 1, 1, 1], [], []>, transpose_lhs_hint = false} : vector<16x10000xf32>, vector<16x1xf32>, vector<10000x1xf32> -> vector<10000x1xf32>
    %swap3A = arith.constant 0 : index
    %swap3A_6 = arith.constant 0 : index
    %swap3A_7 = vector.load %arg1[%swap3A, %swap3A_6] : memref<10000x1xf32, #tpu.memory_space<vmem>>, vector<10000x1xf32>
    tpu.vector_store %arg1[%swap3A, %swap3A_6], %dot_general3A_5 {strides = array<i32>} : memref<10000x1xf32, #tpu.memory_space<vmem>>, vector<10000x1xf32>,
    return
  }
}

module attributes {stable_mosaic.version = 14 : i64} {
  func.func @_tc_combine_body(%arg0: i32, %arg1: memref<1000x128xf32, #tpu.memory_space<vmem>>, %arg2: memref<1000x128xf32, #tpu.memory_space<vmem>>, %arg3: memref<1000x1xf32, #tpu.memory_space<vmem>>, %arg4: memref<1000x256xf32, #tpu.memory_space<vmem>>, %arg5: memref<256x256xf32, #tpu.memory_space<vmem>>, %arg6: memref<1x256xf32, #tpu.memory_space<vmem>>, %arg7: memref<256x256xf32, #tpu.memory_space<vmem>>, %arg8: memref<1000x256xf32, #tpu.memory_space<vmem>>) attributes {dimension_semantics = [#tpu.dimension_semantics<arbitrary>], iteration_bounds = array<i64: 10>, scalar_prefetch = 0 : i64, scratch_operands = 0 : i64, tpu.core_type = #tpu.core_type<tc>, window_params = [{transform_indices = @transform_0, window_bounds = array<i64: 1000, 128>}, {transform_indices = @transform_1, window_bounds = array<i64: 1000, 128>}, {transform_indices = @transform_2, window_bounds = array<i64: 1000, 1>}, {transform_indices = @transform_3, window_bounds = array<i64: 1000, 256>}, {pipeline_mode = #tpu.pipeline_mode<synchronous>, transform_indices = @transform_4, window_bounds = array<i64: 256, 256>}, {pipeline_mode = #tpu.pipeline_mode<synchronous>, transform_indices = @transform_5, window_bounds = array<i64: 1, 256>}, {pipeline_mode = #tpu.pipeline_mode<synchronous>, transform_indices = @transform_6, window_bounds = array<i64: 256, 256>}, {transform_indices = @transform_7, window_bounds = array<i64: 1000, 256>}]} {
    %get3A = arith.constant 0 : index
    %get3A_0 = arith.constant 0 : index
    %get3A_1 = vector.load %arg1[%get3A, %get3A_0] : memref<1000x128xf32, #tpu.memory_space<vmem>>, vector<1000x128xf32>
    %get3A_2 = arith.constant 0 : index
    %get3A_3 = arith.constant 0 : index
    %get3A_4 = vector.load %arg2[%get3A_2, %get3A_3] : memref<1000x128xf32, #tpu.memory_space<vmem>>, vector<1000x128xf32>
    %concatenate3A = tpu.concatenate %get3A_1, %get3A_4 in 1 : vector<1000x128xf32>, vector<1000x128xf32> -> vector<1000x256xf32>
    %get3A_5 = arith.constant 0 : index
    %get3A_6 = arith.constant 0 : index
    %get3A_7 = vector.load %arg3[%get3A_5, %get3A_6] : memref<1000x1xf32, #tpu.memory_space<vmem>>, vector<1000x1xf32>
    %max3A = arith.constant 1.000000e+00 : f32
    %max3A_8 = vector.broadcast %max3A : f32 to vector<1000x1xf32>
    %max3A_9 = arith.maximumf %get3A_7, %max3A_8 : vector<1000x1xf32>
    %get3A_10 = arith.constant 0 : index
    %get3A_11 = arith.constant 0 : index
    %get3A_12 = vector.load %arg5[%get3A_10, %get3A_11] : memref<256x256xf32, #tpu.memory_space<vmem>>, vector<256x256xf32>
    %dot_general3A = arith.constant dense<0.000000e+00> : vector<1000x256xf32>
    %dot_general3A_13 = tpu.matmul %concatenate3A, %get3A_12, %dot_general3A {dimension_numbers = #tpu.dot_dimension_numbers<[1], [0], [0], [1], [0, 0, 1, 1], [], []>, transpose_lhs_hint = false} : vector<1000x256xf32>, vector<256x256xf32>, vector<1000x256xf32> -> vector<1000x256xf32>
    %div3A = vector.broadcast %max3A_9 : vector<1000x1xf32> to vector<1000x256xf32>
    %div3A_14 = arith.divf %dot_general3A_13, %div3A : vector<1000x256xf32>
    %get3A_15 = arith.constant 0 : index
    %get3A_16 = arith.constant 0 : index
    %get3A_17 = vector.load %arg6[%get3A_15, %get3A_16] : memref<1x256xf32, #tpu.memory_space<vmem>>, vector<1x256xf32>
    %add3A = vector.broadcast %get3A_17 : vector<1x256xf32> to vector<1000x256xf32>
    %add3A_18 = arith.addf %div3A_14, %add3A : vector<1000x256xf32>
    %get3A_19 = arith.constant 0 : index
    %get3A_20 = arith.constant 0 : index
    %get3A_21 = vector.load %arg4[%get3A_19, %get3A_20] : memref<1000x256xf32, #tpu.memory_space<vmem>>, vector<1000x256xf32>
    %get3A_22 = arith.constant 0 : index
    %get3A_23 = arith.constant 0 : index
    %get3A_24 = vector.load %arg7[%get3A_22, %get3A_23] : memref<256x256xf32, #tpu.memory_space<vmem>>, vector<256x256xf32>
    %dot_general3A_25 = arith.constant dense<0.000000e+00> : vector<1000x256xf32>
    %dot_general3A_26 = tpu.matmul %get3A_21, %get3A_24, %dot_general3A_25 {dimension_numbers = #tpu.dot_dimension_numbers<[1], [0], [0], [1], [0, 0, 1, 1], [], []>, transpose_lhs_hint = false} : vector<1000x256xf32>, vector<256x256xf32>, vector<1000x256xf32> -> vector<1000x256xf32>
    %add3A_27 = arith.addf %add3A_18, %dot_general3A_26 : vector<1000x256xf32>
    %swap3A = arith.constant 0 : index
    %swap3A_28 = arith.constant 0 : index
    %swap3A_29 = vector.load %arg8[%swap3A, %swap3A_28] : memref<1000x256xf32, #tpu.memory_space<vmem>>, vector<1000x256xf32>
    tpu.vector_store %arg8[%swap3A, %swap3A_28], %add3A_27 {strides = array<i32>} : memref<1000x256xf32, #tpu.memory_space<vmem>>, vector<1000x256xf32>,
    return
  }
  func.func @transform_0(%arg0: i32) -> (i32, i32) {
    %c0_i32 = arith.constant 0 : i32
    %c0_i32_0 = arith.constant 0 : i32
    return %arg0, %c0_i32 : i32, i32
  }
  func.func @transform_1(%arg0: i32) -> (i32, i32) {
    %c0_i32 = arith.constant 0 : i32
    %c0_i32_0 = arith.constant 0 : i32
    return %arg0, %c0_i32 : i32, i32
  }
  func.func @transform_2(%arg0: i32) -> (i32, i32) {
    %c0_i32 = arith.constant 0 : i32
    %c0_i32_0 = arith.constant 0 : i32
    return %arg0, %c0_i32 : i32, i32
  }
  func.func @transform_3(%arg0: i32) -> (i32, i32) {
    %c0_i32 = arith.constant 0 : i32
    %c0_i32_0 = arith.constant 0 : i32
    return %arg0, %c0_i32 : i32, i32
  }
  func.func @transform_4(%arg0: i32) -> (i32, i32) {
    %c0_i32 = arith.constant 0 : i32
    %c0_i32_0 = arith.constant 0 : i32
    %c0_i32_1 = arith.constant 0 : i32
    return %c0_i32, %c0_i32_0 : i32, i32
  }
  func.func @transform_5(%arg0: i32) -> (i32, i32) {
    %c0_i32 = arith.constant 0 : i32
    %c0_i32_0 = arith.constant 0 : i32
    %c0_i32_1 = arith.constant 0 : i32
    return %c0_i32, %c0_i32_0 : i32, i32
  }
  func.func @transform_6(%arg0: i32) -> (i32, i32) {
    %c0_i32 = arith.constant 0 : i32
    %c0_i32_0 = arith.constant 0 : i32
    %c0_i32_1 = arith.constant 0 : i32
    return %c0_i32, %c0_i32_0 : i32, i32
  }
  func.func @transform_7(%arg0: i32) -> (i32, i32) {
    %c0_i32 = arith.constant 0 : i32
    %c0_i32_0 = arith.constant 0 : i32
    return %arg0, %c0_i32 : i32, i32
  }
}

</mosaic_0001>

<sc_bundles>
// kernel: kernel.7.cloned.1.call-start
scs
__scs_entry_jumppad:
0x0: {  	(pc) =	sbr.rel $0x88, $3  }
0x1: {  	(tag) =	ssettag $0x0;
	lr =	simm.s32 $0x1  }
0x2: {  	[smem:$0x3F97] =	sst lr;
	_ =	strace $0xD0000000  }
0x3: {  	_ = 	snop  }
0x4: {  	_ = 	snop  }
0x5: {  	_ = 	snop  }
0x6: {  	_ = 	snop  }
0x7: {  	_ = 	snop  }
__scs_overlays_trampoline_lowered:
0x8: {  	[smem:$0x3FA6] =	sst s0  }
0x9: {  	[smem:$0x3FA7] =	sst s1  }
0xa: {  	[smem:$0x3FA8] =	sst s2  }
0xb: {  	[smem:$0x3FA9] =	sst s3  }
0xc: {  	[smem:$0x3FAA] =	sst s4  }
0xd: {  	[smem:$0x3FAB] =	sst s5  }
0xe: {  	[smem:$0x3FAC] =	sst s6  }
0xf: {  	[smem:$0x3FAD] =	sst s7  }
0x10: {  	[smem:$0x3FAE] =	sst s8  }
0x11: {  	[smem:$0x3FAF] =	sst s9;
	s0 =	simm.s32 @!p0 $0x0  }
0x12: {  	s1 =	sld [smem:$0x3F95];
	s0 =	simm.s32 @p0 $0x1  }
0x13: {  	[smem:$0x3FB0] =	sst s0;
	s0 =	simm.s32 @!p1 $0x0  }
0x14: {  	s2 =	sld [smem:$0x3F94];
	s0 =	simm.s32 @p1 $0x1  }
0x15: {  	[smem:$0x3FB1] =	sst s0;
	s0 =	simm.s32 @!p2 $0x0  }
0x16: {  	s3 =	sld [smem:$0x3FDB];
	s0 =	simm.s32 @p2 $0x1  }
0x17: {  	s4 =	simm.s32 $0x1BF5;
	[smem:$0x3FB3] =	sst s0  }
0x18: {  	s0 =	sld [smem:$0x3F96];
	_ =	swait.ge [sflag:s4], $0x0  }
0x19: {  	s7 =	sld [smem:$0x3F97]  }
0x1a: {  	s8 =	sadd.s32 $0xFFFFE003, lr  }
0x1b: {  	s9 =	sadd.s32 $0xFFFFFEF7, lr;
	s5 =	simm.s32 $0xFFFFFFFF;
	p2 =	slt.u32 s8, $0xFFFFF086  }
0x1c: {  	p1 =	slt.u32 s9, $0xF7A;
	s5 =	simm.s32 @!p2 $0x0  }
0x1d: {  	s5 =	simm.s32 @p1 $0x1;
	p0 =	seq.s32 s7, s2  }
0x1e: {  	s7 =	smul.u32 @!p0 $0xF7A, s2;
	p2 =	seq.s32 @!p0 s5, $0x0  }
0x1f: {  	s9 =	smul.u32 $0xF7A, s1;
	s8 =	simm.s32 @!p0 $0x1BF5;
	p2 =	por !p2, p0  }
0x20: {  	[sflag:s8] =	ssyncset.s32 @!p0 $0xFFFFF086;
	s6 =	sadd.s32 @!p0 s3, s7;
	s7 =	simm.s32 @!p0 $0x108  }
0x21: {  	s3 =	sadd.s32 s3, s9;
	s6 =	sadd.s32 @!p0 $0x88, s6;
	s7 =	simm.s32 @p2 $0x1082  }
0x22: {  	[simem:s7], [sflag:s8] =	dma.local @!p0 [hbm:s6], $0xF7A  }
0x23: {  	s9 =	sor.u32 $0xD0000000, s2;
	s6 =	simm.s32 $0x108;
	_ =	swait.ge @!p0 [sflag:s8], $0x0  }
0x24: {  	s3 =	sadd.s32 $0x88, s3;
	s6 =	simm.s32 @!p1 $0x1082;
	[sflag:s4] =	ssyncset.s32 $0xFFFFF086  }
0x25: {  	[simem:s6], [sflag:s4] =	dma.local [hbm:s3], $0xF7A  }
0x26: {  	[smem:$0x3F97] =	sst s1;
	(tag) =	ssettag s2;
	_ =	strace s9  }
0x27: {  	s1 =	sld [smem:$0x3FA7]  }
0x28: {  	s2 =	sld [smem:$0x3FA8]  }
0x29: {  	s4 =	sld [smem:$0x3FAA]  }
0x2a: {  	p0 =	seq.s32 s5, $0x0;
	s5 =	sld [smem:$0x3FAB]  }
0x2b: {  	s6 =	sld [smem:$0x3FAC]  }
0x2c: {  	s7 =	sld [smem:$0x3FAD]  }
0x2d: {  	s3 =	simm.s32 $0x108;
	s8 =	sld [smem:$0x3FAE]  }
0x2e: {  	s3 =	simm.s32 @!p0 $0x1082;
	s9 =	sld [smem:$0x3FAF]  }
0x2f: {  	lr =	sadd.s32 s0, s3;
	s0 =	sld [smem:$0x3FA6]  }
0x30: {  	s3 =	sld [smem:$0x3FA9]  }
0x31: {  	[smem:$0x3FB2] =	sst s10  }
0x32: {  	s10 =	sld [smem:$0x3FB0];
	_ =	sdelay $0x3  }
0x33: {  	p0 =	seq.s32 s10, $0x1;
	s10 =	sld [smem:$0x3FB2];
	_ =	sdelay $0x3  }
0x34: {  	[smem:$0x3FB2] =	sst s10  }
0x35: {  	s10 =	sld [smem:$0x3FB1];
	_ =	sdelay $0x3  }
0x36: {  	p1 =	seq.s32 s10, $0x1;
	s10 =	sld [smem:$0x3FB2];
	_ =	sdelay $0x3  }
0x37: {  	[smem:$0x3FB2] =	sst s10  }
0x38: {  	s10 =	sld [smem:$0x3FB3]  }
0x39: {  	_ = 	snop;
	(pc) =	sbr.ind lr, $3  }
0x3a: {  	_ = 	snop  }
0x3b: {  	_ = 	snop  }
0x3c: {  	p2 =	seq.s32 s10, $0x1;
	s10 =	sld [smem:$0x3FB2]  }
0x3d: {  	_ =	shalt  }
0x3e: {  	_ =	shalt  }
0x3f: {  	_ =	shalt  }
0x40: {  	_ =	shalt  }
0x41: {  	_ =	shalt  }
0x42: {  	_ =	shalt  }
0x43: {  	_ =	shalt  }
0x44: {  	_ =	shalt  }
0x45: {  	_ =	shalt  }
0x46: {  	_ =	shalt  }
0x47: {  	_ =	shalt  }
0x48: {  	_ =	shalt  }
0x49: {  	_ =	shalt  }
0x4a: {  	_ =	shalt  }
0x4b: {  	_ =	shalt  }
0x4c: {  	_ =	shalt  }
0x4d: {  	_ =	shalt  }
0x4e: {  	_ =	shalt  }
0x4f: {  	_ =	shalt  }
0x50: {  	_ =	shalt  }
0x51: {  	_ =	shalt  }
0x52: {  	_ =	shalt  }
0x53: {  	_ =	shalt  }
0x54: {  	_ =	shalt  }
0x55: {  	_ =	shalt  }
0x56: {  	_ =	shalt  }
0x57: {  	_ =	shalt  }
0x58: {  	_ =	shalt  }
0x59: {  	_ =	shalt  }
0x5a: {  	_ =	shalt  }
0x5b: {  	_ =	shalt  }
0x5c: {  	_ =	shalt  }
0x5d: {  	_ =	shalt  }
0x5e: {  	_ =	shalt  }
0x5f: {  	_ =	shalt  }
0x60: {  	_ =	shalt  }
0x61: {  	_ =	shalt  }
0x62: {  	_ =	shalt  }
0x63: {  	_ =	shalt  }
0x64: {  	_ =	shalt  }
0x65: {  	_ =	shalt  }
0x66: {  	_ =	shalt  }
0x67: {  	_ =	shalt  }
0x68: {  	_ =	shalt  }
0x69: {  	_ =	shalt  }
0x6a: {  	_ =	shalt  }
0x6b: {  	_ =	shalt  }
0x6c: {  	_ =	shalt  }
0x6d: {  	_ =	shalt  }
0x6e: {  	_ =	shalt  }
0x6f: {  	_ =	shalt  }
0x70: {  	_ =	shalt  }
0x71: {  	_ =	shalt  }
0x72: {  	_ =	shalt  }
0x73: {  	_ =	shalt  }
0x74: {  	_ =	shalt  }
0x75: {  	_ =	shalt  }
0x76: {  	_ =	shalt  }
0x77: {  	_ =	shalt  }
0x78: {  	_ =	shalt  }
0x79: {  	_ =	shalt  }
0x7a: {  	_ =	shalt  }
0x7b: {  	_ =	shalt  }
0x7c: {  	_ =	shalt  }
0x7d: {  	_ =	shalt  }
0x7e: {  	_ =	shalt  }
0x7f: {  	_ =	shalt  }
0x80: {  	_ =	shalt  }
0x81: {  	_ =	shalt  }
0x82: {  	_ =	shalt  }
0x83: {  	_ =	shalt  }
0x84: {  	_ =	shalt  }
0x85: {  	_ =	shalt  }
0x86: {  	_ =	shalt  }
0x87: {  	_ =	shalt  }
.Lfunc_end0:
.L_simem_size_0:
called_computation_lowered:
.L_overlay_start_0:
0x88: {  	s2 =	sld [smem:$0x3FD9]  }
0x89: {  	s3 =	sld [smem:$0x3FFE];
	_ =	sdelay $0x1  }
0x8a: {  	s1 =	srdreg.scid  }
0x8b: {  	s0 =	sand.u32 $0x1, s1  }
0x8c: {  	s14 =	sshll.u32 s0, $0xA;
	s2 =	sadd.s32 s3, s2  }
0x8d: {  	s2 =	sadd.s32 s2, s14  }
0x8e: {  	[smem:$0x3FBE] =	sst s2  }
0x8f: {  	_ = 	snop  }
0x90: {  	s2 =	sld [smem:$0x3FD0];
	_ =	sdelay $0x1  }
0x91: {  	s15 =	sld [smem:$0x3FC7]  }
0x92: {  	s5 =	simm.s32 $0xA;
	s6 =	simm.s32 $0x10;
	s4 =	sld [smem:$0x3FC6]  }
0x93: {  	[smem:s6], [sflag:s5] =	dma.local [hbm:s2], $0x1  }
0x94: {  	_ =	swait.eq [sflag:s5], $0x1  }
0x95: {  	[sflag:s5] =	ssyncset.done $0x0  }
0x96: {  	s16 =	sld [smem:$0x10];
	[sflag:s5] =	ssyncadd.s32 $0xFFFFFFFF  }
0x97: {  	s17 =	sld [smem:$0x11];
	(tm) =	ssettm $0x1  }
0x98: {  	s18 =	sld [smem:$0x3FFB];
	_ =	sdelay $0x3  }
0x99: {  	_ =	strace s18  }
0x9a: {  	s6 =	sld [smem:$0x3FFC];
	_ =	sdelay $0x3  }
0x9b: {  	_ =	strace s6  }
0x9c: {  	s6 =	sld [smem:$0x3FFD];
	_ =	sdelay $0x3  }
0x9d: {  	_ =	strace s6  }
0x9e: {  	_ =	strace $0x8FFFFFFF  }
0x9f: {  	s19 =	sld [smem:$0x3FDB];
	_ =	sdelay $0x1  }
0xa0: {  	s7 =	simm.s32 $_scs_section_size  }
0xa1: {  	s8 =	simm.s32 $_size__tile_overlayer_lowered;
	s9 =	simm.s32 $_tile_overlayer_lowered  }
0xa2: {  	s22 =	simm.s32 $0x1BFF;
	s21 =	sshll.u32 s9, $0x1;
	s6 =	sadd.s32 s7, s19  }
0xa3: {  	s10 =	simm.s32 $0x0;
	s20 =	sshll.u32 s8, $0x1;
	s8 =	sadd.s32 s21, s6  }
0xa4: {  	[timem:s10], [sflag:s22] =	dma.local [hbm:s8], s20  }
0xa5: {  	_ =	swait.ge [sflag:s22], s20  }
0xa6: {  	s7 =	ssub.s32 $0x0, s20;
	[sflag:s22] =	ssyncset.done $0x0  }
0xa7: {  	[sflag:s22] =	ssyncadd.s32 s7;
	_ =	sdelay $0x1  }
0xa8: {  	s23 =	simm.s32 $0x1B8B  }
0xa9: {  	_ =	swait.ge [sflag:s23], $0x1  }
0xaa: {  	[sflag:s23] =	ssyncset.done $0x0  }
0xab: {  	s25 =	simm.s32 $0x1B8E;
	s24 =	sld [smem:$0x3FFE];
	[sflag:s23] =	ssyncadd.s32 $0xFFFFFFFF  }
0xac: {  	s26 =	simm.s32 $execute0_lowered;
	[smem:$0x3FD2] =	sst s25  }
0xad: {  	s8 =	sshll.u32 s26, $0x1;
	_ =	strace $0x80000046;
	[dreg:$0x1] =	wrdreg $0xFFFFFFFF  }
0xae: {  	s28 =	simm.s32 $_size_execute0_lowered;
	s6 =	sadd.s32 s6, s8;
	[dreg:$0x0] =	wrdreg $0x0  }
0xaf: {  	s8 =	sshll.u32 s28, $0x1;
	[dreg:$0x2] =	wrdreg s6  }
0xb0: {  	[dreg:$0x3] =	wrdreg s8  }
0xb1: {  	[dreg:$0x4] =	wrdreg $0xC0  }
0xb2: {  	_ =	task [dreg:s10], $0x5FFFF  }
0xb3: {  	[dreg:$0x1] =	wrdreg $0xFFFFFFFF  }
0xb4: {  	[dreg:$0x0] =	wrdreg $0x60  }
0xb5: {  	[dreg:$0x2] =	wrdreg s17  }
0xb6: {  	[dreg:$0x3] =	wrdreg s15  }
0xb7: {  	[dreg:$0x4] =	wrdreg s16  }
0xb8: {  	[dreg:$0x5] =	wrdreg s4  }
0xb9: {  	[dreg:$0x6] =	wrdreg s24  }
0xba: {  	[dreg:$0x7] =	wrdreg $0xA9800  }
0xbb: {  	[dreg:$0x8] =	wrdreg $0x9  }
0xbc: {  	_ =	task.clear_ibuf [dreg:s10], $0x9FFFF;
	_ =	strace $0x90000046  }
0xbd: {  	s29 =	simm.s32 $0x9;
	_ =	strace $0x80000048  }
0xbe: {  	_ =	swait.ge [sflag:s29], $0x1  }
0xbf: {  	[sflag:s29] =	ssyncadd.s32 $0xFFFFFFFF  }
0xc0: {  	_ =	strace $0x90000048  }
0xc1: {  	_ =	sfence  }
0xc2: {  	s30 =	sld [smem:$0x0];
	_ =	sdelay $0x2  }
0xc3: {  	s31 =	sshll.u32 s1, $0xD;
	s1 =	sshrl.u32 s1, $0x2  }
0xc4: {  	s3 =	sand.u32 $0x4000, s31;
	s1 =	sadd.s32 s1, s30  }
0xc5: {  	s0 =	sor.u32 s3, s0;
	s1 =	sshll.u32 s1, $0x11  }
0xc6: {  	s0 =	sor.u32 s1, s0  }
0xc7: {  	s0 =	sadd.s32 $0x8F2B, s0  }
0xc8: {  	[sflag:s0] =	ssyncadd.remote.s32 $0x1  }
0xc9: {  	_ =	sfence.sel $0xFFFF  }
0xca: {  	[dreg:$0x0] =	wrdreg $0xFFFFFFFF;
	(pc) =	sbr.abs _section_cstart, $3  }
0xcb: {  	[dreg:$0x1] =	wrdreg $0xFFFFFFFF  }
0xcc: {  	_ =	task.clear_ibuf [dreg:s10], $0x2FFFF;
	_ =	strace $0x9FFFFFFF  }
0xcd: {  	(tm) =	ssettm $0x7FFFFFFF  }
tec
execute0_lowered:
.L_overlay_start_1:
0x0: {  	(tag) =	ssettag $0x1  }
0x1: {  	s0 =	rddreg [dreg:$0x0]  }
0x2: {  	s3 =	rddreg [dreg:$0x1]  }
0x3: {  	s4 =	rddreg [dreg:$0x2]  }
0x4: {  	s5 =	rddreg [dreg:$0x3];
	s1 =	srdreg.scid  }
0x5: {  	s8 =	rddreg [dreg:$0x4];
	s18 =	stileid.u32;
	s28 =	simm.s32 $0x0  }
0x6: {  	s9 =	sand.u32 $0x1, s1;
	s10 =	sadd.s32 $0xDC00, s8;
	s11 =	smul.u32 $0x13800, s18  }
0x7: {  	s12 =	sadd.s32 $0x5BE00, s8;
	s6 =	sshll.u32 s18, $0x5;
	p1 =	sgt.u32 s18, $0x1  }
0x8: {  	p3 =	sne.s32 s18, $0xF;
	s1 =	ssub.s32 $0x2, s9;
	s13 =	smul.u32 $0x138800, s9  }
0x9: {  	s25 =	sor.u32 $0x200, s6;
	p0 =	sne.s32 s9, $0x0;
	p4 =	sne.s32 @!p1 s9, $0x0  }
0xa: {  	p2 =	seq.s32 s9, $0x0;
	p5 =	seq.s32 @!p1 s9, $0x0;
	s2 =	sshrl.u32 s1, $0x1  }
0xb: {  	s15 =	sadd.s32 $0x10000, s11;
	p4 =	por p4, p1;
	p5 =	por p5, p1  }
0xc: {  	s14 =	ssub.s32 s1, s2;
	s1 =	sadd.s32 s3, s6;
	s7 =	sshrl.u32 s13, $0x3  }
0xd: {  	s16 =	sadd.s32 s13, s15;
	s3 =	sadd.s32 s3, s25;
	s6 =	sadd.s32 s5, s6  }
0xe: {  	s19 =	sadd.s32 s13, s11;
	s2 =	sadd.s32 s0, s7;
	s16 =	sshrl.u32 s16, $0x3  }
0xf: {  	[dreg:$0x7] =	wrdreg s3;
	s29 =	sadd.s32 $0x27000, s7;
	s0 =	sadd.s32 s5, s25  }
0x10: {  	s7 =	sadd.s32 s4, s7;
	s26 =	sadd.s32 s10, s16;
	[dreg:$0xa] =	wrdreg s0  }
0x11: {  	s20 =	sshrl.u32 s19, $0x3;
	s17 =	sadd.s32 s10, s29;
	[dreg:$0x8] =	wrdreg s26  }
0x12: {  	s4 =	sadd.s32 $0x8000, s11;
	s21 =	sadd.s32 s12, s16;
	[dreg:$0x9] =	wrdreg s17  }
0x13: {  	s5 =	sadd.s32 $0xC000, s11;
	s3 =	sadd.s32 s12, s29;
	[dreg:$0xb] =	wrdreg s21  }
0x14: {  	s19 =	sadd.s32 $0x3400, s8;
	s22 =	sadd.s32 s10, s20;
	[dreg:$0xc] =	wrdreg s3  }
0x15: {  	s24 =	sadd.s32 s13, s4;
	s0 =	sadd.s32 s12, s20;
	[dreg:$0xd] =	wrdreg s22  }
0x16: {  	s3 =	sadd.s32 $0x4000, s11;
	s16 =	sshrl.u32 s24, $0x3;
	[dreg:$0x11] =	wrdreg s0  }
0x17: {  	s17 =	simm.s32 $0x0;
	s21 =	rddreg [dreg:$0x5];
	s22 =	smax.u32 s14, $0x1  }
0x18: {  	s14 =	simm.s32 $0x80;
	s23 =	sadd.s32 s13, s3;
	s13 =	sadd.s32 s13, s5  }
0x19: {  	s26 =	sadd.s32 s10, s16;
	[smem:$0x7FF] =	sst s17;
	s30 =	sadd.s32 s3, s21  }
0x1a: {  	s31 =	sadd.s32 s4, s21;
	s11 =	sshrl.u32 s23, $0x3;
	s13 =	sshrl.u32 s13, $0x3  }
0x1b: {  	[dreg:$0xf] =	wrdreg s26;
	s23 =	sadd.s32 $0x2E00, s8;
	s25 =	sadd.s32 s10, s11  }
0x1c: {  	s26 =	sadd.s32 $0x9C00, s1;
	s10 =	sadd.s32 s10, s13;
	[dreg:$0xe] =	wrdreg s25  }
0x1d: {  	s29 =	sadd.s32 s12, s11;
	s11 =	sadd.s32 s12, s13;
	[dreg:$0x10] =	wrdreg s10  }
0x1e: {  	s13 =	smul.u32 $0x4E000, s18;
	[dreg:$0x12] =	wrdreg s29;
	s10 =	sadd.s32 s12, s16  }
0x1f: {  	[dreg:$0x14] =	wrdreg s11;
	s12 =	smul.u32 $0x4F0, s18;
	s25 =	sadd.s32 s15, s21  }
0x20: {  	s29 =	sadd.s32 $0x9C00, s6;
	s11 =	simm.s32 $0x4;
	[dreg:$0x13] =	wrdreg s10  }
0x21: {  	s15 =	simm.s32 $0x100;
	_ =	strace $0x80000047;
	[dreg:$0x15] =	wrdreg s19  }
0x22: {  	s18 =	simm.s32 $0x1;
	s16 =	sshrl.u32 s13, $0x2;
	[dreg:$0x18] =	wrdreg s22  }
0x23: {  	s10 =	simm.s32 $0x200;
	s13 =	simm.s32 $0x3;
	[dreg:$0x19] =	wrdreg s26  }
0x24: {  	s0 =	sadd.s32 s12, s8;
	s24 =	sadd.s32 s16, s21;
	[dreg:$0x1a] =	wrdreg s29  }
0x25: {  	s16 =	simm.s32 $0x4200;
	s19 =	simm.s32 $0x2;
	s20 =	sadd.s32 $0x8C00, s0  }
0x26: {  	s26 =	simm.s32 $0x180;
	s0 =	sadd.s32 $0x3C00, s0;
	[dreg:$0x16] =	wrdreg s20  }
0x27: {  	s3 =	sadd.s32 $0x8000, s24;
	s4 =	sadd.s32 $0xC000, s24;
	[dreg:$0x17] =	wrdreg s0  }
0x28: {  	s20 =	sadd.s32 s5, s21;
	s0 =	sadd.s32 $0x4000, s24;
	s5 =	sadd.s32 $0x138000, s21  }
.LBB2_1:
0x29: {  	s8 =	rddreg [dreg:$0x15]  }
0x2a: {  	[tilespmem:s10], [sflag:$0x4] =	stream.linear.gather [hbm4b:s8+s17], $0x4000, $0x38;
	[tilespmem:$0x1E200] =	vst v63  }
0x2b: {  	_ =	swait.ge [sflag:s11], $0x4000  }
0x2c: {  	[sflag:s11] =	ssyncset.done $0x0  }
0x2d: {  	s22 =	simm.s32 $0x8200;
	[sflag:s11] =	ssyncadd.s32 $0xFFFFC000  }
0x2e: {  	[tilespmem:s22], [sflag:$0x4] =	stream.linear.gather [hbm4b:s23+s17], $0x2780, $0x38;
	[tilespmem:$0x1E200] =	vst v63  }
0x2f: {  	_ =	swait.ge [sflag:s11], $0x2780  }
0x30: {  	[sflag:s11] =	ssyncset.done $0x0  }
0x31: {  	[sflag:s11] =	ssyncadd.s32 $0xFFFFD880  }
0x32: {  	[spmem:s24] =	stream.linear.scatter [tilespmem:s10], [sflag:$0x3], $0x4000, $0x38;
	[tilespmem:$0x1E200] =	vst v63  }
0x33: {  	_ = 	snop  }
0x34: {  	[spmem:s0] =	stream.linear.scatter [tilespmem:s10], [sflag:$0x3], $0x4000, $0x38;
	[tilespmem:$0x1E200] =	vst v63  }
0x35: {  	_ = 	snop  }
0x36: {  	[spmem:s3] =	stream.linear.scatter [tilespmem:s10], [sflag:$0x3], $0x4000, $0x38;
	[tilespmem:$0x1E200] =	vst v63  }
0x37: {  	_ = 	snop  }
0x38: {  	[spmem:s4] =	stream.linear.scatter [tilespmem:s10], [sflag:$0x3], $0x4000, $0x38;
	[tilespmem:$0x1E200] =	vst v63  }
0x39: {  	_ = 	snop  }
0x3a: {  	[spmem:s25] =	stream.linear.scatter [tilespmem:s10], [sflag:$0x3], $0x3800, $0x38;
	[tilespmem:$0x1E200] =	vst v63  }
0x3b: {  	s12 =	simm.s32 @!p3 $0x200  }
0x3c: {  	[spmem:s5] =	stream.linear.scatter @!p3 [tilespmem:s12], [sflag:$0x3], $0x800, $0x38;
	[tilespmem:$0x1E200] =	vst v63  }
0x3d: {  	s12 =	simm.s32 @!p3 $0x3  }
0x3e: {  	_ =	swait.ge @!p3 [sflag:s12], $0x800  }
0x3f: {  	[sflag:s12] =	ssyncset.done @!p3 $0x0  }
0x40: {  	[sflag:s12] =	ssyncadd.s32 @!p3 $0xFFFFF800  }
0x41: {  	_ =	swait.ge [sflag:s13], $0x4000  }
0x42: {  	[sflag:s13] =	ssyncset.done $0x0  }
0x43: {  	[sflag:s13] =	ssyncadd.s32 $0xFFFFC000  }
0x44: {  	_ =	swait.ge [sflag:s13], $0x4000  }
0x45: {  	[sflag:s13] =	ssyncset.done $0x0  }
0x46: {  	[sflag:s13] =	ssyncadd.s32 $0xFFFFC000  }
0x47: {  	_ =	swait.ge [sflag:s13], $0x4000  }
0x48: {  	[sflag:s13] =	ssyncset.done $0x0  }
0x49: {  	[sflag:s13] =	ssyncadd.s32 $0xFFFFC000  }
0x4a: {  	_ =	swait.ge [sflag:s13], $0x4000  }
0x4b: {  	[sflag:s13] =	ssyncset.done $0x0  }
0x4c: {  	[sflag:s13] =	ssyncadd.s32 $0xFFFFC000  }
0x4d: {  	_ =	swait.ge [sflag:s13], $0x3800  }
0x4e: {  	[sflag:s13] =	ssyncset.done $0x0  }
0x4f: {  	[sflag:s13] =	ssyncadd.s32 $0xFFFFC800  }
0x50: {  	[bflag:$0x0] =	sbarrier.arrive $0xFFFF  }
0x51: {  	[tilespmem:s17], [sflag:$0x4] =	stream.linear.gather [hbm4b:s1+s17], $0x100, $0x38;
	[tilespmem:$0x1E200] =	vst v63  }
0x52: {  	_ =	swait.ge [sflag:s11], $0x100  }
0x53: {  	[sflag:s11] =	ssyncset.done $0x0  }
0x54: {  	[sflag:s11] =	ssyncadd.s32 $0xFFFFFF00  }
0x55: {  	[tilespmem:s10], [sflag:$0x1] =	stream.indirect.gather [hbm4b:s2+s14], $0x80, s17, s14, $0xb8;
	[tilespmem:$0x1E200] =	vst v63  }
0x56: {  	s29 =	rddreg [dreg:$0x7]  }
0x57: {  	[tilespmem:s15], [sflag:$0x4] =	stream.linear.gather [hbm4b:s29+s17], $0x100, $0x38;
	[tilespmem:$0x1E200] =	vst v63  }
0x58: {  	_ =	swait.ge [sflag:s11], $0x100  }
0x59: {  	[sflag:s11] =	ssyncset.done $0x0  }
0x5a: {  	s12 =	simm.s32 $0xFFFF6800;
	[sflag:s11] =	ssyncadd.s32 $0xFFFFFF00  }
0x5b: {  	[tilespmem:s16], [sflag:$0x2] =	stream.indirect.gather [hbm4b:s2+s14], $0x80, s15, s14, $0xb8;
	[tilespmem:$0x1E200] =	vst v63  }
.LBB2_2:
0x5c: {  	_ =	swait.ge [sflag:s18], $0x4000  }
0x5d: {  	[sflag:s18] =	ssyncset.done $0x0  }
0x5e: {  	[sflag:s18] =	ssyncadd.s32 $0xFFFFC000  }
0x5f: {  	[spmem:s21] =	stream.indirect.scatter.add.f32 [tilespmem:s10], [sflag:$0x4], $0x80, s14, s14, $0xb8;
	[tilespmem:$0x1E200] =	vst v63  }
0x60: {  	_ =	swait.ge [sflag:s11], $0x4000  }
0x61: {  	[sflag:s11] =	ssyncset.done $0x0  }
0x62: {  	[sflag:s11] =	ssyncadd.s32 $0xFFFFC000  }
0x63: {  	v1 =	vld @!p0 [tilespmem:$0x80];
	_ =	sdelay $0x6  }
0x64: {  	v0 =	vimm.f32 @!p0 $1.000000000e+00;
	s29 =	simm.s32 @!p0 $0x8200  }
0x65: {  	[tilespmem:v1+s29+$0x0] =	vst.idx.add.f32.msk @!p0 $0xffff, v0  }
0x66: {  	v1 =	vld @!p0 [tilespmem:$0x90];
	_ =	sdelay $0x7  }
0x67: {  	[tilespmem:v1+s29+$0x0] =	vst.idx.add.f32.msk @!p0 $0xffff, v0  }
0x68: {  	v1 =	vld @!p0 [tilespmem:$0xA0];
	_ =	sdelay $0x7  }
0x69: {  	[tilespmem:v1+s29+$0x0] =	vst.idx.add.f32.msk @!p0 $0xffff, v0  }
0x6a: {  	v1 =	vld @!p0 [tilespmem:$0xB0];
	_ =	sdelay $0x7  }
0x6b: {  	[tilespmem:v1+s29+$0x0] =	vst.idx.add.f32.msk @!p0 $0xffff, v0  }
0x6c: {  	v1 =	vld @!p0 [tilespmem:$0xC0];
	_ =	sdelay $0x7  }
0x6d: {  	[tilespmem:v1+s29+$0x0] =	vst.idx.add.f32.msk @!p0 $0xffff, v0  }
0x6e: {  	v1 =	vld @!p0 [tilespmem:$0xD0];
	_ =	sdelay $0x7  }
0x6f: {  	[tilespmem:v1+s29+$0x0] =	vst.idx.add.f32.msk @!p0 $0xffff, v0  }
0x70: {  	v1 =	vld @!p0 [tilespmem:$0xE0];
	_ =	sdelay $0x7  }
0x71: {  	[tilespmem:v1+s29+$0x0] =	vst.idx.add.f32.msk @!p0 $0xffff, v0  }
0x72: {  	v1 =	vld @!p0 [tilespmem:$0xF0];
	_ =	sdelay $0x6  }
0x73: {  	s8 =	sadd.s32 s12, s1  }
0x74: {  	s9 =	sadd.s32 $0x9C00, s8;
	[tilespmem:v1+s29+$0x0] =	vst.idx.add.f32.msk @!p0 $0xffff, v0  }
0x75: {  	[tilespmem:s17], [sflag:$0x4] =	stream.linear.gather [hbm4b:s9+s17], $0x100, $0x38;
	[tilespmem:$0x1E200] =	vst v63  }
0x76: {  	_ =	swait.ge [sflag:s11], $0x100  }
0x77: {  	[sflag:s11] =	ssyncset.done $0x0  }
0x78: {  	[sflag:s11] =	ssyncadd.s32 $0xFFFFFF00  }
0x79: {  	[tilespmem:s10], [sflag:$0x1] =	stream.indirect.gather [hbm4b:s2+s14], $0x80, s17, s14, $0xb8;
	[tilespmem:$0x1E200] =	vst v63  }
0x7a: {  	_ =	swait.ge [sflag:s19], $0x4000  }
0x7b: {  	[sflag:s19] =	ssyncset.done $0x0  }
0x7c: {  	[sflag:s19] =	ssyncadd.s32 $0xFFFFC000  }
0x7d: {  	[spmem:s21] =	stream.indirect.scatter.add.f32 [tilespmem:s16], [sflag:$0x4], $0x80, s26, s14, $0xb8;
	[tilespmem:$0x1E200] =	vst v63  }
0x7e: {  	_ =	swait.ge [sflag:s11], $0x4000  }
0x7f: {  	[sflag:s11] =	ssyncset.done $0x0  }
0x80: {  	[sflag:s11] =	ssyncadd.s32 $0xFFFFC000  }
0x81: {  	v1 =	vld @!p0 [tilespmem:$0x180];
	_ =	sdelay $0x7  }
0x82: {  	[tilespmem:v1+s29+$0x0] =	vst.idx.add.f32.msk @!p0 $0xffff, v0  }
0x83: {  	v1 =	vld @!p0 [tilespmem:$0x190];
	_ =	sdelay $0x7  }
0x84: {  	[tilespmem:v1+s29+$0x0] =	vst.idx.add.f32.msk @!p0 $0xffff, v0  }
0x85: {  	v1 =	vld @!p0 [tilespmem:$0x1A0];
	_ =	sdelay $0x7  }
0x86: {  	[tilespmem:v1+s29+$0x0] =	vst.idx.add.f32.msk @!p0 $0xffff, v0  }
0x87: {  	v1 =	vld @!p0 [tilespmem:$0x1B0];
	_ =	sdelay $0x7  }
0x88: {  	[tilespmem:v1+s29+$0x0] =	vst.idx.add.f32.msk @!p0 $0xffff, v0  }
0x89: {  	v1 =	vld @!p0 [tilespmem:$0x1C0];
	_ =	sdelay $0x7  }
0x8a: {  	[tilespmem:v1+s29+$0x0] =	vst.idx.add.f32.msk @!p0 $0xffff, v0  }
0x8b: {  	v1 =	vld @!p0 [tilespmem:$0x1D0];
	_ =	sdelay $0x7  }
0x8c: {  	[tilespmem:v1+s29+$0x0] =	vst.idx.add.f32.msk @!p0 $0xffff, v0  }
0x8d: {  	v1 =	vld @!p0 [tilespmem:$0x1E0];
	_ =	sdelay $0x7  }
0x8e: {  	[tilespmem:v1+s29+$0x0] =	vst.idx.add.f32.msk @!p0 $0xffff, v0  }
0x8f: {  	v1 =	vld @!p0 [tilespmem:$0x1F0];
	_ =	sdelay $0x6  }
0x90: {  	s12 =	sadd.s32 $0x400, s12  }
0x91: {  	s8 =	sadd.s32 $0x9E00, s8;
	p6 =	sne.s32 s12, $0x0;
	[tilespmem:v1+s29+$0x0] =	vst.idx.add.f32.msk @!p0 $0xffff, v0  }
0x92: {  	[tilespmem:s15], [sflag:$0x4] =	stream.linear.gather [hbm4b:s8+s17], $0x100, $0x38;
	[tilespmem:$0x1E200] =	vst v63  }
.Ltmp0:
0x93: {  	_ = 	snop;
	(pc) =	sbr.rel @p6 .LBB2_2-.Ltmp0, $4  }
0x94: {  	_ =	swait.ge [sflag:s11], $0x100  }
0x95: {  	[sflag:s11] =	ssyncset.done $0x0  }
0x96: {  	[sflag:s11] =	ssyncadd.s32 $0xFFFFFF00  }
0x97: {  	[tilespmem:s16], [sflag:$0x2] =	stream.indirect.gather [hbm4b:s2+s14], $0x80, s15, s14, $0xb8;
	[tilespmem:$0x1E200] =	vst v63  }
0x98: {  	_ =	swait.ge [sflag:s18], $0x4000  }
0x99: {  	[sflag:s18] =	ssyncset.done $0x0  }
0x9a: {  	[sflag:s18] =	ssyncadd.s32 $0xFFFFC000  }
0x9b: {  	[spmem:s21] =	stream.indirect.scatter.add.f32 [tilespmem:s10], [sflag:$0x4], $0x80, s14, s14, $0xb8;
	[tilespmem:$0x1E200] =	vst v63  }
0x9c: {  	_ =	swait.ge [sflag:s11], $0x4000  }
0x9d: {  	[sflag:s11] =	ssyncset.done $0x0  }
0x9e: {  	[sflag:s11] =	ssyncadd.s32 $0xFFFFC000  }
0x9f: {  	v1 =	vld @!p0 [tilespmem:$0x80];
	_ =	sdelay $0x7  }
0xa0: {  	[tilespmem:v1+s29+$0x0] =	vst.idx.add.f32.msk @!p0 $0xffff, v0  }
0xa1: {  	v1 =	vld @!p0 [tilespmem:$0x90];
	_ =	sdelay $0x7  }
0xa2: {  	[tilespmem:v1+s29+$0x0] =	vst.idx.add.f32.msk @!p0 $0xffff, v0  }
0xa3: {  	v1 =	vld @!p0 [tilespmem:$0xA0];
	_ =	sdelay $0x7  }
0xa4: {  	[tilespmem:v1+s29+$0x0] =	vst.idx.add.f32.msk @!p0 $0xffff, v0  }
0xa5: {  	v1 =	vld @!p0 [tilespmem:$0xB0];
	_ =	sdelay $0x7  }
0xa6: {  	[tilespmem:v1+s29+$0x0] =	vst.idx.add.f32.msk @!p0 $0xffff, v0  }
0xa7: {  	v1 =	vld @!p0 [tilespmem:$0xC0];
	_ =	sdelay $0x7  }
0xa8: {  	[tilespmem:v1+s29+$0x0] =	vst.idx.add.f32.msk @!p0 $0xffff, v0  }
0xa9: {  	v1 =	vld @!p0 [tilespmem:$0xD0];
	_ =	sdelay $0x7  }
0xaa: {  	[tilespmem:v1+s29+$0x0] =	vst.idx.add.f32.msk @!p0 $0xffff, v0  }
0xab: {  	v1 =	vld @!p0 [tilespmem:$0xE0];
	_ =	sdelay $0x7  }
0xac: {  	[tilespmem:v1+s29+$0x0] =	vst.idx.add.f32.msk @!p0 $0xffff, v0  }
0xad: {  	v1 =	vld @!p0 [tilespmem:$0xF0];
	_ =	sdelay $0x7  }
0xae: {  	s8 =	simm.s32 @!p1 $0x0;
	s9 =	rddreg [dreg:$0x19];
	[tilespmem:v1+s29+$0x0] =	vst.idx.add.f32.msk @!p0 $0xffff, v0  }
0xaf: {  	[tilespmem:s8], [sflag:$0x4] =	stream.linear.gather @!p1 [hbm4b:s9+s8], $0x100, $0x38;
	[tilespmem:$0x1E200] =	vst v63  }
0xb0: {  	s9 =	simm.s32 @!p1 $0x4  }
0xb1: {  	_ =	swait.ge @!p1 [sflag:s9], $0x100  }
0xb2: {  	[sflag:s9] =	ssyncset.done @!p1 $0x0  }
0xb3: {  	s12 =	simm.s32 @!p1 $0x80;
	s22 =	simm.s32 @!p1 $0x200;
	[sflag:s9] =	ssyncadd.s32 @!p1 $0xFFFFFF00  }
0xb4: {  	[tilespmem:s22], [sflag:$0x1] =	stream.indirect.gather @!p1 [hbm4b:s2+s12], $0x80, s8, s12, $0xb8;
	[tilespmem:$0x1E200] =	vst v63  }
0xb5: {  	_ =	swait.ge [sflag:s19], $0x4000  }
0xb6: {  	[sflag:s19] =	ssyncset.done $0x0  }
0xb7: {  	[sflag:s19] =	ssyncadd.s32 $0xFFFFC000  }
0xb8: {  	[spmem:s21] =	stream.indirect.scatter.add.f32 [tilespmem:s16], [sflag:$0x4], $0x80, s26, s14, $0xb8;
	[tilespmem:$0x1E200] =	vst v63  }
0xb9: {  	_ =	swait.ge [sflag:s11], $0x4000  }
0xba: {  	[sflag:s11] =	ssyncset.done $0x0  }
0xbb: {  	[sflag:s11] =	ssyncadd.s32 $0xFFFFC000  }
0xbc: {  	v1 =	vld @!p0 [tilespmem:$0x180];
	_ =	sdelay $0x7  }
0xbd: {  	[tilespmem:v1+s29+$0x0] =	vst.idx.add.f32.msk @!p0 $0xffff, v0  }
0xbe: {  	v1 =	vld @!p0 [tilespmem:$0x190];
	_ =	sdelay $0x7  }
0xbf: {  	[tilespmem:v1+s29+$0x0] =	vst.idx.add.f32.msk @!p0 $0xffff, v0  }
0xc0: {  	v1 =	vld @!p0 [tilespmem:$0x1A0];
	_ =	sdelay $0x7  }
0xc1: {  	[tilespmem:v1+s29+$0x0] =	vst.idx.add.f32.msk @!p0 $0xffff, v0  }
0xc2: {  	v1 =	vld @!p0 [tilespmem:$0x1B0];
	_ =	sdelay $0x7  }
0xc3: {  	[tilespmem:v1+s29+$0x0] =	vst.idx.add.f32.msk @!p0 $0xffff, v0  }
0xc4: {  	v1 =	vld @!p0 [tilespmem:$0x1C0];
	_ =	sdelay $0x7  }
0xc5: {  	[tilespmem:v1+s29+$0x0] =	vst.idx.add.f32.msk @!p0 $0xffff, v0  }
0xc6: {  	v1 =	vld @!p0 [tilespmem:$0x1D0];
	_ =	sdelay $0x7  }
0xc7: {  	[tilespmem:v1+s29+$0x0] =	vst.idx.add.f32.msk @!p0 $0xffff, v0  }
0xc8: {  	v1 =	vld @!p0 [tilespmem:$0x1E0];
	_ =	sdelay $0x7  }
0xc9: {  	[tilespmem:v1+s29+$0x0] =	vst.idx.add.f32.msk @!p0 $0xffff, v0  }
0xca: {  	v1 =	vld @!p0 [tilespmem:$0x1F0];
	_ =	sdelay $0x7  }
0xcb: {  	s8 =	simm.s32 @!p1 $0x1;
	[tilespmem:v1+s29+$0x0] =	vst.idx.add.f32.msk @!p0 $0xffff, v0  }
0xcc: {  	_ =	swait.ge @!p1 [sflag:s8], $0x4000  }
0xcd: {  	[sflag:s8] =	ssyncset.done @!p1 $0x0  }
0xce: {  	[sflag:s8] =	ssyncadd.s32 @!p1 $0xFFFFC000  }
0xcf: {  	[spmem:s21] =	stream.indirect.scatter.add.f32 @!p1 [tilespmem:s22], [sflag:$0x4], $0x80, s12, s12, $0xb8;
	[tilespmem:$0x1E200] =	vst v63  }
0xd0: {  	_ =	swait.ge @!p1 [sflag:s9], $0x4000  }
0xd1: {  	[sflag:s9] =	ssyncset.done @!p1 $0x0  }
0xd2: {  	[sflag:s9] =	ssyncadd.s32 @!p1 $0xFFFFC000  }
0xd3: {  	v0 =	vld @!p4 [tilespmem:$0x80];
	_ =	sdelay $0x6  }
0xd4: {  	v1 =	vimm.f32 @!p4 $1.000000000e+00;
	s8 =	simm.s32 @!p4 $0x8200  }
0xd5: {  	[tilespmem:v0+s8+$0x0] =	vst.idx.add.f32.msk @!p4 $0xffff, v1  }
0xd6: {  	v0 =	vld @!p4 [tilespmem:$0x90];
	_ =	sdelay $0x7  }
0xd7: {  	[tilespmem:v0+s8+$0x0] =	vst.idx.add.f32.msk @!p4 $0xffff, v1  }
0xd8: {  	v0 =	vld @!p4 [tilespmem:$0xA0];
	_ =	sdelay $0x7  }
0xd9: {  	[tilespmem:v0+s8+$0x0] =	vst.idx.add.f32.msk @!p4 $0xffff, v1  }
0xda: {  	v0 =	vld @!p4 [tilespmem:$0xB0];
	_ =	sdelay $0x7  }
0xdb: {  	[tilespmem:v0+s8+$0x0] =	vst.idx.add.f32.msk @!p4 $0xffff, v1  }
0xdc: {  	v0 =	vld @!p4 [tilespmem:$0xC0];
	_ =	sdelay $0x7  }
0xdd: {  	[tilespmem:v0+s8+$0x0] =	vst.idx.add.f32.msk @!p4 $0xffff, v1  }
0xde: {  	v0 =	vld @!p4 [tilespmem:$0xD0];
	_ =	sdelay $0x7  }
0xdf: {  	[tilespmem:v0+s8+$0x0] =	vst.idx.add.f32.msk @!p4 $0xffff, v1  }
0xe0: {  	v0 =	vld @!p4 [tilespmem:$0xE0];
	_ =	sdelay $0x7  }
0xe1: {  	[tilespmem:v0+s8+$0x0] =	vst.idx.add.f32.msk @!p4 $0xffff, v1  }
0xe2: {  	v0 =	vld @!p4 [tilespmem:$0xF0];
	_ =	sdelay $0x7  }
0xe3: {  	[tilespmem:v0+s8+$0x0] =	vst.idx.add.f32.msk @!p4 $0xffff, v1  }
0xe4: {  	[bflag:$0x0] =	sbarrier.arrive $0xFFFF  }
0xe5: {  	[tilespmem:s10], [sflag:$0x4] =	stream.linear.gather [spmem:s24], $0x4000, $0x38;
	[tilespmem:$0x1E200] =	vst v63  }
0xe6: {  	_ =	swait.ge [sflag:s11], $0x4000  }
0xe7: {  	[sflag:s11] =	ssyncset.done $0x0  }
0xe8: {  	s22 =	rddreg [dreg:$0xd];
	[sflag:s11] =	ssyncadd.s32 $0xFFFFC000  }
0xe9: {  	[hbm4b:s22+s17] =	stream.linear.scatter [tilespmem:s10], [sflag:$0x4], $0x4000, $0x38;
	[tilespmem:$0x1E200] =	vst v63  }
0xea: {  	_ =	swait.ge [sflag:s11], $0x4000  }
0xeb: {  	[sflag:s11] =	ssyncset.done $0x0  }
0xec: {  	[sflag:s11] =	ssyncadd.s32 $0xFFFFC000  }
0xed: {  	[tilespmem:s10], [sflag:$0x4] =	stream.linear.gather [spmem:s30], $0x4000, $0x38;
	[tilespmem:$0x1E200] =	vst v63  }
0xee: {  	_ =	swait.ge [sflag:s11], $0x4000  }
0xef: {  	[sflag:s11] =	ssyncset.done $0x0  }
0xf0: {  	s9 =	rddreg [dreg:$0xe];
	[sflag:s11] =	ssyncadd.s32 $0xFFFFC000  }
0xf1: {  	[hbm4b:s9+s17] =	stream.linear.scatter [tilespmem:s10], [sflag:$0x4], $0x4000, $0x38;
	[tilespmem:$0x1E200] =	vst v63  }
0xf2: {  	_ =	swait.ge [sflag:s11], $0x4000  }
0xf3: {  	[sflag:s11] =	ssyncset.done $0x0  }
0xf4: {  	[sflag:s11] =	ssyncadd.s32 $0xFFFFC000  }
0xf5: {  	[tilespmem:s10], [sflag:$0x4] =	stream.linear.gather [spmem:s31], $0x4000, $0x38;
	[tilespmem:$0x1E200] =	vst v63  }
0xf6: {  	_ =	swait.ge [sflag:s11], $0x4000  }
0xf7: {  	[sflag:s11] =	ssyncset.done $0x0  }
0xf8: {  	s12 =	rddreg [dreg:$0xf];
	[sflag:s11] =	ssyncadd.s32 $0xFFFFC000  }
0xf9: {  	[hbm4b:s12+s17] =	stream.linear.scatter [tilespmem:s10], [sflag:$0x4], $0x4000, $0x38;
	[tilespmem:$0x1E200] =	vst v63  }
0xfa: {  	_ =	swait.ge [sflag:s11], $0x4000  }
0xfb: {  	[sflag:s11] =	ssyncset.done $0x0  }
0xfc: {  	[sflag:s11] =	ssyncadd.s32 $0xFFFFC000  }
0xfd: {  	[tilespmem:s10], [sflag:$0x4] =	stream.linear.gather [spmem:s20], $0x4000, $0x38;
	[tilespmem:$0x1E200] =	vst v63  }
0xfe: {  	_ =	swait.ge [sflag:s11], $0x4000  }
0xff: {  	[sflag:s11] =	ssyncset.done $0x0  }
0x100: {  	s22 =	rddreg [dreg:$0x10];
	[sflag:s11] =	ssyncadd.s32 $0xFFFFC000  }
0x101: {  	[hbm4b:s22+s17] =	stream.linear.scatter [tilespmem:s10], [sflag:$0x4], $0x4000, $0x38;
	[tilespmem:$0x1E200] =	vst v63  }
0x102: {  	_ =	swait.ge [sflag:s11], $0x4000  }
0x103: {  	[sflag:s11] =	ssyncset.done $0x0  }
0x104: {  	[sflag:s11] =	ssyncadd.s32 $0xFFFFC000  }
0x105: {  	[tilespmem:s10], [sflag:$0x4] =	stream.linear.gather [spmem:s25], $0x3800, $0x38;
	[tilespmem:$0x1E200] =	vst v63  }
0x106: {  	_ =	swait.ge [sflag:s11], $0x3800  }
0x107: {  	[sflag:s11] =	ssyncset.done $0x0  }
0x108: {  	s9 =	rddreg [dreg:$0x8];
	[sflag:s11] =	ssyncadd.s32 $0xFFFFC800  }
0x109: {  	[hbm4b:s9+s17] =	stream.linear.scatter [tilespmem:s10], [sflag:$0x4], $0x3800, $0x38;
	[tilespmem:$0x1E200] =	vst v63  }
0x10a: {  	_ =	swait.ge [sflag:s11], $0x3800  }
0x10b: {  	[sflag:s11] =	ssyncset.done $0x0  }
0x10c: {  	s8 =	simm.s32 @!p3 $0x3A00;
	s9 =	simm.s32 @!p3 $0x4;
	[sflag:s11] =	ssyncadd.s32 $0xFFFFC800  }
0x10d: {  	[tilespmem:s8], [sflag:$0x4] =	stream.linear.gather @!p3 [spmem:s5], $0x800, $0x38;
	[tilespmem:$0x1E200] =	vst v63  }
0x10e: {  	_ =	swait.ge @!p3 [sflag:s9], $0x800  }
0x10f: {  	[sflag:s9] =	ssyncset.done @!p3 $0x0  }
0x110: {  	s12 =	simm.s32 @!p3 $0x0;
	s22 =	rddreg [dreg:$0x9];
	[sflag:s9] =	ssyncadd.s32 @!p3 $0xFFFFF800  }
0x111: {  	[hbm4b:s22+s12] =	stream.linear.scatter @!p3 [tilespmem:s8], [sflag:$0x4], $0x800, $0x38;
	[tilespmem:$0x1E200] =	vst v63  }
0x112: {  	_ =	swait.ge @!p3 [sflag:s9], $0x800  }
0x113: {  	[sflag:s9] =	ssyncset.done @!p3 $0x0  }
0x114: {  	s8 =	simm.s32 @!p0 $0x0;
	[sflag:s9] =	ssyncadd.s32 @!p3 $0xFFFFF800;
	s9 =	rddreg [dreg:$0x16]  }
0x115: {  	[hbm4b:s9+s8] =	stream.linear.scatter @!p0 [tilespmem:s29], [sflag:$0x4], $0x2780, $0x38;
	[tilespmem:$0x1E200] =	vst v63  }
0x116: {  	s8 =	simm.s32 @!p0 $0x4  }
0x117: {  	_ =	swait.ge @!p0 [sflag:s8], $0x2780  }
0x118: {  	[sflag:s8] =	ssyncset.done @!p0 $0x0  }
0x119: {  	s12 =	rddreg [dreg:$0x15];
	[sflag:s8] =	ssyncadd.s32 @!p0 $0xFFFFD880  }
0x11a: {  	[tilespmem:s10], [sflag:$0x4] =	stream.linear.gather [hbm4b:s12+s17], $0x4000, $0x38;
	[tilespmem:$0x1E200] =	vst v63  }
0x11b: {  	_ =	swait.ge [sflag:s11], $0x4000  }
0x11c: {  	[sflag:s11] =	ssyncset.done $0x0  }
0x11d: {  	s22 =	simm.s32 $0x8200;
	[sflag:s11] =	ssyncadd.s32 $0xFFFFC000  }
0x11e: {  	[tilespmem:s22], [sflag:$0x4] =	stream.linear.gather [hbm4b:s23+s17], $0x2780, $0x38;
	[tilespmem:$0x1E200] =	vst v63  }
0x11f: {  	_ =	swait.ge [sflag:s11], $0x2780  }
0x120: {  	[sflag:s11] =	ssyncset.done $0x0  }
0x121: {  	[sflag:s11] =	ssyncadd.s32 $0xFFFFD880  }
0x122: {  	[spmem:s24] =	stream.linear.scatter [tilespmem:s10], [sflag:$0x3], $0x4000, $0x38;
	[tilespmem:$0x1E200] =	vst v63  }
0x123: {  	_ = 	snop  }
0x124: {  	[spmem:s0] =	stream.linear.scatter [tilespmem:s10], [sflag:$0x3], $0x4000, $0x38;
	[tilespmem:$0x1E200] =	vst v63  }
0x125: {  	_ = 	snop  }
0x126: {  	[spmem:s3] =	stream.linear.scatter [tilespmem:s10], [sflag:$0x3], $0x4000, $0x38;
	[tilespmem:$0x1E200] =	vst v63  }
0x127: {  	_ = 	snop  }
0x128: {  	[spmem:s4] =	stream.linear.scatter [tilespmem:s10], [sflag:$0x3], $0x4000, $0x38;
	[tilespmem:$0x1E200] =	vst v63  }
0x129: {  	_ = 	snop  }
0x12a: {  	[spmem:s25] =	stream.linear.scatter [tilespmem:s10], [sflag:$0x3], $0x3800, $0x38;
	[tilespmem:$0x1E200] =	vst v63  }
0x12b: {  	s8 =	simm.s32 @!p3 $0x200  }
0x12c: {  	[spmem:s5] =	stream.linear.scatter @!p3 [tilespmem:s8], [sflag:$0x3], $0x800, $0x38;
	[tilespmem:$0x1E200] =	vst v63  }
0x12d: {  	s8 =	simm.s32 @!p3 $0x3  }
0x12e: {  	_ =	swait.ge @!p3 [sflag:s8], $0x800  }
0x12f: {  	[sflag:s8] =	ssyncset.done @!p3 $0x0  }
0x130: {  	[sflag:s8] =	ssyncadd.s32 @!p3 $0xFFFFF800  }
0x131: {  	_ =	swait.ge [sflag:s13], $0x4000  }
0x132: {  	[sflag:s13] =	ssyncset.done $0x0  }
0x133: {  	[sflag:s13] =	ssyncadd.s32 $0xFFFFC000  }
0x134: {  	_ =	swait.ge [sflag:s13], $0x4000  }
0x135: {  	[sflag:s13] =	ssyncset.done $0x0  }
0x136: {  	[sflag:s13] =	ssyncadd.s32 $0xFFFFC000  }
0x137: {  	_ =	swait.ge [sflag:s13], $0x4000  }
0x138: {  	[sflag:s13] =	ssyncset.done $0x0  }
0x139: {  	[sflag:s13] =	ssyncadd.s32 $0xFFFFC000  }
0x13a: {  	_ =	swait.ge [sflag:s13], $0x4000  }
0x13b: {  	[sflag:s13] =	ssyncset.done $0x0  }
0x13c: {  	[sflag:s13] =	ssyncadd.s32 $0xFFFFC000  }
0x13d: {  	_ =	swait.ge [sflag:s13], $0x3800  }
0x13e: {  	[sflag:s13] =	ssyncset.done $0x0  }
0x13f: {  	[sflag:s13] =	ssyncadd.s32 $0xFFFFC800  }
0x140: {  	[bflag:$0x0] =	sbarrier.arrive $0xFFFF  }
0x141: {  	[tilespmem:s17], [sflag:$0x4] =	stream.linear.gather [hbm4b:s6+s17], $0x100, $0x38;
	[tilespmem:$0x1E200] =	vst v63  }
0x142: {  	_ =	swait.ge [sflag:s11], $0x100  }
0x143: {  	[sflag:s11] =	ssyncset.done $0x0  }
0x144: {  	[sflag:s11] =	ssyncadd.s32 $0xFFFFFF00  }
0x145: {  	[tilespmem:s10], [sflag:$0x1] =	stream.indirect.gather [hbm4b:s7+s14], $0x80, s17, s14, $0xb8;
	[tilespmem:$0x1E200] =	vst v63  }
0x146: {  	s29 =	rddreg [dreg:$0xa]  }
0x147: {  	[tilespmem:s15], [sflag:$0x4] =	stream.linear.gather [hbm4b:s29+s17], $0x100, $0x38;
	[tilespmem:$0x1E200] =	vst v63  }
0x148: {  	_ =	swait.ge [sflag:s11], $0x100  }
0x149: {  	[sflag:s11] =	ssyncset.done $0x0  }
0x14a: {  	s12 =	simm.s32 $0xFFFF6800;
	[sflag:s11] =	ssyncadd.s32 $0xFFFFFF00  }
0x14b: {  	[tilespmem:s16], [sflag:$0x2] =	stream.indirect.gather [hbm4b:s7+s14], $0x80, s15, s14, $0xb8;
	[tilespmem:$0x1E200] =	vst v63  }
.LBB2_4:
0x14c: {  	_ =	swait.ge [sflag:s18], $0x4000  }
0x14d: {  	[sflag:s18] =	ssyncset.done $0x0  }
0x14e: {  	[sflag:s18] =	ssyncadd.s32 $0xFFFFC000  }
0x14f: {  	[spmem:s21] =	stream.indirect.scatter.add.f32 [tilespmem:s10], [sflag:$0x4], $0x80, s14, s14, $0xb8;
	[tilespmem:$0x1E200] =	vst v63  }
0x150: {  	_ =	swait.ge [sflag:s11], $0x4000  }
0x151: {  	[sflag:s11] =	ssyncset.done $0x0  }
0x152: {  	[sflag:s11] =	ssyncadd.s32 $0xFFFFC000  }
0x153: {  	v1 =	vld @!p2 [tilespmem:$0x80];
	_ =	sdelay $0x6  }
0x154: {  	v0 =	vimm.f32 @!p2 $1.000000000e+00;
	s29 =	simm.s32 @!p2 $0x8200  }
0x155: {  	[tilespmem:v1+s29+$0x0] =	vst.idx.add.f32.msk @!p2 $0xffff, v0  }
0x156: {  	v1 =	vld @!p2 [tilespmem:$0x90];
	_ =	sdelay $0x7  }
0x157: {  	[tilespmem:v1+s29+$0x0] =	vst.idx.add.f32.msk @!p2 $0xffff, v0  }
0x158: {  	v1 =	vld @!p2 [tilespmem:$0xA0];
	_ =	sdelay $0x7  }
0x159: {  	[tilespmem:v1+s29+$0x0] =	vst.idx.add.f32.msk @!p2 $0xffff, v0  }
0x15a: {  	v1 =	vld @!p2 [tilespmem:$0xB0];
	_ =	sdelay $0x7  }
0x15b: {  	[tilespmem:v1+s29+$0x0] =	vst.idx.add.f32.msk @!p2 $0xffff, v0  }
0x15c: {  	v1 =	vld @!p2 [tilespmem:$0xC0];
	_ =	sdelay $0x7  }
0x15d: {  	[tilespmem:v1+s29+$0x0] =	vst.idx.add.f32.msk @!p2 $0xffff, v0  }
0x15e: {  	v1 =	vld @!p2 [tilespmem:$0xD0];
	_ =	sdelay $0x7  }
0x15f: {  	[tilespmem:v1+s29+$0x0] =	vst.idx.add.f32.msk @!p2 $0xffff, v0  }
0x160: {  	v1 =	vld @!p2 [tilespmem:$0xE0];
	_ =	sdelay $0x7  }
0x161: {  	[tilespmem:v1+s29+$0x0] =	vst.idx.add.f32.msk @!p2 $0xffff, v0  }
0x162: {  	v1 =	vld @!p2 [tilespmem:$0xF0];
	_ =	sdelay $0x6  }
0x163: {  	s8 =	sadd.s32 s12, s6  }
0x164: {  	s9 =	sadd.s32 $0x9C00, s8;
	[tilespmem:v1+s29+$0x0] =	vst.idx.add.f32.msk @!p2 $0xffff, v0  }
0x165: {  	[tilespmem:s17], [sflag:$0x4] =	stream.linear.gather [hbm4b:s9+s17], $0x100, $0x38;
	[tilespmem:$0x1E200] =	vst v63  }
0x166: {  	_ =	swait.ge [sflag:s11], $0x100  }
0x167: {  	[sflag:s11] =	ssyncset.done $0x0  }
0x168: {  	[sflag:s11] =	ssyncadd.s32 $0xFFFFFF00  }
0x169: {  	[tilespmem:s10], [sflag:$0x1] =	stream.indirect.gather [hbm4b:s7+s14], $0x80, s17, s14, $0xb8;
	[tilespmem:$0x1E200] =	vst v63  }
0x16a: {  	_ =	swait.ge [sflag:s19], $0x4000  }
0x16b: {  	[sflag:s19] =	ssyncset.done $0x0  }
0x16c: {  	[sflag:s19] =	ssyncadd.s32 $0xFFFFC000  }
0x16d: {  	[spmem:s21] =	stream.indirect.scatter.add.f32 [tilespmem:s16], [sflag:$0x4], $0x80, s26, s14, $0xb8;
	[tilespmem:$0x1E200] =	vst v63  }
0x16e: {  	_ =	swait.ge [sflag:s11], $0x4000  }
0x16f: {  	[sflag:s11] =	ssyncset.done $0x0  }
0x170: {  	[sflag:s11] =	ssyncadd.s32 $0xFFFFC000  }
0x171: {  	v1 =	vld @!p2 [tilespmem:$0x180];
	_ =	sdelay $0x7  }
0x172: {  	[tilespmem:v1+s29+$0x0] =	vst.idx.add.f32.msk @!p2 $0xffff, v0  }
0x173: {  	v1 =	vld @!p2 [tilespmem:$0x190];
	_ =	sdelay $0x7  }
0x174: {  	[tilespmem:v1+s29+$0x0] =	vst.idx.add.f32.msk @!p2 $0xffff, v0  }
0x175: {  	v1 =	vld @!p2 [tilespmem:$0x1A0];
	_ =	sdelay $0x7  }
0x176: {  	[tilespmem:v1+s29+$0x0] =	vst.idx.add.f32.msk @!p2 $0xffff, v0  }
0x177: {  	v1 =	vld @!p2 [tilespmem:$0x1B0];
	_ =	sdelay $0x7  }
0x178: {  	[tilespmem:v1+s29+$0x0] =	vst.idx.add.f32.msk @!p2 $0xffff, v0  }
0x179: {  	v1 =	vld @!p2 [tilespmem:$0x1C0];
	_ =	sdelay $0x7  }
0x17a: {  	[tilespmem:v1+s29+$0x0] =	vst.idx.add.f32.msk @!p2 $0xffff, v0  }
0x17b: {  	v1 =	vld @!p2 [tilespmem:$0x1D0];
	_ =	sdelay $0x7  }
0x17c: {  	[tilespmem:v1+s29+$0x0] =	vst.idx.add.f32.msk @!p2 $0xffff, v0  }
0x17d: {  	v1 =	vld @!p2 [tilespmem:$0x1E0];
	_ =	sdelay $0x7  }
0x17e: {  	[tilespmem:v1+s29+$0x0] =	vst.idx.add.f32.msk @!p2 $0xffff, v0  }
0x17f: {  	v1 =	vld @!p2 [tilespmem:$0x1F0];
	_ =	sdelay $0x6  }
0x180: {  	s12 =	sadd.s32 $0x400, s12  }
0x181: {  	s8 =	sadd.s32 $0x9E00, s8;
	p6 =	sne.s32 s12, $0x0;
	[tilespmem:v1+s29+$0x0] =	vst.idx.add.f32.msk @!p2 $0xffff, v0  }
0x182: {  	[tilespmem:s15], [sflag:$0x4] =	stream.linear.gather [hbm4b:s8+s17], $0x100, $0x38;
	[tilespmem:$0x1E200] =	vst v63  }
.Ltmp1:
0x183: {  	_ = 	snop;
	(pc) =	sbr.rel @p6 .LBB2_4-.Ltmp1, $4  }
0x184: {  	_ =	swait.ge [sflag:s11], $0x100  }
0x185: {  	[sflag:s11] =	ssyncset.done $0x0  }
0x186: {  	[sflag:s11] =	ssyncadd.s32 $0xFFFFFF00  }
0x187: {  	[tilespmem:s16], [sflag:$0x2] =	stream.indirect.gather [hbm4b:s7+s14], $0x80, s15, s14, $0xb8;
	[tilespmem:$0x1E200] =	vst v63  }
0x188: {  	_ =	swait.ge [sflag:s18], $0x4000  }
0x189: {  	[sflag:s18] =	ssyncset.done $0x0  }
0x18a: {  	[sflag:s18] =	ssyncadd.s32 $0xFFFFC000  }
0x18b: {  	[spmem:s21] =	stream.indirect.scatter.add.f32 [tilespmem:s10], [sflag:$0x4], $0x80, s14, s14, $0xb8;
	[tilespmem:$0x1E200] =	vst v63  }
0x18c: {  	_ =	swait.ge [sflag:s11], $0x4000  }
0x18d: {  	[sflag:s11] =	ssyncset.done $0x0  }
0x18e: {  	[sflag:s11] =	ssyncadd.s32 $0xFFFFC000  }
0x18f: {  	v1 =	vld @!p2 [tilespmem:$0x80];
	_ =	sdelay $0x7  }
0x190: {  	[tilespmem:v1+s29+$0x0] =	vst.idx.add.f32.msk @!p2 $0xffff, v0  }
0x191: {  	v1 =	vld @!p2 [tilespmem:$0x90];
	_ =	sdelay $0x7  }
0x192: {  	[tilespmem:v1+s29+$0x0] =	vst.idx.add.f32.msk @!p2 $0xffff, v0  }
0x193: {  	v1 =	vld @!p2 [tilespmem:$0xA0];
	_ =	sdelay $0x7  }
0x194: {  	[tilespmem:v1+s29+$0x0] =	vst.idx.add.f32.msk @!p2 $0xffff, v0  }
0x195: {  	v1 =	vld @!p2 [tilespmem:$0xB0];
	_ =	sdelay $0x7  }
0x196: {  	[tilespmem:v1+s29+$0x0] =	vst.idx.add.f32.msk @!p2 $0xffff, v0  }
0x197: {  	v1 =	vld @!p2 [tilespmem:$0xC0];
	_ =	sdelay $0x7  }
0x198: {  	[tilespmem:v1+s29+$0x0] =	vst.idx.add.f32.msk @!p2 $0xffff, v0  }
0x199: {  	v1 =	vld @!p2 [tilespmem:$0xD0];
	_ =	sdelay $0x7  }
0x19a: {  	[tilespmem:v1+s29+$0x0] =	vst.idx.add.f32.msk @!p2 $0xffff, v0  }
0x19b: {  	v1 =	vld @!p2 [tilespmem:$0xE0];
	_ =	sdelay $0x7  }
0x19c: {  	[tilespmem:v1+s29+$0x0] =	vst.idx.add.f32.msk @!p2 $0xffff, v0  }
0x19d: {  	v1 =	vld @!p2 [tilespmem:$0xF0];
	_ =	sdelay $0x7  }
0x19e: {  	s8 =	simm.s32 @!p1 $0x0;
	s9 =	rddreg [dreg:$0x1a];
	[tilespmem:v1+s29+$0x0] =	vst.idx.add.f32.msk @!p2 $0xffff, v0  }
0x19f: {  	[tilespmem:s8], [sflag:$0x4] =	stream.linear.gather @!p1 [hbm4b:s9+s8], $0x100, $0x38;
	[tilespmem:$0x1E200] =	vst v63  }
0x1a0: {  	s9 =	simm.s32 @!p1 $0x4  }
0x1a1: {  	_ =	swait.ge @!p1 [sflag:s9], $0x100  }
0x1a2: {  	[sflag:s9] =	ssyncset.done @!p1 $0x0  }
0x1a3: {  	s12 =	simm.s32 @!p1 $0x80;
	s22 =	simm.s32 @!p1 $0x200;
	[sflag:s9] =	ssyncadd.s32 @!p1 $0xFFFFFF00  }
0x1a4: {  	[tilespmem:s22], [sflag:$0x1] =	stream.indirect.gather @!p1 [hbm4b:s7+s12], $0x80, s8, s12, $0xb8;
	[tilespmem:$0x1E200] =	vst v63  }
0x1a5: {  	_ =	swait.ge [sflag:s19], $0x4000  }
0x1a6: {  	[sflag:s19] =	ssyncset.done $0x0  }
0x1a7: {  	[sflag:s19] =	ssyncadd.s32 $0xFFFFC000  }
0x1a8: {  	[spmem:s21] =	stream.indirect.scatter.add.f32 [tilespmem:s16], [sflag:$0x4], $0x80, s26, s14, $0xb8;
	[tilespmem:$0x1E200] =	vst v63  }
0x1a9: {  	_ =	swait.ge [sflag:s11], $0x4000  }
0x1aa: {  	[sflag:s11] =	ssyncset.done $0x0  }
0x1ab: {  	[sflag:s11] =	ssyncadd.s32 $0xFFFFC000  }
0x1ac: {  	v1 =	vld @!p2 [tilespmem:$0x180];
	_ =	sdelay $0x7  }
0x1ad: {  	[tilespmem:v1+s29+$0x0] =	vst.idx.add.f32.msk @!p2 $0xffff, v0  }
0x1ae: {  	v1 =	vld @!p2 [tilespmem:$0x190];
	_ =	sdelay $0x7  }
0x1af: {  	[tilespmem:v1+s29+$0x0] =	vst.idx.add.f32.msk @!p2 $0xffff, v0  }
0x1b0: {  	v1 =	vld @!p2 [tilespmem:$0x1A0];
	_ =	sdelay $0x7  }
0x1b1: {  	[tilespmem:v1+s29+$0x0] =	vst.idx.add.f32.msk @!p2 $0xffff, v0  }
0x1b2: {  	v1 =	vld @!p2 [tilespmem:$0x1B0];
	_ =	sdelay $0x7  }
0x1b3: {  	[tilespmem:v1+s29+$0x0] =	vst.idx.add.f32.msk @!p2 $0xffff, v0  }
0x1b4: {  	v1 =	vld @!p2 [tilespmem:$0x1C0];
	_ =	sdelay $0x7  }
0x1b5: {  	[tilespmem:v1+s29+$0x0] =	vst.idx.add.f32.msk @!p2 $0xffff, v0  }
0x1b6: {  	v1 =	vld @!p2 [tilespmem:$0x1D0];
	_ =	sdelay $0x7  }
0x1b7: {  	[tilespmem:v1+s29+$0x0] =	vst.idx.add.f32.msk @!p2 $0xffff, v0  }
0x1b8: {  	v1 =	vld @!p2 [tilespmem:$0x1E0];
	_ =	sdelay $0x7  }
0x1b9: {  	[tilespmem:v1+s29+$0x0] =	vst.idx.add.f32.msk @!p2 $0xffff, v0  }
0x1ba: {  	v1 =	vld @!p2 [tilespmem:$0x1F0];
	_ =	sdelay $0x7  }
0x1bb: {  	s8 =	simm.s32 @!p1 $0x1;
	[tilespmem:v1+s29+$0x0] =	vst.idx.add.f32.msk @!p2 $0xffff, v0  }
0x1bc: {  	_ =	swait.ge @!p1 [sflag:s8], $0x4000  }
0x1bd: {  	[sflag:s8] =	ssyncset.done @!p1 $0x0  }
0x1be: {  	[sflag:s8] =	ssyncadd.s32 @!p1 $0xFFFFC000  }
0x1bf: {  	[spmem:s21] =	stream.indirect.scatter.add.f32 @!p1 [tilespmem:s22], [sflag:$0x4], $0x80, s12, s12, $0xb8;
	[tilespmem:$0x1E200] =	vst v63  }
0x1c0: {  	_ =	swait.ge @!p1 [sflag:s9], $0x4000  }
0x1c1: {  	[sflag:s9] =	ssyncset.done @!p1 $0x0  }
0x1c2: {  	[sflag:s9] =	ssyncadd.s32 @!p1 $0xFFFFC000  }
0x1c3: {  	v0 =	vld @!p5 [tilespmem:$0x80];
	_ =	sdelay $0x6  }
0x1c4: {  	v1 =	vimm.f32 @!p5 $1.000000000e+00;
	s8 =	simm.s32 @!p5 $0x8200  }
0x1c5: {  	[tilespmem:v0+s8+$0x0] =	vst.idx.add.f32.msk @!p5 $0xffff, v1  }
0x1c6: {  	v0 =	vld @!p5 [tilespmem:$0x90];
	_ =	sdelay $0x7  }
0x1c7: {  	[tilespmem:v0+s8+$0x0] =	vst.idx.add.f32.msk @!p5 $0xffff, v1  }
0x1c8: {  	v0 =	vld @!p5 [tilespmem:$0xA0];
	_ =	sdelay $0x7  }
0x1c9: {  	[tilespmem:v0+s8+$0x0] =	vst.idx.add.f32.msk @!p5 $0xffff, v1  }
0x1ca: {  	v0 =	vld @!p5 [tilespmem:$0xB0];
	_ =	sdelay $0x7  }
0x1cb: {  	[tilespmem:v0+s8+$0x0] =	vst.idx.add.f32.msk @!p5 $0xffff, v1  }
0x1cc: {  	v0 =	vld @!p5 [tilespmem:$0xC0];
	_ =	sdelay $0x7  }
0x1cd: {  	[tilespmem:v0+s8+$0x0] =	vst.idx.add.f32.msk @!p5 $0xffff, v1  }
0x1ce: {  	v0 =	vld @!p5 [tilespmem:$0xD0];
	_ =	sdelay $0x7  }
0x1cf: {  	[tilespmem:v0+s8+$0x0] =	vst.idx.add.f32.msk @!p5 $0xffff, v1  }
0x1d0: {  	v0 =	vld @!p5 [tilespmem:$0xE0];
	_ =	sdelay $0x7  }
0x1d1: {  	[tilespmem:v0+s8+$0x0] =	vst.idx.add.f32.msk @!p5 $0xffff, v1  }
0x1d2: {  	v0 =	vld @!p5 [tilespmem:$0xF0];
	_ =	sdelay $0x7  }
0x1d3: {  	[tilespmem:v0+s8+$0x0] =	vst.idx.add.f32.msk @!p5 $0xffff, v1  }
0x1d4: {  	[bflag:$0x0] =	sbarrier.arrive $0xFFFF  }
0x1d5: {  	[tilespmem:s10], [sflag:$0x4] =	stream.linear.gather [spmem:s24], $0x4000, $0x38;
	[tilespmem:$0x1E200] =	vst v63  }
0x1d6: {  	_ =	swait.ge [sflag:s11], $0x4000  }
0x1d7: {  	[sflag:s11] =	ssyncset.done $0x0  }
0x1d8: {  	s12 =	rddreg [dreg:$0x11];
	[sflag:s11] =	ssyncadd.s32 $0xFFFFC000  }
0x1d9: {  	[hbm4b:s12+s17] =	stream.linear.scatter [tilespmem:s10], [sflag:$0x4], $0x4000, $0x38;
	[tilespmem:$0x1E200] =	vst v63  }
0x1da: {  	_ =	swait.ge [sflag:s11], $0x4000  }
0x1db: {  	[sflag:s11] =	ssyncset.done $0x0  }
0x1dc: {  	[sflag:s11] =	ssyncadd.s32 $0xFFFFC000  }
0x1dd: {  	[tilespmem:s10], [sflag:$0x4] =	stream.linear.gather [spmem:s30], $0x4000, $0x38;
	[tilespmem:$0x1E200] =	vst v63  }
0x1de: {  	_ =	swait.ge [sflag:s11], $0x4000  }
0x1df: {  	[sflag:s11] =	ssyncset.done $0x0  }
0x1e0: {  	s22 =	rddreg [dreg:$0x12];
	[sflag:s11] =	ssyncadd.s32 $0xFFFFC000  }
0x1e1: {  	[hbm4b:s22+s17] =	stream.linear.scatter [tilespmem:s10], [sflag:$0x4], $0x4000, $0x38;
	[tilespmem:$0x1E200] =	vst v63  }
0x1e2: {  	_ =	swait.ge [sflag:s11], $0x4000  }
0x1e3: {  	[sflag:s11] =	ssyncset.done $0x0  }
0x1e4: {  	[sflag:s11] =	ssyncadd.s32 $0xFFFFC000  }
0x1e5: {  	[tilespmem:s10], [sflag:$0x4] =	stream.linear.gather [spmem:s31], $0x4000, $0x38;
	[tilespmem:$0x1E200] =	vst v63  }
0x1e6: {  	_ =	swait.ge [sflag:s11], $0x4000  }
0x1e7: {  	[sflag:s11] =	ssyncset.done $0x0  }
0x1e8: {  	s9 =	rddreg [dreg:$0x13];
	[sflag:s11] =	ssyncadd.s32 $0xFFFFC000  }
0x1e9: {  	[hbm4b:s9+s17] =	stream.linear.scatter [tilespmem:s10], [sflag:$0x4], $0x4000, $0x38;
	[tilespmem:$0x1E200] =	vst v63  }
0x1ea: {  	_ =	swait.ge [sflag:s11], $0x4000  }
0x1eb: {  	[sflag:s11] =	ssyncset.done $0x0  }
0x1ec: {  	[sflag:s11] =	ssyncadd.s32 $0xFFFFC000  }
0x1ed: {  	[tilespmem:s10], [sflag:$0x4] =	stream.linear.gather [spmem:s20], $0x4000, $0x38;
	[tilespmem:$0x1E200] =	vst v63  }
0x1ee: {  	_ =	swait.ge [sflag:s11], $0x4000  }
0x1ef: {  	[sflag:s11] =	ssyncset.done $0x0  }
0x1f0: {  	s12 =	rddreg [dreg:$0x14];
	[sflag:s11] =	ssyncadd.s32 $0xFFFFC000  }
0x1f1: {  	[hbm4b:s12+s17] =	stream.linear.scatter [tilespmem:s10], [sflag:$0x4], $0x4000, $0x38;
	[tilespmem:$0x1E200] =	vst v63  }
0x1f2: {  	_ =	swait.ge [sflag:s11], $0x4000  }
0x1f3: {  	[sflag:s11] =	ssyncset.done $0x0  }
0x1f4: {  	[sflag:s11] =	ssyncadd.s32 $0xFFFFC000  }
0x1f5: {  	[tilespmem:s10], [sflag:$0x4] =	stream.linear.gather [spmem:s25], $0x3800, $0x38;
	[tilespmem:$0x1E200] =	vst v63  }
0x1f6: {  	_ =	swait.ge [sflag:s11], $0x3800  }
0x1f7: {  	[sflag:s11] =	ssyncset.done $0x0  }
0x1f8: {  	s22 =	rddreg [dreg:$0xb];
	[sflag:s11] =	ssyncadd.s32 $0xFFFFC800  }
0x1f9: {  	[hbm4b:s22+s17] =	stream.linear.scatter [tilespmem:s10], [sflag:$0x4], $0x3800, $0x38;
	[tilespmem:$0x1E200] =	vst v63  }
0x1fa: {  	_ =	swait.ge [sflag:s11], $0x3800  }
0x1fb: {  	[sflag:s11] =	ssyncset.done $0x0  }
0x1fc: {  	s8 =	simm.s32 @!p3 $0x3A00;
	s9 =	simm.s32 @!p3 $0x4;
	[sflag:s11] =	ssyncadd.s32 $0xFFFFC800  }
0x1fd: {  	[tilespmem:s8], [sflag:$0x4] =	stream.linear.gather @!p3 [spmem:s5], $0x800, $0x38;
	[tilespmem:$0x1E200] =	vst v63  }
0x1fe: {  	_ =	swait.ge @!p3 [sflag:s9], $0x800  }
0x1ff: {  	[sflag:s9] =	ssyncset.done @!p3 $0x0  }
0x200: {  	s12 =	simm.s32 @!p3 $0x0;
	s22 =	rddreg [dreg:$0xc];
	[sflag:s9] =	ssyncadd.s32 @!p3 $0xFFFFF800  }
0x201: {  	[hbm4b:s22+s12] =	stream.linear.scatter @!p3 [tilespmem:s8], [sflag:$0x4], $0x800, $0x38;
	[tilespmem:$0x1E200] =	vst v63  }
0x202: {  	_ =	swait.ge @!p3 [sflag:s9], $0x800  }
0x203: {  	[sflag:s9] =	ssyncset.done @!p3 $0x0  }
0x204: {  	s8 =	simm.s32 @!p2 $0x0;
	[sflag:s9] =	ssyncadd.s32 @!p3 $0xFFFFF800;
	s9 =	rddreg [dreg:$0x17]  }
0x205: {  	[hbm4b:s9+s8] =	stream.linear.scatter @!p2 [tilespmem:s29], [sflag:$0x4], $0x2780, $0x38;
	[tilespmem:$0x1E200] =	vst v63  }
0x206: {  	s8 =	simm.s32 @!p2 $0x4  }
0x207: {  	_ =	swait.ge @!p2 [sflag:s8], $0x2780  }
0x208: {  	s28 =	sadd.s32 $0x1, s28;
	s29 =	rddreg [dreg:$0x18]  }
0x209: {  	p6 =	sne.s32 s28, s29  }
.Ltmp2:
0x20a: {  	_ = 	snop;
	(pc) =	sbr.rel @p6 .LBB2_1-.Ltmp2, $3  }
0x20b: {  	_ =	sdelay $0x1  }
0x20c: {  	[sflag:s8] =	ssyncset.done @!p2 $0x0  }
0x20d: {  	[sflag:s8] =	ssyncadd.s32 @!p2 $0xFFFFD880  }
0x20e: {  	_ =	sfence.sel $0x180000  }
0x20f: {  	[bflag:$0x0] =	sbarrier.arrive $0xFFFF  }
0x210: {  	_ =	strace $0x90000047  }
0x211: {  	s0 =	stileid.u32;
	[bflag:$0x2] =	sbarrier.arrive $0xFFFF  }
0x212: {  	p0 =	sne.s32 s0, $0x0;
	s0 =	rddreg [dreg:$0x6]  }
0x213: {  	s0 =	sadd.s32 @!p0 $0x100000, s0  }
0x214: {  	[sflag:s0] =	ssyncadd.tile.s32 @!p0 $0x1;
	_ =	shalt  }
.Lfunc_end2:
_tile_overlayer_lowered:
.L_overlay_start_2:
0x215: {  	(tag) =	ssettag $0x2  }
0x216: {  	s0 =	rddreg [dreg:$0x0];
	s2 =	stileid.u32  }
0x217: {  	s1 =	rddreg [dreg:$0x1];
	p0 =	sne.s32 s2, $0x0  }
0x218: {  	s3 =	rddreg [dreg:$0x2];
	[bflag:$0x3] =	sbarrier.arrive $0xFFFF;
	s2 =	simm.s32 @!p0 $0x1C04  }
0x219: {  	[timem:s3], [sflag:s2] =	dma.local @!p0 [hbm:s0], s1  }
0x21a: {  	s0 =	simm.s32 @!p0 $0x4  }
0x21b: {  	_ =	swait.ge @!p0 [sflag:s0], s1  }
0x21c: {  	s1 =	ssub.s32 @!p0 $0x0, s1;
	[sflag:s0] =	ssyncset.done @!p0 $0x0  }
0x21d: {  	[sflag:s0] =	ssyncadd.s32 @!p0 s1  }
0x21e: {  	[bflag:$0x3] =	sbarrier.arrive $0xFFFF  }
0x21f: {  	_ =	shalt  }

</sc_bundles>
